<compile_context>
chip_gen: v7x
topology: tpu7x:2x2x1
jax: 0.10.2.dev20260603
libtpu: 0.0.44.dev20260713+nightly
codegen_flags: <defaults>
</compile_context>

<pallas_src>
import functools
import numpy as np
import jax
import jax.numpy as jnp
from jax import lax
from jax.experimental import pallas as pl
from jax.experimental.pallas import tpu as pltpu
from jax.experimental.pallas import tpu_sc as plsc

_N = 4194304

_E1 = np.complex64(np.exp(1j * np.pi / 4))
_PHI = np.float64(np.float32(np.pi)) / 4.0
_K = (_E1.astype(np.complex128)
      * np.exp(-1j * _PHI)
      * np.exp(-1j * np.pi / 4))
_K_RE = np.float32(_K.real)

_NC = 2
_NS = 16
_NW = _NC * _NS
_PER_W = _N // _NW
_CHUNK = 16384
_NCHUNK = _PER_W // _CHUNK
_UNROLL = 16
_VECS = _CHUNK // (16 * _UNROLL)

_mesh = plsc.VectorSubcoreMesh(core_axis_name="c", subcore_axis_name="s")


@functools.partial(
    pl.kernel,
    mesh=_mesh,
    out_type=jax.ShapeDtypeStruct((_N,), jnp.float32),
    scratch_types=[
        pltpu.VMEM((_CHUNK,), jnp.float32),
        pltpu.VMEM((_CHUNK,), jnp.float32),
        pltpu.VMEM((_CHUNK,), jnp.float32),
        pltpu.VMEM((_CHUNK,), jnp.float32),
        pltpu.SemaphoreType.DMA,
        pltpu.SemaphoreType.DMA,
        pltpu.SemaphoreType.DMA,
        pltpu.SemaphoreType.DMA,
    ],
)
def _sc_scale(x_hbm, out_hbm, in0, in1, ot0, ot1, si0, si1, so0, so1):
    wid = lax.axis_index("s") * _NC + lax.axis_index("c")
    base = wid * _PER_W
    ibufs, obufs = (in0, in1), (ot0, ot1)
    isems, osems = (si0, si1), (so0, so1)

    def start_in(g):
        off = base + g * _CHUNK
        return pltpu.async_copy(
            x_hbm.at[pl.ds(off, _CHUNK)], ibufs[g % 2], isems[g % 2])

    def start_out(g):
        off = base + g * _CHUNK
        return pltpu.async_copy(
            obufs[g % 2], out_hbm.at[pl.ds(off, _CHUNK)], osems[g % 2])

    hs_in = {0: start_in(0), 1: start_in(1)}
    hs_out = {}
    for g in range(_NCHUNK):
        b = g % 2
        hs_in[g].wait()
        if g >= 2:
            hs_out[g - 2].wait()
        src, dst = ibufs[b], obufs[b]

        def body(i, _):
            for u in range(_UNROLL):
                sl = pl.ds(i * (16 * _UNROLL) + u * 16, 16)
                dst[sl] = src[sl] * _K_RE
            return 0

        lax.fori_loop(0, _VECS, body, 0)
        hs_out[g] = start_out(g)
        if g + 2 < _NCHUNK:
            hs_in[g + 2] = start_in(g + 2)
    hs_out[_NCHUNK - 2].wait()
    hs_out[_NCHUNK - 1].wait()


def kernel(x):
    a = _sc_scale(x)
    return jax.lax.complex(a, -a)

# --- scband reference (transcript-rebuilt; emitter-appended) ---
"""Pipeline reference for scband-viterbi-viterbi-14594298871986 (READ-ONLY COPY).

The authoritative reference and input builder live on the scoring server;
editing this copy changes nothing except your own understanding.
"""

import jax, jax.numpy as jnp
import numpy as np

WINDOW = 50
SYMMETRY = 4
N = 4194304

def setup_inputs(seed: int = 0) -> dict:
    key = jax.random.key(seed)
    x = jax.random.normal(key, (N,), dtype=jnp.float32)
    return {"x": x}

def reference(x):
    # torch: x = torch.squeeze(x); x = x * exp(1j*pi/symmetry)
    x = jnp.squeeze(x)
    x = (x * jnp.exp(1j * jnp.pi / SYMMETRY)).astype(jnp.complex64)
    # partition == 0 -> calc_partition returns (x, arange)
    y_sym = jnp.power(x, SYMMETRY)
    # time_axis_2 = nonzero(|y_sym| > 1e-5); normalize only those entries (gather + scatter-overwrite)
    mag = jnp.abs(y_sym)
    mask = mag > 1e-5
    safe_mag = jnp.where(mask, mag, jnp.ones_like(mag))
    y_sym = jnp.where(mask, y_sym / safe_mag, y_sym)
    # pad with window_length//2 zeros on both sides, cumsum, windowed sum via difference
    pad = jnp.zeros((WINDOW // 2,), dtype=y_sym.dtype)
    y_sym_pad = jnp.concatenate([pad, y_sym, pad])
    y_sym_sum = jnp.cumsum(y_sym_pad, axis=0)
    angle = jnp.angle(y_sym_sum[WINDOW:] - y_sym_sum[:-WINDOW])
    phase_est = (1.0 / SYMMETRY) * jnp.unwrap(angle)
    rx_corrected = x * jnp.exp(-1j * phase_est) * jnp.exp(-1j * jnp.pi / SYMMETRY)
    return rx_corrected

if __name__ == "__main__":
    import jax
    _d = setup_inputs()
    print(jax.jit(kernel)(*tuple(_d.values())))

</pallas_src>

<mosaic_0001>
#map = affine_map<(d0, d1) -> (0)>
module attributes {stable_mosaic.version = 14 : i64} {
  func.func @_sc_scale(%arg0: i32, %arg1: i32, %arg2: memref<4194304xf32, #tpu.memory_space<hbm>>, %arg3: memref<4194304xf32, #tpu.memory_space<hbm>>, %arg4: memref<16384xf32, #tpu.memory_space<vmem>>, %arg5: memref<16384xf32, #tpu.memory_space<vmem>>, %arg6: memref<16384xf32, #tpu.memory_space<vmem>>, %arg7: memref<16384xf32, #tpu.memory_space<vmem>>, %arg8: memref<!tpu.dma_semaphore, #tpu.memory_space<semaphore_mem>>, %arg9: memref<!tpu.dma_semaphore, #tpu.memory_space<semaphore_mem>>, %arg10: memref<!tpu.dma_semaphore, #tpu.memory_space<semaphore_mem>>, %arg11: memref<!tpu.dma_semaphore, #tpu.memory_space<semaphore_mem>>) attributes {dimension_semantics = [#tpu.dimension_semantics<core_parallel>, #tpu.dimension_semantics<subcore_parallel>], iteration_bounds = array<i64: 2, 16>, scalar_prefetch = 0 : i64, scratch_operands = 8 : i64, tpu.core_type = #tpu.core_type<sc_vector_subcore>, window_params = [{transform_indices = #map}, {transform_indices = #map}]} {
    %mul3A = arith.constant 2 : i32
    %mul3A_0 = arith.muli %arg1, %mul3A : i32
    %add3A = arith.addi %mul3A_0, %arg0 : i32
    %mul3A_1 = arith.constant 131072 : i32
    %mul3A_2 = arith.muli %add3A, %mul3A_1 : i32
    %add3A_3 = arith.constant 0 : i32
    %add3A_4 = arith.addi %mul3A_2, %add3A_3 : i32
    %dma_start3A = tpu.memref_slice %arg2[%add3A_4] : memref<4194304xf32, #tpu.memory_space<hbm>> -> memref<16384xf32, #tpu.memory_space<hbm>>
    %dma_start3A_5 = tpu.memref_slice %arg2[%add3A_4] : memref<4194304xf32, #tpu.memory_space<hbm>> -> memref<16384xf32, #tpu.memory_space<hbm>>
    tpu.enqueue_dma source(%dma_start3A_5 : memref<16384xf32, #tpu.memory_space<hbm>>) target(%arg4 : memref<16384xf32, #tpu.memory_space<vmem>>) target_semaphore(%arg8 : memref<!tpu.dma_semaphore, #tpu.memory_space<semaphore_mem>>)
    %add3A_6 = arith.constant 16384 : i32
    %add3A_7 = arith.addi %mul3A_2, %add3A_6 : i32
    %dma_start3A_8 = tpu.memref_slice %arg2[%add3A_7] : memref<4194304xf32, #tpu.memory_space<hbm>> -> memref<16384xf32, #tpu.memory_space<hbm>>
    %dma_start3A_9 = tpu.memref_slice %arg2[%add3A_7] : memref<4194304xf32, #tpu.memory_space<hbm>> -> memref<16384xf32, #tpu.memory_space<hbm>>
    tpu.enqueue_dma source(%dma_start3A_9 : memref<16384xf32, #tpu.memory_space<hbm>>) target(%arg5 : memref<16384xf32, #tpu.memory_space<vmem>>) target_semaphore(%arg9 : memref<!tpu.dma_semaphore, #tpu.memory_space<semaphore_mem>>)
    %dma_wait3A = tpu.memref_slice %arg2[%add3A_4] : memref<4194304xf32, #tpu.memory_space<hbm>> -> memref<16384xf32, #tpu.memory_space<hbm>>
    %dma_wait3A_10 = tpu.memref_slice %arg2[%add3A_4] : memref<4194304xf32, #tpu.memory_space<hbm>> -> memref<16384xf32, #tpu.memory_space<hbm>>
    tpu.wait_dma2 semaphore(%arg8 : memref<!tpu.dma_semaphore, #tpu.memory_space<semaphore_mem>>) src(%dma_wait3A_10 : memref<16384xf32, #tpu.memory_space<hbm>>) dst(%arg4 : memref<16384xf32, #tpu.memory_space<vmem>>)
    %scan3A = arith.constant 0 : i32
    %scan3A_11 = arith.constant 0 : i32
    %scan3A_12 = arith.constant 64 : i32
    %scan3A_13 = arith.addi %scan3A_11, %scan3A_12 : i32
    %scan3A_14 = arith.constant 1 : i32
    %scan3A_15 = scf.for %scan3A_152 = %scan3A_11 to %scan3A_13 step %scan3A_14 iter_args(%scan3A_153 = %scan3A) -> (i32)  : i32 {
      %mul3A_154 = arith.constant 256 : i32
      %mul3A_155 = arith.muli %scan3A_152, %mul3A_154 : i32
      %add3A_156 = arith.constant 0 : i32
      %add3A_157 = arith.addi %mul3A_155, %add3A_156 : i32
      %get3A = arith.index_cast %add3A_157 : i32 to index
      %get3A_158 = tpu.vector_load %arg4[%get3A] {strides = array<i32>} : memref<16384xf32, #tpu.memory_space<vmem>>, vector<16xf32>,
      %get3A_159 = vector.shape_cast %get3A_158 : vector<16xf32> to vector<16xf32>
      %mul3A_160 = arith.constant 0.707106769 : f32
      %mul3A_161 = vector.broadcast %mul3A_160 : f32 to vector<16xf32>
      %mul3A_162 = arith.mulf %get3A_159, %mul3A_161 : vector<16xf32>
      %swap3A = arith.index_cast %add3A_157 : i32 to index
      %swap3A_163 = tpu.vector_load %arg6[%swap3A] {strides = array<i32>} : memref<16384xf32, #tpu.memory_space<vmem>>, vector<16xf32>,
      %swap3A_164 = vector.shape_cast %swap3A_163 : vector<16xf32> to vector<16xf32>
      %swap3A_165 = vector.shape_cast %mul3A_162 : vector<16xf32> to vector<16xf32>
      tpu.vector_store %arg6[%swap3A], %swap3A_165 {strides = array<i32>} : memref<16384xf32, #tpu.memory_space<vmem>>, vector<16xf32>,
      %mul3A_166 = arith.constant 256 : i32
      %mul3A_167 = arith.muli %scan3A_152, %mul3A_166 : i32
      %add3A_168 = arith.constant 16 : i32
      %add3A_169 = arith.addi %mul3A_167, %add3A_168 : i32
      %get3A_170 = arith.index_cast %add3A_169 : i32 to index
      %get3A_171 = tpu.vector_load %arg4[%get3A_170] {strides = array<i32>} : memref<16384xf32, #tpu.memory_space<vmem>>, vector<16xf32>,
      %get3A_172 = vector.shape_cast %get3A_171 : vector<16xf32> to vector<16xf32>
      %mul3A_173 = arith.constant 0.707106769 : f32
      %mul3A_174 = vector.broadcast %mul3A_173 : f32 to vector<16xf32>
      %mul3A_175 = arith.mulf %get3A_172, %mul3A_174 : vector<16xf32>
      %swap3A_176 = arith.index_cast %add3A_169 : i32 to index
      %swap3A_177 = tpu.vector_load %arg6[%swap3A_176] {strides = array<i32>} : memref<16384xf32, #tpu.memory_space<vmem>>, vector<16xf32>,
      %swap3A_178 = vector.shape_cast %swap3A_177 : vector<16xf32> to vector<16xf32>
      %swap3A_179 = vector.shape_cast %mul3A_175 : vector<16xf32> to vector<16xf32>
      tpu.vector_store %arg6[%swap3A_176], %swap3A_179 {strides = array<i32>} : memref<16384xf32, #tpu.memory_space<vmem>>, vector<16xf32>,
      %mul3A_180 = arith.constant 256 : i32
      %mul3A_181 = arith.muli %scan3A_152, %mul3A_180 : i32
      %add3A_182 = arith.constant 32 : i32
      %add3A_183 = arith.addi %mul3A_181, %add3A_182 : i32
      %get3A_184 = arith.index_cast %add3A_183 : i32 to index
      %get3A_185 = tpu.vector_load %arg4[%get3A_184] {strides = array<i32>} : memref<16384xf32, #tpu.memory_space<vmem>>, vector<16xf32>,
      %get3A_186 = vector.shape_cast %get3A_185 : vector<16xf32> to vector<16xf32>
      %mul3A_187 = arith.constant 0.707106769 : f32
      %mul3A_188 = vector.broadcast %mul3A_187 : f32 to vector<16xf32>
      %mul3A_189 = arith.mulf %get3A_186, %mul3A_188 : vector<16xf32>
      %swap3A_190 = arith.index_cast %add3A_183 : i32 to index
      %swap3A_191 = tpu.vector_load %arg6[%swap3A_190] {strides = array<i32>} : memref<16384xf32, #tpu.memory_space<vmem>>, vector<16xf32>,
      %swap3A_192 = vector.shape_cast %swap3A_191 : vector<16xf32> to vector<16xf32>
      %swap3A_193 = vector.shape_cast %mul3A_189 : vector<16xf32> to vector<16xf32>
      tpu.vector_store %arg6[%swap3A_190], %swap3A_193 {strides = array<i32>} : memref<16384xf32, #tpu.memory_space<vmem>>, vector<16xf32>,
      %mul3A_194 = arith.constant 256 : i32
      %mul3A_195 = arith.muli %scan3A_152, %mul3A_194 : i32
      %add3A_196 = arith.constant 48 : i32
      %add3A_197 = arith.addi %mul3A_195, %add3A_196 : i32
      %get3A_198 = arith.index_cast %add3A_197 : i32 to index
      %get3A_199 = tpu.vector_load %arg4[%get3A_198] {strides = array<i32>} : memref<16384xf32, #tpu.memory_space<vmem>>, vector<16xf32>,
      %get3A_200 = vector.shape_cast %get3A_199 : vector<16xf32> to vector<16xf32>
      %mul3A_201 = arith.constant 0.707106769 : f32
      %mul3A_202 = vector.broadcast %mul3A_201 : f32 to vector<16xf32>
      %mul3A_203 = arith.mulf %get3A_200, %mul3A_202 : vector<16xf32>
      %swap3A_204 = arith.index_cast %add3A_197 : i32 to index
      %swap3A_205 = tpu.vector_load %arg6[%swap3A_204] {strides = array<i32>} : memref<16384xf32, #tpu.memory_space<vmem>>, vector<16xf32>,
      %swap3A_206 = vector.shape_cast %swap3A_205 : vector<16xf32> to vector<16xf32>
      %swap3A_207 = vector.shape_cast %mul3A_203 : vector<16xf32> to vector<16xf32>
      tpu.vector_store %arg6[%swap3A_204], %swap3A_207 {strides = array<i32>} : memref<16384xf32, #tpu.memory_space<vmem>>, vector<16xf32>,
      %mul3A_208 = arith.constant 256 : i32
      %mul3A_209 = arith.muli %scan3A_152, %mul3A_208 : i32
      %add3A_210 = arith.constant 64 : i32
      %add3A_211 = arith.addi %mul3A_209, %add3A_210 : i32
      %get3A_212 = arith.index_cast %add3A_211 : i32 to index
      %get3A_213 = tpu.vector_load %arg4[%get3A_212] {strides = array<i32>} : memref<16384xf32, #tpu.memory_space<vmem>>, vector<16xf32>,
      %get3A_214 = vector.shape_cast %get3A_213 : vector<16xf32> to vector<16xf32>
      %mul3A_215 = arith.constant 0.707106769 : f32
      %mul3A_216 = vector.broadcast %mul3A_215 : f32 to vector<16xf32>
      %mul3A_217 = arith.mulf %get3A_214, %mul3A_216 : vector<16xf32>
      %swap3A_218 = arith.index_cast %add3A_211 : i32 to index
      %swap3A_219 = tpu.vector_load %arg6[%swap3A_218] {strides = array<i32>} : memref<16384xf32, #tpu.memory_space<vmem>>, vector<16xf32>,
      %swap3A_220 = vector.shape_cast %swap3A_219 : vector<16xf32> to vector<16xf32>
      %swap3A_221 = vector.shape_cast %mul3A_217 : vector<16xf32> to vector<16xf32>
      tpu.vector_store %arg6[%swap3A_218], %swap3A_221 {strides = array<i32>} : memref<16384xf32, #tpu.memory_space<vmem>>, vector<16xf32>,
      %mul3A_222 = arith.constant 256 : i32
      %mul3A_223 = arith.muli %scan3A_152, %mul3A_222 : i32
      %add3A_224 = arith.constant 80 : i32
      %add3A_225 = arith.addi %mul3A_223, %add3A_224 : i32
      %get3A_226 = arith.index_cast %add3A_225 : i32 to index
      %get3A_227 = tpu.vector_load %arg4[%get3A_226] {strides = array<i32>} : memref<16384xf32, #tpu.memory_space<vmem>>, vector<16xf32>,
      %get3A_228 = vector.shape_cast %get3A_227 : vector<16xf32> to vector<16xf32>
      %mul3A_229 = arith.constant 0.707106769 : f32
      %mul3A_230 = vector.broadcast %mul3A_229 : f32 to vector<16xf32>
      %mul3A_231 = arith.mulf %get3A_228, %mul3A_230 : vector<16xf32>
      %swap3A_232 = arith.index_cast %add3A_225 : i32 to index
      %swap3A_233 = tpu.vector_load %arg6[%swap3A_232] {strides = array<i32>} : memref<16384xf32, #tpu.memory_space<vmem>>, vector<16xf32>,
      %swap3A_234 = vector.shape_cast %swap3A_233 : vector<16xf32> to vector<16xf32>
      %swap3A_235 = vector.shape_cast %mul3A_231 : vector<16xf32> to vector<16xf32>
      tpu.vector_store %arg6[%swap3A_232], %swap3A_235 {strides = array<i32>} : memref<16384xf32, #tpu.memory_space<vmem>>, vector<16xf32>,
      %mul3A_236 = arith.constant 256 : i32
      %mul3A_237 = arith.muli %scan3A_152, %mul3A_236 : i32
      %add3A_238 = arith.constant 96 : i32
      %add3A_239 = arith.addi %mul3A_237, %add3A_238 : i32
      %get3A_240 = arith.index_cast %add3A_239 : i32 to index
      %get3A_241 = tpu.vector_load %arg4[%get3A_240] {strides = array<i32>} : memref<16384xf32, #tpu.memory_space<vmem>>, vector<16xf32>,
      %get3A_242 = vector.shape_cast %get3A_241 : vector<16xf32> to vector<16xf32>
      %mul3A_243 = arith.constant 0.707106769 : f32
      %mul3A_244 = vector.broadcast %mul3A_243 : f32 to vector<16xf32>
      %mul3A_245 = arith.mulf %get3A_242, %mul3A_244 : vector<16xf32>
      %swap3A_246 = arith.index_cast %add3A_239 : i32 to index
      %swap3A_247 = tpu.vector_load %arg6[%swap3A_246] {strides = array<i32>} : memref<16384xf32, #tpu.memory_space<vmem>>, vector<16xf32>,
      %swap3A_248 = vector.shape_cast %swap3A_247 : vector<16xf32> to vector<16xf32>
      %swap3A_249 = vector.shape_cast %mul3A_245 : vector<16xf32> to vector<16xf32>
      tpu.vector_store %arg6[%swap3A_246], %swap3A_249 {strides = array<i32>} : memref<16384xf32, #tpu.memory_space<vmem>>, vector<16xf32>,
      %mul3A_250 = arith.constant 256 : i32
      %mul3A_251 = arith.muli %scan3A_152, %mul3A_250 : i32
      %add3A_252 = arith.constant 112 : i32
      %add3A_253 = arith.addi %mul3A_251, %add3A_252 : i32
      %get3A_254 = arith.index_cast %add3A_253 : i32 to index
      %get3A_255 = tpu.vector_load %arg4[%get3A_254] {strides = array<i32>} : memref<16384xf32, #tpu.memory_space<vmem>>, vector<16xf32>,
      %get3A_256 = vector.shape_cast %get3A_255 : vector<16xf32> to vector<16xf32>
      %mul3A_257 = arith.constant 0.707106769 : f32
      %mul3A_258 = vector.broadcast %mul3A_257 : f32 to vector<16xf32>
      %mul3A_259 = arith.mulf %get3A_256, %mul3A_258 : vector<16xf32>
      %swap3A_260 = arith.index_cast %add3A_253 : i32 to index
      %swap3A_261 = tpu.vector_load %arg6[%swap3A_260] {strides = array<i32>} : memref<16384xf32, #tpu.memory_space<vmem>>, vector<16xf32>,
      %swap3A_262 = vector.shape_cast %swap3A_261 : vector<16xf32> to vector<16xf32>
      %swap3A_263 = vector.shape_cast %mul3A_259 : vector<16xf32> to vector<16xf32>
      tpu.vector_store %arg6[%swap3A_260], %swap3A_263 {strides = array<i32>} : memref<16384xf32, #tpu.memory_space<vmem>>, vector<16xf32>,
      %mul3A_264 = arith.constant 256 : i32
      %mul3A_265 = arith.muli %scan3A_152, %mul3A_264 : i32
      %add3A_266 = arith.constant 128 : i32
      %add3A_267 = arith.addi %mul3A_265, %add3A_266 : i32
      %get3A_268 = arith.index_cast %add3A_267 : i32 to index
      %get3A_269 = tpu.vector_load %arg4[%get3A_268] {strides = array<i32>} : memref<16384xf32, #tpu.memory_space<vmem>>, vector<16xf32>,
      %get3A_270 = vector.shape_cast %get3A_269 : vector<16xf32> to vector<16xf32>
      %mul3A_271 = arith.constant 0.707106769 : f32
      %mul3A_272 = vector.broadcast %mul3A_271 : f32 to vector<16xf32>
      %mul3A_273 = arith.mulf %get3A_270, %mul3A_272 : vector<16xf32>
      %swap3A_274 = arith.index_cast %add3A_267 : i32 to index
      %swap3A_275 = tpu.vector_load %arg6[%swap3A_274] {strides = array<i32>} : memref<16384xf32, #tpu.memory_space<vmem>>, vector<16xf32>,
      %swap3A_276 = vector.shape_cast %swap3A_275 : vector<16xf32> to vector<16xf32>
      %swap3A_277 = vector.shape_cast %mul3A_273 : vector<16xf32> to vector<16xf32>
      tpu.vector_store %arg6[%swap3A_274], %swap3A_277 {strides = array<i32>} : memref<16384xf32, #tpu.memory_space<vmem>>, vector<16xf32>,
      %mul3A_278 = arith.constant 256 : i32
      %mul3A_279 = arith.muli %scan3A_152, %mul3A_278 : i32
      %add3A_280 = arith.constant 144 : i32
      %add3A_281 = arith.addi %mul3A_279, %add3A_280 : i32
      %get3A_282 = arith.index_cast %add3A_281 : i32 to index
      %get3A_283 = tpu.vector_load %arg4[%get3A_282] {strides = array<i32>} : memref<16384xf32, #tpu.memory_space<vmem>>, vector<16xf32>,
      %get3A_284 = vector.shape_cast %get3A_283 : vector<16xf32> to vector<16xf32>
      %mul3A_285 = arith.constant 0.707106769 : f32
      %mul3A_286 = vector.broadcast %mul3A_285 : f32 to vector<16xf32>
      %mul3A_287 = arith.mulf %get3A_284, %mul3A_286 : vector<16xf32>
      %swap3A_288 = arith.index_cast %add3A_281 : i32 to index
      %swap3A_289 = tpu.vector_load %arg6[%swap3A_288] {strides = array<i32>} : memref<16384xf32, #tpu.memory_space<vmem>>, vector<16xf32>,
      %swap3A_290 = vector.shape_cast %swap3A_289 : vector<16xf32> to vector<16xf32>
      %swap3A_291 = vector.shape_cast %mul3A_287 : vector<16xf32> to vector<16xf32>
      tpu.vector_store %arg6[%swap3A_288], %swap3A_291 {strides = array<i32>} : memref<16384xf32, #tpu.memory_space<vmem>>, vector<16xf32>,
      %mul3A_292 = arith.constant 256 : i32
      %mul3A_293 = arith.muli %scan3A_152, %mul3A_292 : i32
      %add3A_294 = arith.constant 160 : i32
      %add3A_295 = arith.addi %mul3A_293, %add3A_294 : i32
      %get3A_296 = arith.index_cast %add3A_295 : i32 to index
      %get3A_297 = tpu.vector_load %arg4[%get3A_296] {strides = array<i32>} : memref<16384xf32, #tpu.memory_space<vmem>>, vector<16xf32>,
      %get3A_298 = vector.shape_cast %get3A_297 : vector<16xf32> to vector<16xf32>
      %mul3A_299 = arith.constant 0.707106769 : f32
      %mul3A_300 = vector.broadcast %mul3A_299 : f32 to vector<16xf32>
      %mul3A_301 = arith.mulf %get3A_298, %mul3A_300 : vector<16xf32>
      %swap3A_302 = arith.index_cast %add3A_295 : i32 to index
      %swap3A_303 = tpu.vector_load %arg6[%swap3A_302] {strides = array<i32>} : memref<16384xf32, #tpu.memory_space<vmem>>, vector<16xf32>,
      %swap3A_304 = vector.shape_cast %swap3A_303 : vector<16xf32> to vector<16xf32>
      %swap3A_305 = vector.shape_cast %mul3A_301 : vector<16xf32> to vector<16xf32>
      tpu.vector_store %arg6[%swap3A_302], %swap3A_305 {strides = array<i32>} : memref<16384xf32, #tpu.memory_space<vmem>>, vector<16xf32>,
      %mul3A_306 = arith.constant 256 : i32
      %mul3A_307 = arith.muli %scan3A_152, %mul3A_306 : i32
      %add3A_308 = arith.constant 176 : i32
      %add3A_309 = arith.addi %mul3A_307, %add3A_308 : i32
      %get3A_310 = arith.index_cast %add3A_309 : i32 to index
      %get3A_311 = tpu.vector_load %arg4[%get3A_310] {strides = array<i32>} : memref<16384xf32, #tpu.memory_space<vmem>>, vector<16xf32>,
      %get3A_312 = vector.shape_cast %get3A_311 : vector<16xf32> to vector<16xf32>
      %mul3A_313 = arith.constant 0.707106769 : f32
      %mul3A_314 = vector.broadcast %mul3A_313 : f32 to vector<16xf32>
      %mul3A_315 = arith.mulf %get3A_312, %mul3A_314 : vector<16xf32>
      %swap3A_316 = arith.index_cast %add3A_309 : i32 to index
      %swap3A_317 = tpu.vector_load %arg6[%swap3A_316] {strides = array<i32>} : memref<16384xf32, #tpu.memory_space<vmem>>, vector<16xf32>,
      %swap3A_318 = vector.shape_cast %swap3A_317 : vector<16xf32> to vector<16xf32>
      %swap3A_319 = vector.shape_cast %mul3A_315 : vector<16xf32> to vector<16xf32>
      tpu.vector_store %arg6[%swap3A_316], %swap3A_319 {strides = array<i32>} : memref<16384xf32, #tpu.memory_space<vmem>>, vector<16xf32>,
      %mul3A_320 = arith.constant 256 : i32
      %mul3A_321 = arith.muli %scan3A_152, %mul3A_320 : i32
      %add3A_322 = arith.constant 192 : i32
      %add3A_323 = arith.addi %mul3A_321, %add3A_322 : i32
      %get3A_324 = arith.index_cast %add3A_323 : i32 to index
      %get3A_325 = tpu.vector_load %arg4[%get3A_324] {strides = array<i32>} : memref<16384xf32, #tpu.memory_space<vmem>>, vector<16xf32>,
      %get3A_326 = vector.shape_cast %get3A_325 : vector<16xf32> to vector<16xf32>
      %mul3A_327 = arith.constant 0.707106769 : f32
      %mul3A_328 = vector.broadcast %mul3A_327 : f32 to vector<16xf32>
      %mul3A_329 = arith.mulf %get3A_326, %mul3A_328 : vector<16xf32>
      %swap3A_330 = arith.index_cast %add3A_323 : i32 to index
      %swap3A_331 = tpu.vector_load %arg6[%swap3A_330] {strides = array<i32>} : memref<16384xf32, #tpu.memory_space<vmem>>, vector<16xf32>,
      %swap3A_332 = vector.shape_cast %swap3A_331 : vector<16xf32> to vector<16xf32>
      %swap3A_333 = vector.shape_cast %mul3A_329 : vector<16xf32> to vector<16xf32>
      tpu.vector_store %arg6[%swap3A_330], %swap3A_333 {strides = array<i32>} : memref<16384xf32, #tpu.memory_space<vmem>>, vector<16xf32>,
      %mul3A_334 = arith.constant 256 : i32
      %mul3A_335 = arith.muli %scan3A_152, %mul3A_334 : i32
      %add3A_336 = arith.constant 208 : i32
      %add3A_337 = arith.addi %mul3A_335, %add3A_336 : i32
      %get3A_338 = arith.index_cast %add3A_337 : i32 to index
      %get3A_339 = tpu.vector_load %arg4[%get3A_338] {strides = array<i32>} : memref<16384xf32, #tpu.memory_space<vmem>>, vector<16xf32>,
      %get3A_340 = vector.shape_cast %get3A_339 : vector<16xf32> to vector<16xf32>
      %mul3A_341 = arith.constant 0.707106769 : f32
      %mul3A_342 = vector.broadcast %mul3A_341 : f32 to vector<16xf32>
      %mul3A_343 = arith.mulf %get3A_340, %mul3A_342 : vector<16xf32>
      %swap3A_344 = arith.index_cast %add3A_337 : i32 to index
      %swap3A_345 = tpu.vector_load %arg6[%swap3A_344] {strides = array<i32>} : memref<16384xf32, #tpu.memory_space<vmem>>, vector<16xf32>,
      %swap3A_346 = vector.shape_cast %swap3A_345 : vector<16xf32> to vector<16xf32>
      %swap3A_347 = vector.shape_cast %mul3A_343 : vector<16xf32> to vector<16xf32>
      tpu.vector_store %arg6[%swap3A_344], %swap3A_347 {strides = array<i32>} : memref<16384xf32, #tpu.memory_space<vmem>>, vector<16xf32>,
      %mul3A_348 = arith.constant 256 : i32
      %mul3A_349 = arith.muli %scan3A_152, %mul3A_348 : i32
      %add3A_350 = arith.constant 224 : i32
      %add3A_351 = arith.addi %mul3A_349, %add3A_350 : i32
      %get3A_352 = arith.index_cast %add3A_351 : i32 to index
      %get3A_353 = tpu.vector_load %arg4[%get3A_352] {strides = array<i32>} : memref<16384xf32, #tpu.memory_space<vmem>>, vector<16xf32>,
      %get3A_354 = vector.shape_cast %get3A_353 : vector<16xf32> to vector<16xf32>
      %mul3A_355 = arith.constant 0.707106769 : f32
      %mul3A_356 = vector.broadcast %mul3A_355 : f32 to vector<16xf32>
      %mul3A_357 = arith.mulf %get3A_354, %mul3A_356 : vector<16xf32>
      %swap3A_358 = arith.index_cast %add3A_351 : i32 to index
      %swap3A_359 = tpu.vector_load %arg6[%swap3A_358] {strides = array<i32>} : memref<16384xf32, #tpu.memory_space<vmem>>, vector<16xf32>,
      %swap3A_360 = vector.shape_cast %swap3A_359 : vector<16xf32> to vector<16xf32>
      %swap3A_361 = vector.shape_cast %mul3A_357 : vector<16xf32> to vector<16xf32>
      tpu.vector_store %arg6[%swap3A_358], %swap3A_361 {strides = array<i32>} : memref<16384xf32, #tpu.memory_space<vmem>>, vector<16xf32>,
      %mul3A_362 = arith.constant 256 : i32
      %mul3A_363 = arith.muli %scan3A_152, %mul3A_362 : i32
      %add3A_364 = arith.constant 240 : i32
      %add3A_365 = arith.addi %mul3A_363, %add3A_364 : i32
      %get3A_366 = arith.index_cast %add3A_365 : i32 to index
      %get3A_367 = tpu.vector_load %arg4[%get3A_366] {strides = array<i32>} : memref<16384xf32, #tpu.memory_space<vmem>>, vector<16xf32>,
      %get3A_368 = vector.shape_cast %get3A_367 : vector<16xf32> to vector<16xf32>
      %mul3A_369 = arith.constant 0.707106769 : f32
      %mul3A_370 = vector.broadcast %mul3A_369 : f32 to vector<16xf32>
      %mul3A_371 = arith.mulf %get3A_368, %mul3A_370 : vector<16xf32>
      %swap3A_372 = arith.index_cast %add3A_365 : i32 to index
      %swap3A_373 = tpu.vector_load %arg6[%swap3A_372] {strides = array<i32>} : memref<16384xf32, #tpu.memory_space<vmem>>, vector<16xf32>,
      %swap3A_374 = vector.shape_cast %swap3A_373 : vector<16xf32> to vector<16xf32>
      %swap3A_375 = vector.shape_cast %mul3A_371 : vector<16xf32> to vector<16xf32>
      tpu.vector_store %arg6[%swap3A_372], %swap3A_375 {strides = array<i32>} : memref<16384xf32, #tpu.memory_space<vmem>>, vector<16xf32>,
      %scan3A_376 = arith.constant 0 : i32
      scf.yield %scan3A_376 : i32
    }
    %scan3A_16 = arith.constant 64 : i32
    %add3A_17 = arith.constant 0 : i32
    %add3A_18 = arith.addi %mul3A_2, %add3A_17 : i32
    %dma_start3A_19 = tpu.memref_slice %arg3[%add3A_18] : memref<4194304xf32, #tpu.memory_space<hbm>> -> memref<16384xf32, #tpu.memory_space<hbm>>
    %dma_start3A_20 = tpu.memref_slice %arg3[%add3A_18] : memref<4194304xf32, #tpu.memory_space<hbm>> -> memref<16384xf32, #tpu.memory_space<hbm>>
    tpu.enqueue_dma source(%arg6 : memref<16384xf32, #tpu.memory_space<vmem>>) target(%dma_start3A_20 : memref<16384xf32, #tpu.memory_space<hbm>>) target_semaphore(%arg10 : memref<!tpu.dma_semaphore, #tpu.memory_space<semaphore_mem>>)
    %add3A_21 = arith.constant 32768 : i32
    %add3A_22 = arith.addi %mul3A_2, %add3A_21 : i32
    %dma_start3A_23 = tpu.memref_slice %arg2[%add3A_22] : memref<4194304xf32, #tpu.memory_space<hbm>> -> memref<16384xf32, #tpu.memory_space<hbm>>
    %dma_start3A_24 = tpu.memref_slice %arg2[%add3A_22] : memref<4194304xf32, #tpu.memory_space<hbm>> -> memref<16384xf32, #tpu.memory_space<hbm>>
    tpu.enqueue_dma source(%dma_start3A_24 : memref<16384xf32, #tpu.memory_space<hbm>>) target(%arg4 : memref<16384xf32, #tpu.memory_space<vmem>>) target_semaphore(%arg8 : memref<!tpu.dma_semaphore, #tpu.memory_space<semaphore_mem>>)
    %dma_wait3A_25 = tpu.memref_slice %arg2[%add3A_7] : memref<4194304xf32, #tpu.memory_space<hbm>> -> memref<16384xf32, #tpu.memory_space<hbm>>
    %dma_wait3A_26 = tpu.memref_slice %arg2[%add3A_7] : memref<4194304xf32, #tpu.memory_space<hbm>> -> memref<16384xf32, #tpu.memory_space<hbm>>
    tpu.wait_dma2 semaphore(%arg9 : memref<!tpu.dma_semaphore, #tpu.memory_space<semaphore_mem>>) src(%dma_wait3A_26 : memref<16384xf32, #tpu.memory_space<hbm>>) dst(%arg5 : memref<16384xf32, #tpu.memory_space<vmem>>)
    %scan3A_27 = arith.constant 0 : i32
    %scan3A_28 = arith.constant 0 : i32
    %scan3A_29 = arith.constant 64 : i32
    %scan3A_30 = arith.addi %scan3A_28, %scan3A_29 : i32
    %scan3A_31 = arith.constant 1 : i32
    %scan3A_32 = scf.for %scan3A_152 = %scan3A_28 to %scan3A_30 step %scan3A_31 iter_args(%scan3A_153 = %scan3A_27) -> (i32)  : i32 {
      %mul3A_154 = arith.constant 256 : i32
      %mul3A_155 = arith.muli %scan3A_152, %mul3A_154 : i32
      %add3A_156 = arith.constant 0 : i32
      %add3A_157 = arith.addi %mul3A_155, %add3A_156 : i32
      %get3A = arith.index_cast %add3A_157 : i32 to index
      %get3A_158 = tpu.vector_load %arg5[%get3A] {strides = array<i32>} : memref<16384xf32, #tpu.memory_space<vmem>>, vector<16xf32>,
      %get3A_159 = vector.shape_cast %get3A_158 : vector<16xf32> to vector<16xf32>
      %mul3A_160 = arith.constant 0.707106769 : f32
      %mul3A_161 = vector.broadcast %mul3A_160 : f32 to vector<16xf32>
      %mul3A_162 = arith.mulf %get3A_159, %mul3A_161 : vector<16xf32>
      %swap3A = arith.index_cast %add3A_157 : i32 to index
      %swap3A_163 = tpu.vector_load %arg7[%swap3A] {strides = array<i32>} : memref<16384xf32, #tpu.memory_space<vmem>>, vector<16xf32>,
      %swap3A_164 = vector.shape_cast %swap3A_163 : vector<16xf32> to vector<16xf32>
      %swap3A_165 = vector.shape_cast %mul3A_162 : vector<16xf32> to vector<16xf32>
      tpu.vector_store %arg7[%swap3A], %swap3A_165 {strides = array<i32>} : memref<16384xf32, #tpu.memory_space<vmem>>, vector<16xf32>,
      %mul3A_166 = arith.constant 256 : i32
      %mul3A_167 = arith.muli %scan3A_152, %mul3A_166 : i32
      %add3A_168 = arith.constant 16 : i32
      %add3A_169 = arith.addi %mul3A_167, %add3A_168 : i32
      %get3A_170 = arith.index_cast %add3A_169 : i32 to index
      %get3A_171 = tpu.vector_load %arg5[%get3A_170] {strides = array<i32>} : memref<16384xf32, #tpu.memory_space<vmem>>, vector<16xf32>,
      %get3A_172 = vector.shape_cast %get3A_171 : vector<16xf32> to vector<16xf32>
      %mul3A_173 = arith.constant 0.707106769 : f32
      %mul3A_174 = vector.broadcast %mul3A_173 : f32 to vector<16xf32>
      %mul3A_175 = arith.mulf %get3A_172, %mul3A_174 : vector<16xf32>
      %swap3A_176 = arith.index_cast %add3A_169 : i32 to index
      %swap3A_177 = tpu.vector_load %arg7[%swap3A_176] {strides = array<i32>} : memref<16384xf32, #tpu.memory_space<vmem>>, vector<16xf32>,
      %swap3A_178 = vector.shape_cast %swap3A_177 : vector<16xf32> to vector<16xf32>
      %swap3A_179 = vector.shape_cast %mul3A_175 : vector<16xf32> to vector<16xf32>
      tpu.vector_store %arg7[%swap3A_176], %swap3A_179 {strides = array<i32>} : memref<16384xf32, #tpu.memory_space<vmem>>, vector<16xf32>,
      %mul3A_180 = arith.constant 256 : i32
      %mul3A_181 = arith.muli %scan3A_152, %mul3A_180 : i32
      %add3A_182 = arith.constant 32 : i32
      %add3A_183 = arith.addi %mul3A_181, %add3A_182 : i32
      %get3A_184 = arith.index_cast %add3A_183 : i32 to index
      %get3A_185 = tpu.vector_load %arg5[%get3A_184] {strides = array<i32>} : memref<16384xf32, #tpu.memory_space<vmem>>, vector<16xf32>,
      %get3A_186 = vector.shape_cast %get3A_185 : vector<16xf32> to vector<16xf32>
      %mul3A_187 = arith.constant 0.707106769 : f32
      %mul3A_188 = vector.broadcast %mul3A_187 : f32 to vector<16xf32>
      %mul3A_189 = arith.mulf %get3A_186, %mul3A_188 : vector<16xf32>
      %swap3A_190 = arith.index_cast %add3A_183 : i32 to index
      %swap3A_191 = tpu.vector_load %arg7[%swap3A_190] {strides = array<i32>} : memref<16384xf32, #tpu.memory_space<vmem>>, vector<16xf32>,
      %swap3A_192 = vector.shape_cast %swap3A_191 : vector<16xf32> to vector<16xf32>
      %swap3A_193 = vector.shape_cast %mul3A_189 : vector<16xf32> to vector<16xf32>
      tpu.vector_store %arg7[%swap3A_190], %swap3A_193 {strides = array<i32>} : memref<16384xf32, #tpu.memory_space<vmem>>, vector<16xf32>,
      %mul3A_194 = arith.constant 256 : i32
      %mul3A_195 = arith.muli %scan3A_152, %mul3A_194 : i32
      %add3A_196 = arith.constant 48 : i32
      %add3A_197 = arith.addi %mul3A_195, %add3A_196 : i32
      %get3A_198 = arith.index_cast %add3A_197 : i32 to index
      %get3A_199 = tpu.vector_load %arg5[%get3A_198] {strides = array<i32>} : memref<16384xf32, #tpu.memory_space<vmem>>, vector<16xf32>,
      %get3A_200 = vector.shape_cast %get3A_199 : vector<16xf32> to vector<16xf32>
      %mul3A_201 = arith.constant 0.707106769 : f32
      %mul3A_202 = vector.broadcast %mul3A_201 : f32 to vector<16xf32>
      %mul3A_203 = arith.mulf %get3A_200, %mul3A_202 : vector<16xf32>
      %swap3A_204 = arith.index_cast %add3A_197 : i32 to index
      %swap3A_205 = tpu.vector_load %arg7[%swap3A_204] {strides = array<i32>} : memref<16384xf32, #tpu.memory_space<vmem>>, vector<16xf32>,
      %swap3A_206 = vector.shape_cast %swap3A_205 : vector<16xf32> to vector<16xf32>
      %swap3A_207 = vector.shape_cast %mul3A_203 : vector<16xf32> to vector<16xf32>
      tpu.vector_store %arg7[%swap3A_204], %swap3A_207 {strides = array<i32>} : memref<16384xf32, #tpu.memory_space<vmem>>, vector<16xf32>,
      %mul3A_208 = arith.constant 256 : i32
      %mul3A_209 = arith.muli %scan3A_152, %mul3A_208 : i32
      %add3A_210 = arith.constant 64 : i32
      %add3A_211 = arith.addi %mul3A_209, %add3A_210 : i32
      %get3A_212 = arith.index_cast %add3A_211 : i32 to index
      %get3A_213 = tpu.vector_load %arg5[%get3A_212] {strides = array<i32>} : memref<16384xf32, #tpu.memory_space<vmem>>, vector<16xf32>,
      %get3A_214 = vector.shape_cast %get3A_213 : vector<16xf32> to vector<16xf32>
      %mul3A_215 = arith.constant 0.707106769 : f32
      %mul3A_216 = vector.broadcast %mul3A_215 : f32 to vector<16xf32>
      %mul3A_217 = arith.mulf %get3A_214, %mul3A_216 : vector<16xf32>
      %swap3A_218 = arith.index_cast %add3A_211 : i32 to index
      %swap3A_219 = tpu.vector_load %arg7[%swap3A_218] {strides = array<i32>} : memref<16384xf32, #tpu.memory_space<vmem>>, vector<16xf32>,
      %swap3A_220 = vector.shape_cast %swap3A_219 : vector<16xf32> to vector<16xf32>
      %swap3A_221 = vector.shape_cast %mul3A_217 : vector<16xf32> to vector<16xf32>
      tpu.vector_store %arg7[%swap3A_218], %swap3A_221 {strides = array<i32>} : memref<16384xf32, #tpu.memory_space<vmem>>, vector<16xf32>,
      %mul3A_222 = arith.constant 256 : i32
      %mul3A_223 = arith.muli %scan3A_152, %mul3A_222 : i32
      %add3A_224 = arith.constant 80 : i32
      %add3A_225 = arith.addi %mul3A_223, %add3A_224 : i32
      %get3A_226 = arith.index_cast %add3A_225 : i32 to index
      %get3A_227 = tpu.vector_load %arg5[%get3A_226] {strides = array<i32>} : memref<16384xf32, #tpu.memory_space<vmem>>, vector<16xf32>,
      %get3A_228 = vector.shape_cast %get3A_227 : vector<16xf32> to vector<16xf32>
      %mul3A_229 = arith.constant 0.707106769 : f32
      %mul3A_230 = vector.broadcast %mul3A_229 : f32 to vector<16xf32>
      %mul3A_231 = arith.mulf %get3A_228, %mul3A_230 : vector<16xf32>
      %swap3A_232 = arith.index_cast %add3A_225 : i32 to index
      %swap3A_233 = tpu.vector_load %arg7[%swap3A_232] {strides = array<i32>} : memref<16384xf32, #tpu.memory_space<vmem>>, vector<16xf32>,
      %swap3A_234 = vector.shape_cast %swap3A_233 : vector<16xf32> to vector<16xf32>
      %swap3A_235 = vector.shape_cast %mul3A_231 : vector<16xf32> to vector<16xf32>
      tpu.vector_store %arg7[%swap3A_232], %swap3A_235 {strides = array<i32>} : memref<16384xf32, #tpu.memory_space<vmem>>, vector<16xf32>,
      %mul3A_236 = arith.constant 256 : i32
      %mul3A_237 = arith.muli %scan3A_152, %mul3A_236 : i32
      %add3A_238 = arith.constant 96 : i32
      %add3A_239 = arith.addi %mul3A_237, %add3A_238 : i32
      %get3A_240 = arith.index_cast %add3A_239 : i32 to index
      %get3A_241 = tpu.vector_load %arg5[%get3A_240] {strides = array<i32>} : memref<16384xf32, #tpu.memory_space<vmem>>, vector<16xf32>,
      %get3A_242 = vector.shape_cast %get3A_241 : vector<16xf32> to vector<16xf32>
      %mul3A_243 = arith.constant 0.707106769 : f32
      %mul3A_244 = vector.broadcast %mul3A_243 : f32 to vector<16xf32>
      %mul3A_245 = arith.mulf %get3A_242, %mul3A_244 : vector<16xf32>
      %swap3A_246 = arith.index_cast %add3A_239 : i32 to index
      %swap3A_247 = tpu.vector_load %arg7[%swap3A_246] {strides = array<i32>} : memref<16384xf32, #tpu.memory_space<vmem>>, vector<16xf32>,
      %swap3A_248 = vector.shape_cast %swap3A_247 : vector<16xf32> to vector<16xf32>
      %swap3A_249 = vector.shape_cast %mul3A_245 : vector<16xf32> to vector<16xf32>
      tpu.vector_store %arg7[%swap3A_246], %swap3A_249 {strides = array<i32>} : memref<16384xf32, #tpu.memory_space<vmem>>, vector<16xf32>,
      %mul3A_250 = arith.constant 256 : i32
      %mul3A_251 = arith.muli %scan3A_152, %mul3A_250 : i32
      %add3A_252 = arith.constant 112 : i32
      %add3A_253 = arith.addi %mul3A_251, %add3A_252 : i32
      %get3A_254 = arith.index_cast %add3A_253 : i32 to index
      %get3A_255 = tpu.vector_load %arg5[%get3A_254] {strides = array<i32>} : memref<16384xf32, #tpu.memory_space<vmem>>, vector<16xf32>,
      %get3A_256 = vector.shape_cast %get3A_255 : vector<16xf32> to vector<16xf32>
      %mul3A_257 = arith.constant 0.707106769 : f32
      %mul3A_258 = vector.broadcast %mul3A_257 : f32 to vector<16xf32>
      %mul3A_259 = arith.mulf %get3A_256, %mul3A_258 : vector<16xf32>
      %swap3A_260 = arith.index_cast %add3A_253 : i32 to index
      %swap3A_261 = tpu.vector_load %arg7[%swap3A_260] {strides = array<i32>} : memref<16384xf32, #tpu.memory_space<vmem>>, vector<16xf32>,
      %swap3A_262 = vector.shape_cast %swap3A_261 : vector<16xf32> to vector<16xf32>
      %swap3A_263 = vector.shape_cast %mul3A_259 : vector<16xf32> to vector<16xf32>
      tpu.vector_store %arg7[%swap3A_260], %swap3A_263 {strides = array<i32>} : memref<16384xf32, #tpu.memory_space<vmem>>, vector<16xf32>,
      %mul3A_264 = arith.constant 256 : i32
      %mul3A_265 = arith.muli %scan3A_152, %mul3A_264 : i32
      %add3A_266 = arith.constant 128 : i32
      %add3A_267 = arith.addi %mul3A_265, %add3A_266 : i32
      %get3A_268 = arith.index_cast %add3A_267 : i32 to index
      %get3A_269 = tpu.vector_load %arg5[%get3A_268] {strides = array<i32>} : memref<16384xf32, #tpu.memory_space<vmem>>, vector<16xf32>,
      %get3A_270 = vector.shape_cast %get3A_269 : vector<16xf32> to vector<16xf32>
      %mul3A_271 = arith.constant 0.707106769 : f32
      %mul3A_272 = vector.broadcast %mul3A_271 : f32 to vector<16xf32>
      %mul3A_273 = arith.mulf %get3A_270, %mul3A_272 : vector<16xf32>
      %swap3A_274 = arith.index_cast %add3A_267 : i32 to index
      %swap3A_275 = tpu.vector_load %arg7[%swap3A_274] {strides = array<i32>} : memref<16384xf32, #tpu.memory_space<vmem>>, vector<16xf32>,
      %swap3A_276 = vector.shape_cast %swap3A_275 : vector<16xf32> to vector<16xf32>
      %swap3A_277 = vector.shape_cast %mul3A_273 : vector<16xf32> to vector<16xf32>
      tpu.vector_store %arg7[%swap3A_274], %swap3A_277 {strides = array<i32>} : memref<16384xf32, #tpu.memory_space<vmem>>, vector<16xf32>,
      %mul3A_278 = arith.constant 256 : i32
      %mul3A_279 = arith.muli %scan3A_152, %mul3A_278 : i32
      %add3A_280 = arith.constant 144 : i32
      %add3A_281 = arith.addi %mul3A_279, %add3A_280 : i32
      %get3A_282 = arith.index_cast %add3A_281 : i32 to index
      %get3A_283 = tpu.vector_load %arg5[%get3A_282] {strides = array<i32>} : memref<16384xf32, #tpu.memory_space<vmem>>, vector<16xf32>,
      %get3A_284 = vector.shape_cast %get3A_283 : vector<16xf32> to vector<16xf32>
      %mul3A_285 = arith.constant 0.707106769 : f32
      %mul3A_286 = vector.broadcast %mul3A_285 : f32 to vector<16xf32>
      %mul3A_287 = arith.mulf %get3A_284, %mul3A_286 : vector<16xf32>
      %swap3A_288 = arith.index_cast %add3A_281 : i32 to index
      %swap3A_289 = tpu.vector_load %arg7[%swap3A_288] {strides = array<i32>} : memref<16384xf32, #tpu.memory_space<vmem>>, vector<16xf32>,
      %swap3A_290 = vector.shape_cast %swap3A_289 : vector<16xf32> to vector<16xf32>
      %swap3A_291 = vector.shape_cast %mul3A_287 : vector<16xf32> to vector<16xf32>
      tpu.vector_store %arg7[%swap3A_288], %swap3A_291 {strides = array<i32>} : memref<16384xf32, #tpu.memory_space<vmem>>, vector<16xf32>,
      %mul3A_292 = arith.constant 256 : i32
      %mul3A_293 = arith.muli %scan3A_152, %mul3A_292 : i32
      %add3A_294 = arith.constant 160 : i32
      %add3A_295 = arith.addi %mul3A_293, %add3A_294 : i32
      %get3A_296 = arith.index_cast %add3A_295 : i32 to index
      %get3A_297 = tpu.vector_load %arg5[%get3A_296] {strides = array<i32>} : memref<16384xf32, #tpu.memory_space<vmem>>, vector<16xf32>,
      %get3A_298 = vector.shape_cast %get3A_297 : vector<16xf32> to vector<16xf32>
      %mul3A_299 = arith.constant 0.707106769 : f32
      %mul3A_300 = vector.broadcast %mul3A_299 : f32 to vector<16xf32>
      %mul3A_301 = arith.mulf %get3A_298, %mul3A_300 : vector<16xf32>
      %swap3A_302 = arith.index_cast %add3A_295 : i32 to index
      %swap3A_303 = tpu.vector_load %arg7[%swap3A_302] {strides = array<i32>} : memref<16384xf32, #tpu.memory_space<vmem>>, vector<16xf32>,
      %swap3A_304 = vector.shape_cast %swap3A_303 : vector<16xf32> to vector<16xf32>
      %swap3A_305 = vector.shape_cast %mul3A_301 : vector<16xf32> to vector<16xf32>
      tpu.vector_store %arg7[%swap3A_302], %swap3A_305 {strides = array<i32>} : memref<16384xf32, #tpu.memory_space<vmem>>, vector<16xf32>,
      %mul3A_306 = arith.constant 256 : i32
      %mul3A_307 = arith.muli %scan3A_152, %mul3A_306 : i32
      %add3A_308 = arith.constant 176 : i32
      %add3A_309 = arith.addi %mul3A_307, %add3A_308 : i32
      %get3A_310 = arith.index_cast %add3A_309 : i32 to index
      %get3A_311 = tpu.vector_load %arg5[%get3A_310] {strides = array<i32>} : memref<16384xf32, #tpu.memory_space<vmem>>, vector<16xf32>,
      %get3A_312 = vector.shape_cast %get3A_311 : vector<16xf32> to vector<16xf32>
      %mul3A_313 = arith.constant 0.707106769 : f32
      %mul3A_314 = vector.broadcast %mul3A_313 : f32 to vector<16xf32>
      %mul3A_315 = arith.mulf %get3A_312, %mul3A_314 : vector<16xf32>
      %swap3A_316 = arith.index_cast %add3A_309 : i32 to index
      %swap3A_317 = tpu.vector_load %arg7[%swap3A_316] {strides = array<i32>} : memref<16384xf32, #tpu.memory_space<vmem>>, vector<16xf32>,
      %swap3A_318 = vector.shape_cast %swap3A_317 : vector<16xf32> to vector<16xf32>
      %swap3A_319 = vector.shape_cast %mul3A_315 : vector<16xf32> to vector<16xf32>
      tpu.vector_store %arg7[%swap3A_316], %swap3A_319 {strides = array<i32>} : memref<16384xf32, #tpu.memory_space<vmem>>, vector<16xf32>,
      %mul3A_320 = arith.constant 256 : i32
      %mul3A_321 = arith.muli %scan3A_152, %mul3A_320 : i32
      %add3A_322 = arith.constant 192 : i32
      %add3A_323 = arith.addi %mul3A_321, %add3A_322 : i32
      %get3A_324 = arith.index_cast %add3A_323 : i32 to index
      %get3A_325 = tpu.vector_load %arg5[%get3A_324] {strides = array<i32>} : memref<16384xf32, #tpu.memory_space<vmem>>, vector<16xf32>,
      %get3A_326 = vector.shape_cast %get3A_325 : vector<16xf32> to vector<16xf32>
      %mul3A_327 = arith.constant 0.707106769 : f32
      %mul3A_328 = vector.broadcast %mul3A_327 : f32 to vector<16xf32>
      %mul3A_329 = arith.mulf %get3A_326, %mul3A_328 : vector<16xf32>
      %swap3A_330 = arith.index_cast %add3A_323 : i32 to index
      %swap3A_331 = tpu.vector_load %arg7[%swap3A_330] {strides = array<i32>} : memref<16384xf32, #tpu.memory_space<vmem>>, vector<16xf32>,
      %swap3A_332 = vector.shape_cast %swap3A_331 : vector<16xf32> to vector<16xf32>
      %swap3A_333 = vector.shape_cast %mul3A_329 : vector<16xf32> to vector<16xf32>
      tpu.vector_store %arg7[%swap3A_330], %swap3A_333 {strides = array<i32>} : memref<16384xf32, #tpu.memory_space<vmem>>, vector<16xf32>,
      %mul3A_334 = arith.constant 256 : i32
      %mul3A_335 = arith.muli %scan3A_152, %mul3A_334 : i32
      %add3A_336 = arith.constant 208 : i32
      %add3A_337 = arith.addi %mul3A_335, %add3A_336 : i32
      %get3A_338 = arith.index_cast %add3A_337 : i32 to index
      %get3A_339 = tpu.vector_load %arg5[%get3A_338] {strides = array<i32>} : memref<16384xf32, #tpu.memory_space<vmem>>, vector<16xf32>,
      %get3A_340 = vector.shape_cast %get3A_339 : vector<16xf32> to vector<16xf32>
      %mul3A_341 = arith.constant 0.707106769 : f32
      %mul3A_342 = vector.broadcast %mul3A_341 : f32 to vector<16xf32>
      %mul3A_343 = arith.mulf %get3A_340, %mul3A_342 : vector<16xf32>
      %swap3A_344 = arith.index_cast %add3A_337 : i32 to index
      %swap3A_345 = tpu.vector_load %arg7[%swap3A_344] {strides = array<i32>} : memref<16384xf32, #tpu.memory_space<vmem>>, vector<16xf32>,
      %swap3A_346 = vector.shape_cast %swap3A_345 : vector<16xf32> to vector<16xf32>
      %swap3A_347 = vector.shape_cast %mul3A_343 : vector<16xf32> to vector<16xf32>
      tpu.vector_store %arg7[%swap3A_344], %swap3A_347 {strides = array<i32>} : memref<16384xf32, #tpu.memory_space<vmem>>, vector<16xf32>,
      %mul3A_348 = arith.constant 256 : i32
      %mul3A_349 = arith.muli %scan3A_152, %mul3A_348 : i32
      %add3A_350 = arith.constant 224 : i32
      %add3A_351 = arith.addi %mul3A_349, %add3A_350 : i32
      %get3A_352 = arith.index_cast %add3A_351 : i32 to index
      %get3A_353 = tpu.vector_load %arg5[%get3A_352] {strides = array<i32>} : memref<16384xf32, #tpu.memory_space<vmem>>, vector<16xf32>,
      %get3A_354 = vector.shape_cast %get3A_353 : vector<16xf32> to vector<16xf32>
      %mul3A_355 = arith.constant 0.707106769 : f32
      %mul3A_356 = vector.broadcast %mul3A_355 : f32 to vector<16xf32>
      %mul3A_357 = arith.mulf %get3A_354, %mul3A_356 : vector<16xf32>
      %swap3A_358 = arith.index_cast %add3A_351 : i32 to index
      %swap3A_359 = tpu.vector_load %arg7[%swap3A_358] {strides = array<i32>} : memref<16384xf32, #tpu.memory_space<vmem>>, vector<16xf32>,
      %swap3A_360 = vector.shape_cast %swap3A_359 : vector<16xf32> to vector<16xf32>
      %swap3A_361 = vector.shape_cast %mul3A_357 : vector<16xf32> to vector<16xf32>
      tpu.vector_store %arg7[%swap3A_358], %swap3A_361 {strides = array<i32>} : memref<16384xf32, #tpu.memory_space<vmem>>, vector<16xf32>,
      %mul3A_362 = arith.constant 256 : i32
      %mul3A_363 = arith.muli %scan3A_152, %mul3A_362 : i32
      %add3A_364 = arith.constant 240 : i32
      %add3A_365 = arith.addi %mul3A_363, %add3A_364 : i32
      %get3A_366 = arith.index_cast %add3A_365 : i32 to index
      %get3A_367 = tpu.vector_load %arg5[%get3A_366] {strides = array<i32>} : memref<16384xf32, #tpu.memory_space<vmem>>, vector<16xf32>,
      %get3A_368 = vector.shape_cast %get3A_367 : vector<16xf32> to vector<16xf32>
      %mul3A_369 = arith.constant 0.707106769 : f32
      %mul3A_370 = vector.broadcast %mul3A_369 : f32 to vector<16xf32>
      %mul3A_371 = arith.mulf %get3A_368, %mul3A_370 : vector<16xf32>
      %swap3A_372 = arith.index_cast %add3A_365 : i32 to index
      %swap3A_373 = tpu.vector_load %arg7[%swap3A_372] {strides = array<i32>} : memref<16384xf32, #tpu.memory_space<vmem>>, vector<16xf32>,
      %swap3A_374 = vector.shape_cast %swap3A_373 : vector<16xf32> to vector<16xf32>
      %swap3A_375 = vector.shape_cast %mul3A_371 : vector<16xf32> to vector<16xf32>
      tpu.vector_store %arg7[%swap3A_372], %swap3A_375 {strides = array<i32>} : memref<16384xf32, #tpu.memory_space<vmem>>, vector<16xf32>,
      %scan3A_376 = arith.constant 0 : i32
      scf.yield %scan3A_376 : i32
    }
    %scan3A_33 = arith.constant 64 : i32
    %add3A_34 = arith.constant 16384 : i32
    %add3A_35 = arith.addi %mul3A_2, %add3A_34 : i32
    %dma_start3A_36 = tpu.memref_slice %arg3[%add3A_35] : memref<4194304xf32, #tpu.memory_space<hbm>> -> memref<16384xf32, #tpu.memory_space<hbm>>
    %dma_start3A_37 = tpu.memref_slice %arg3[%add3A_35] : memref<4194304xf32, #tpu.memory_space<hbm>> -> memref<16384xf32, #tpu.memory_space<hbm>>
    tpu.enqueue_dma source(%arg7 : memref<16384xf32, #tpu.memory_space<vmem>>) target(%dma_start3A_37 : memref<16384xf32, #tpu.memory_space<hbm>>) target_semaphore(%arg11 : memref<!tpu.dma_semaphore, #tpu.memory_space<semaphore_mem>>)
    %add3A_38 = arith.constant 49152 : i32
    %add3A_39 = arith.addi %mul3A_2, %add3A_38 : i32
    %dma_start3A_40 = tpu.memref_slice %arg2[%add3A_39] : memref<4194304xf32, #tpu.memory_space<hbm>> -> memref<16384xf32, #tpu.memory_space<hbm>>
    %dma_start3A_41 = tpu.memref_slice %arg2[%add3A_39] : memref<4194304xf32, #tpu.memory_space<hbm>> -> memref<16384xf32, #tpu.memory_space<hbm>>
    tpu.enqueue_dma source(%dma_start3A_41 : memref<16384xf32, #tpu.memory_space<hbm>>) target(%arg5 : memref<16384xf32, #tpu.memory_space<vmem>>) target_semaphore(%arg9 : memref<!tpu.dma_semaphore, #tpu.memory_space<semaphore_mem>>)
    %dma_wait3A_42 = tpu.memref_slice %arg2[%add3A_22] : memref<4194304xf32, #tpu.memory_space<hbm>> -> memref<16384xf32, #tpu.memory_space<hbm>>
    %dma_wait3A_43 = tpu.memref_slice %arg2[%add3A_22] : memref<4194304xf32, #tpu.memory_space<hbm>> -> memref<16384xf32, #tpu.memory_space<hbm>>
    tpu.wait_dma2 semaphore(%arg8 : memref<!tpu.dma_semaphore, #tpu.memory_space<semaphore_mem>>) src(%dma_wait3A_43 : memref<16384xf32, #tpu.memory_space<hbm>>) dst(%arg4 : memref<16384xf32, #tpu.memory_space<vmem>>)
    %dma_wait3A_44 = tpu.memref_slice %arg3[%add3A_18] : memref<4194304xf32, #tpu.memory_space<hbm>> -> memref<16384xf32, #tpu.memory_space<hbm>>
    %dma_wait3A_45 = tpu.memref_slice %arg3[%add3A_18] : memref<4194304xf32, #tpu.memory_space<hbm>> -> memref<16384xf32, #tpu.memory_space<hbm>>
    tpu.wait_dma2 semaphore(%arg10 : memref<!tpu.dma_semaphore, #tpu.memory_space<semaphore_mem>>) src(%arg6 : memref<16384xf32, #tpu.memory_space<vmem>>) dst(%dma_wait3A_45 : memref<16384xf32, #tpu.memory_space<hbm>>)
    %scan3A_46 = arith.constant 0 : i32
    %scan3A_47 = arith.constant 0 : i32
    %scan3A_48 = arith.constant 64 : i32
    %scan3A_49 = arith.addi %scan3A_47, %scan3A_48 : i32
    %scan3A_50 = arith.constant 1 : i32
    %scan3A_51 = scf.for %scan3A_152 = %scan3A_47 to %scan3A_49 step %scan3A_50 iter_args(%scan3A_153 = %scan3A_46) -> (i32)  : i32 {
      %mul3A_154 = arith.constant 256 : i32
      %mul3A_155 = arith.muli %scan3A_152, %mul3A_154 : i32
      %add3A_156 = arith.constant 0 : i32
      %add3A_157 = arith.addi %mul3A_155, %add3A_156 : i32
      %get3A = arith.index_cast %add3A_157 : i32 to index
      %get3A_158 = tpu.vector_load %arg4[%get3A] {strides = array<i32>} : memref<16384xf32, #tpu.memory_space<vmem>>, vector<16xf32>,
      %get3A_159 = vector.shape_cast %get3A_158 : vector<16xf32> to vector<16xf32>
      %mul3A_160 = arith.constant 0.707106769 : f32
      %mul3A_161 = vector.broadcast %mul3A_160 : f32 to vector<16xf32>
      %mul3A_162 = arith.mulf %get3A_159, %mul3A_161 : vector<16xf32>
      %swap3A = arith.index_cast %add3A_157 : i32 to index
      %swap3A_163 = tpu.vector_load %arg6[%swap3A] {strides = array<i32>} : memref<16384xf32, #tpu.memory_space<vmem>>, vector<16xf32>,
      %swap3A_164 = vector.shape_cast %swap3A_163 : vector<16xf32> to vector<16xf32>
      %swap3A_165 = vector.shape_cast %mul3A_162 : vector<16xf32> to vector<16xf32>
      tpu.vector_store %arg6[%swap3A], %swap3A_165 {strides = array<i32>} : memref<16384xf32, #tpu.memory_space<vmem>>, vector<16xf32>,
      %mul3A_166 = arith.constant 256 : i32
      %mul3A_167 = arith.muli %scan3A_152, %mul3A_166 : i32
      %add3A_168 = arith.constant 16 : i32
      %add3A_169 = arith.addi %mul3A_167, %add3A_168 : i32
      %get3A_170 = arith.index_cast %add3A_169 : i32 to index
      %get3A_171 = tpu.vector_load %arg4[%get3A_170] {strides = array<i32>} : memref<16384xf32, #tpu.memory_space<vmem>>, vector<16xf32>,
      %get3A_172 = vector.shape_cast %get3A_171 : vector<16xf32> to vector<16xf32>
      %mul3A_173 = arith.constant 0.707106769 : f32
      %mul3A_174 = vector.broadcast %mul3A_173 : f32 to vector<16xf32>
      %mul3A_175 = arith.mulf %get3A_172, %mul3A_174 : vector<16xf32>
      %swap3A_176 = arith.index_cast %add3A_169 : i32 to index
      %swap3A_177 = tpu.vector_load %arg6[%swap3A_176] {strides = array<i32>} : memref<16384xf32, #tpu.memory_space<vmem>>, vector<16xf32>,
      %swap3A_178 = vector.shape_cast %swap3A_177 : vector<16xf32> to vector<16xf32>
      %swap3A_179 = vector.shape_cast %mul3A_175 : vector<16xf32> to vector<16xf32>
      tpu.vector_store %arg6[%swap3A_176], %swap3A_179 {strides = array<i32>} : memref<16384xf32, #tpu.memory_space<vmem>>, vector<16xf32>,
      %mul3A_180 = arith.constant 256 : i32
      %mul3A_181 = arith.muli %scan3A_152, %mul3A_180 : i32
      %add3A_182 = arith.constant 32 : i32
      %add3A_183 = arith.addi %mul3A_181, %add3A_182 : i32
      %get3A_184 = arith.index_cast %add3A_183 : i32 to index
      %get3A_185 = tpu.vector_load %arg4[%get3A_184] {strides = array<i32>} : memref<16384xf32, #tpu.memory_space<vmem>>, vector<16xf32>,
      %get3A_186 = vector.shape_cast %get3A_185 : vector<16xf32> to vector<16xf32>
      %mul3A_187 = arith.constant 0.707106769 : f32
      %mul3A_188 = vector.broadcast %mul3A_187 : f32 to vector<16xf32>
      %mul3A_189 = arith.mulf %get3A_186, %mul3A_188 : vector<16xf32>
      %swap3A_190 = arith.index_cast %add3A_183 : i32 to index
      %swap3A_191 = tpu.vector_load %arg6[%swap3A_190] {strides = array<i32>} : memref<16384xf32, #tpu.memory_space<vmem>>, vector<16xf32>,
      %swap3A_192 = vector.shape_cast %swap3A_191 : vector<16xf32> to vector<16xf32>
      %swap3A_193 = vector.shape_cast %mul3A_189 : vector<16xf32> to vector<16xf32>
      tpu.vector_store %arg6[%swap3A_190], %swap3A_193 {strides = array<i32>} : memref<16384xf32, #tpu.memory_space<vmem>>, vector<16xf32>,
      %mul3A_194 = arith.constant 256 : i32
      %mul3A_195 = arith.muli %scan3A_152, %mul3A_194 : i32
      %add3A_196 = arith.constant 48 : i32
      %add3A_197 = arith.addi %mul3A_195, %add3A_196 : i32
      %get3A_198 = arith.index_cast %add3A_197 : i32 to index
      %get3A_199 = tpu.vector_load %arg4[%get3A_198] {strides = array<i32>} : memref<16384xf32, #tpu.memory_space<vmem>>, vector<16xf32>,
      %get3A_200 = vector.shape_cast %get3A_199 : vector<16xf32> to vector<16xf32>
      %mul3A_201 = arith.constant 0.707106769 : f32
      %mul3A_202 = vector.broadcast %mul3A_201 : f32 to vector<16xf32>
      %mul3A_203 = arith.mulf %get3A_200, %mul3A_202 : vector<16xf32>
      %swap3A_204 = arith.index_cast %add3A_197 : i32 to index
      %swap3A_205 = tpu.vector_load %arg6[%swap3A_204] {strides = array<i32>} : memref<16384xf32, #tpu.memory_space<vmem>>, vector<16xf32>,
      %swap3A_206 = vector.shape_cast %swap3A_205 : vector<16xf32> to vector<16xf32>
      %swap3A_207 = vector.shape_cast %mul3A_203 : vector<16xf32> to vector<16xf32>
      tpu.vector_store %arg6[%swap3A_204], %swap3A_207 {strides = array<i32>} : memref<16384xf32, #tpu.memory_space<vmem>>, vector<16xf32>,
      %mul3A_208 = arith.constant 256 : i32
      %mul3A_209 = arith.muli %scan3A_152, %mul3A_208 : i32
      %add3A_210 = arith.constant 64 : i32
      %add3A_211 = arith.addi %mul3A_209, %add3A_210 : i32
      %get3A_212 = arith.index_cast %add3A_211 : i32 to index
      %get3A_213 = tpu.vector_load %arg4[%get3A_212] {strides = array<i32>} : memref<16384xf32, #tpu.memory_space<vmem>>, vector<16xf32>,
      %get3A_214 = vector.shape_cast %get3A_213 : vector<16xf32> to vector<16xf32>
      %mul3A_215 = arith.constant 0.707106769 : f32
      %mul3A_216 = vector.broadcast %mul3A_215 : f32 to vector<16xf32>
      %mul3A_217 = arith.mulf %get3A_214, %mul3A_216 : vector<16xf32>
      %swap3A_218 = arith.index_cast %add3A_211 : i32 to index
      %swap3A_219 = tpu.vector_load %arg6[%swap3A_218] {strides = array<i32>} : memref<16384xf32, #tpu.memory_space<vmem>>, vector<16xf32>,
      %swap3A_220 = vector.shape_cast %swap3A_219 : vector<16xf32> to vector<16xf32>
      %swap3A_221 = vector.shape_cast %mul3A_217 : vector<16xf32> to vector<16xf32>
      tpu.vector_store %arg6[%swap3A_218], %swap3A_221 {strides = array<i32>} : memref<16384xf32, #tpu.memory_space<vmem>>, vector<16xf32>,
      %mul3A_222 = arith.constant 256 : i32
      %mul3A_223 = arith.muli %scan3A_152, %mul3A_222 : i32
      %add3A_224 = arith.constant 80 : i32
      %add3A_225 = arith.addi %mul3A_223, %add3A_224 : i32
      %get3A_226 = arith.index_cast %add3A_225 : i32 to index
      %get3A_227 = tpu.vector_load %arg4[%get3A_226] {strides = array<i32>} : memref<16384xf32, #tpu.memory_space<vmem>>, vector<16xf32>,
      %get3A_228 = vector.shape_cast %get3A_227 : vector<16xf32> to vector<16xf32>
      %mul3A_229 = arith.constant 0.707106769 : f32
      %mul3A_230 = vector.broadcast %mul3A_229 : f32 to vector<16xf32>
      %mul3A_231 = arith.mulf %get3A_228, %mul3A_230 : vector<16xf32>
      %swap3A_232 = arith.index_cast %add3A_225 : i32 to index
      %swap3A_233 = tpu.vector_load %arg6[%swap3A_232] {strides = array<i32>} : memref<16384xf32, #tpu.memory_space<vmem>>, vector<16xf32>,
      %swap3A_234 = vector.shape_cast %swap3A_233 : vector<16xf32> to vector<16xf32>
      %swap3A_235 = vector.shape_cast %mul3A_231 : vector<16xf32> to vector<16xf32>
      tpu.vector_store %arg6[%swap3A_232], %swap3A_235 {strides = array<i32>} : memref<16384xf32, #tpu.memory_space<vmem>>, vector<16xf32>,
      %mul3A_236 = arith.constant 256 : i32
      %mul3A_237 = arith.muli %scan3A_152, %mul3A_236 : i32
      %add3A_238 = arith.constant 96 : i32
      %add3A_239 = arith.addi %mul3A_237, %add3A_238 : i32
      %get3A_240 = arith.index_cast %add3A_239 : i32 to index
      %get3A_241 = tpu.vector_load %arg4[%get3A_240] {strides = array<i32>} : memref<16384xf32, #tpu.memory_space<vmem>>, vector<16xf32>,
      %get3A_242 = vector.shape_cast %get3A_241 : vector<16xf32> to vector<16xf32>
      %mul3A_243 = arith.constant 0.707106769 : f32
      %mul3A_244 = vector.broadcast %mul3A_243 : f32 to vector<16xf32>
      %mul3A_245 = arith.mulf %get3A_242, %mul3A_244 : vector<16xf32>
      %swap3A_246 = arith.index_cast %add3A_239 : i32 to index
      %swap3A_247 = tpu.vector_load %arg6[%swap3A_246] {strides = array<i32>} : memref<16384xf32, #tpu.memory_space<vmem>>, vector<16xf32>,
      %swap3A_248 = vector.shape_cast %swap3A_247 : vector<16xf32> to vector<16xf32>
      %swap3A_249 = vector.shape_cast %mul3A_245 : vector<16xf32> to vector<16xf32>
      tpu.vector_store %arg6[%swap3A_246], %swap3A_249 {strides = array<i32>} : memref<16384xf32, #tpu.memory_space<vmem>>, vector<16xf32>,
      %mul3A_250 = arith.constant 256 : i32
      %mul3A_251 = arith.muli %scan3A_152, %mul3A_250 : i32
      %add3A_252 = arith.constant 112 : i32
      %add3A_253 = arith.addi %mul3A_251, %add3A_252 : i32
      %get3A_254 = arith.index_cast %add3A_253 : i32 to index
      %get3A_255 = tpu.vector_load %arg4[%get3A_254] {strides = array<i32>} : memref<16384xf32, #tpu.memory_space<vmem>>, vector<16xf32>,
      %get3A_256 = vector.shape_cast %get3A_255 : vector<16xf32> to vector<16xf32>
      %mul3A_257 = arith.constant 0.707106769 : f32
      %mul3A_258 = vector.broadcast %mul3A_257 : f32 to vector<16xf32>
      %mul3A_259 = arith.mulf %get3A_256, %mul3A_258 : vector<16xf32>
      %swap3A_260 = arith.index_cast %add3A_253 : i32 to index
      %swap3A_261 = tpu.vector_load %arg6[%swap3A_260] {strides = array<i32>} : memref<16384xf32, #tpu.memory_space<vmem>>, vector<16xf32>,
      %swap3A_262 = vector.shape_cast %swap3A_261 : vector<16xf32> to vector<16xf32>
      %swap3A_263 = vector.shape_cast %mul3A_259 : vector<16xf32> to vector<16xf32>
      tpu.vector_store %arg6[%swap3A_260], %swap3A_263 {strides = array<i32>} : memref<16384xf32, #tpu.memory_space<vmem>>, vector<16xf32>,
      %mul3A_264 = arith.constant 256 : i32
      %mul3A_265 = arith.muli %scan3A_152, %mul3A_264 : i32
      %add3A_266 = arith.constant 128 : i32
      %add3A_267 = arith.addi %mul3A_265, %add3A_266 : i32
      %get3A_268 = arith.index_cast %add3A_267 : i32 to index
      %get3A_269 = tpu.vector_load %arg4[%get3A_268] {strides = array<i32>} : memref<16384xf32, #tpu.memory_space<vmem>>, vector<16xf32>,
      %get3A_270 = vector.shape_cast %get3A_269 : vector<16xf32> to vector<16xf32>
      %mul3A_271 = arith.constant 0.707106769 : f32
      %mul3A_272 = vector.broadcast %mul3A_271 : f32 to vector<16xf32>
      %mul3A_273 = arith.mulf %get3A_270, %mul3A_272 : vector<16xf32>
      %swap3A_274 = arith.index_cast %add3A_267 : i32 to index
      %swap3A_275 = tpu.vector_load %arg6[%swap3A_274] {strides = array<i32>} : memref<16384xf32, #tpu.memory_space<vmem>>, vector<16xf32>,
      %swap3A_276 = vector.shape_cast %swap3A_275 : vector<16xf32> to vector<16xf32>
      %swap3A_277 = vector.shape_cast %mul3A_273 : vector<16xf32> to vector<16xf32>
      tpu.vector_store %arg6[%swap3A_274], %swap3A_277 {strides = array<i32>} : memref<16384xf32, #tpu.memory_space<vmem>>, vector<16xf32>,
      %mul3A_278 = arith.constant 256 : i32
      %mul3A_279 = arith.muli %scan3A_152, %mul3A_278 : i32
      %add3A_280 = arith.constant 144 : i32
      %add3A_281 = arith.addi %mul3A_279, %add3A_280 : i32
      %get3A_282 = arith.index_cast %add3A_281 : i32 to index
      %get3A_283 = tpu.vector_load %arg4[%get3A_282] {strides = array<i32>} : memref<16384xf32, #tpu.memory_space<vmem>>, vector<16xf32>,
      %get3A_284 = vector.shape_cast %get3A_283 : vector<16xf32> to vector<16xf32>
      %mul3A_285 = arith.constant 0.707106769 : f32
      %mul3A_286 = vector.broadcast %mul3A_285 : f32 to vector<16xf32>
      %mul3A_287 = arith.mulf %get3A_284, %mul3A_286 : vector<16xf32>
      %swap3A_288 = arith.index_cast %add3A_281 : i32 to index
      %swap3A_289 = tpu.vector_load %arg6[%swap3A_288] {strides = array<i32>} : memref<16384xf32, #tpu.memory_space<vmem>>, vector<16xf32>,
      %swap3A_290 = vector.shape_cast %swap3A_289 : vector<16xf32> to vector<16xf32>
      %swap3A_291 = vector.shape_cast %mul3A_287 : vector<16xf32> to vector<16xf32>
      tpu.vector_store %arg6[%swap3A_288], %swap3A_291 {strides = array<i32>} : memref<16384xf32, #tpu.memory_space<vmem>>, vector<16xf32>,
      %mul3A_292 = arith.constant 256 : i32
      %mul3A_293 = arith.muli %scan3A_152, %mul3A_292 : i32
      %add3A_294 = arith.constant 160 : i32
      %add3A_295 = arith.addi %mul3A_293, %add3A_294 : i32
      %get3A_296 = arith.index_cast %add3A_295 : i32 to index
      %get3A_297 = tpu.vector_load %arg4[%get3A_296] {strides = array<i32>} : memref<16384xf32, #tpu.memory_space<vmem>>, vector<16xf32>,
      %get3A_298 = vector.shape_cast %get3A_297 : vector<16xf32> to vector<16xf32>
      %mul3A_299 = arith.constant 0.707106769 : f32
      %mul3A_300 = vector.broadcast %mul3A_299 : f32 to vector<16xf32>
      %mul3A_301 = arith.mulf %get3A_298, %mul3A_300 : vector<16xf32>
      %swap3A_302 = arith.index_cast %add3A_295 : i32 to index
      %swap3A_303 = tpu.vector_load %arg6[%swap3A_302] {strides = array<i32>} : memref<16384xf32, #tpu.memory_space<vmem>>, vector<16xf32>,
      %swap3A_304 = vector.shape_cast %swap3A_303 : vector<16xf32> to vector<16xf32>
      %swap3A_305 = vector.shape_cast %mul3A_301 : vector<16xf32> to vector<16xf32>
      tpu.vector_store %arg6[%swap3A_302], %swap3A_305 {strides = array<i32>} : memref<16384xf32, #tpu.memory_space<vmem>>, vector<16xf32>,
      %mul3A_306 = arith.constant 256 : i32
      %mul3A_307 = arith.muli %scan3A_152, %mul3A_306 : i32
      %add3A_308 = arith.constant 176 : i32
      %add3A_309 = arith.addi %mul3A_307, %add3A_308 : i32
      %get3A_310 = arith.index_cast %add3A_309 : i32 to index
      %get3A_311 = tpu.vector_load %arg4[%get3A_310] {strides = array<i32>} : memref<16384xf32, #tpu.memory_space<vmem>>, vector<16xf32>,
      %get3A_312 = vector.shape_cast %get3A_311 : vector<16xf32> to vector<16xf32>
      %mul3A_313 = arith.constant 0.707106769 : f32
      %mul3A_314 = vector.broadcast %mul3A_313 : f32 to vector<16xf32>
      %mul3A_315 = arith.mulf %get3A_312, %mul3A_314 : vector<16xf32>
      %swap3A_316 = arith.index_cast %add3A_309 : i32 to index
      %swap3A_317 = tpu.vector_load %arg6[%swap3A_316] {strides = array<i32>} : memref<16384xf32, #tpu.memory_space<vmem>>, vector<16xf32>,
      %swap3A_318 = vector.shape_cast %swap3A_317 : vector<16xf32> to vector<16xf32>
      %swap3A_319 = vector.shape_cast %mul3A_315 : vector<16xf32> to vector<16xf32>
      tpu.vector_store %arg6[%swap3A_316], %swap3A_319 {strides = array<i32>} : memref<16384xf32, #tpu.memory_space<vmem>>, vector<16xf32>,
      %mul3A_320 = arith.constant 256 : i32
      %mul3A_321 = arith.muli %scan3A_152, %mul3A_320 : i32
      %add3A_322 = arith.constant 192 : i32
      %add3A_323 = arith.addi %mul3A_321, %add3A_322 : i32
      %get3A_324 = arith.index_cast %add3A_323 : i32 to index
      %get3A_325 = tpu.vector_load %arg4[%get3A_324] {strides = array<i32>} : memref<16384xf32, #tpu.memory_space<vmem>>, vector<16xf32>,
      %get3A_326 = vector.shape_cast %get3A_325 : vector<16xf32> to vector<16xf32>
      %mul3A_327 = arith.constant 0.707106769 : f32
      %mul3A_328 = vector.broadcast %mul3A_327 : f32 to vector<16xf32>
      %mul3A_329 = arith.mulf %get3A_326, %mul3A_328 : vector<16xf32>
      %swap3A_330 = arith.index_cast %add3A_323 : i32 to index
      %swap3A_331 = tpu.vector_load %arg6[%swap3A_330] {strides = array<i32>} : memref<16384xf32, #tpu.memory_space<vmem>>, vector<16xf32>,
      %swap3A_332 = vector.shape_cast %swap3A_331 : vector<16xf32> to vector<16xf32>
      %swap3A_333 = vector.shape_cast %mul3A_329 : vector<16xf32> to vector<16xf32>
      tpu.vector_store %arg6[%swap3A_330], %swap3A_333 {strides = array<i32>} : memref<16384xf32, #tpu.memory_space<vmem>>, vector<16xf32>,
      %mul3A_334 = arith.constant 256 : i32
      %mul3A_335 = arith.muli %scan3A_152, %mul3A_334 : i32
      %add3A_336 = arith.constant 208 : i32
      %add3A_337 = arith.addi %mul3A_335, %add3A_336 : i32
      %get3A_338 = arith.index_cast %add3A_337 : i32 to index
      %get3A_339 = tpu.vector_load %arg4[%get3A_338] {strides = array<i32>} : memref<16384xf32, #tpu.memory_space<vmem>>, vector<16xf32>,
      %get3A_340 = vector.shape_cast %get3A_339 : vector<16xf32> to vector<16xf32>
      %mul3A_341 = arith.constant 0.707106769 : f32
      %mul3A_342 = vector.broadcast %mul3A_341 : f32 to vector<16xf32>
      %mul3A_343 = arith.mulf %get3A_340, %mul3A_342 : vector<16xf32>
      %swap3A_344 = arith.index_cast %add3A_337 : i32 to index
      %swap3A_345 = tpu.vector_load %arg6[%swap3A_344] {strides = array<i32>} : memref<16384xf32, #tpu.memory_space<vmem>>, vector<16xf32>,
      %swap3A_346 = vector.shape_cast %swap3A_345 : vector<16xf32> to vector<16xf32>
      %swap3A_347 = vector.shape_cast %mul3A_343 : vector<16xf32> to vector<16xf32>
      tpu.vector_store %arg6[%swap3A_344], %swap3A_347 {strides = array<i32>} : memref<16384xf32, #tpu.memory_space<vmem>>, vector<16xf32>,
      %mul3A_348 = arith.constant 256 : i32
      %mul3A_349 = arith.muli %scan3A_152, %mul3A_348 : i32
      %add3A_350 = arith.constant 224 : i32
      %add3A_351 = arith.addi %mul3A_349, %add3A_350 : i32
      %get3A_352 = arith.index_cast %add3A_351 : i32 to index
      %get3A_353 = tpu.vector_load %arg4[%get3A_352] {strides = array<i32>} : memref<16384xf32, #tpu.memory_space<vmem>>, vector<16xf32>,
      %get3A_354 = vector.shape_cast %get3A_353 : vector<16xf32> to vector<16xf32>
      %mul3A_355 = arith.constant 0.707106769 : f32
      %mul3A_356 = vector.broadcast %mul3A_355 : f32 to vector<16xf32>
      %mul3A_357 = arith.mulf %get3A_354, %mul3A_356 : vector<16xf32>
      %swap3A_358 = arith.index_cast %add3A_351 : i32 to index
      %swap3A_359 = tpu.vector_load %arg6[%swap3A_358] {strides = array<i32>} : memref<16384xf32, #tpu.memory_space<vmem>>, vector<16xf32>,
      %swap3A_360 = vector.shape_cast %swap3A_359 : vector<16xf32> to vector<16xf32>
      %swap3A_361 = vector.shape_cast %mul3A_357 : vector<16xf32> to vector<16xf32>
      tpu.vector_store %arg6[%swap3A_358], %swap3A_361 {strides = array<i32>} : memref<16384xf32, #tpu.memory_space<vmem>>, vector<16xf32>,
      %mul3A_362 = arith.constant 256 : i32
      %mul3A_363 = arith.muli %scan3A_152, %mul3A_362 : i32
      %add3A_364 = arith.constant 240 : i32
      %add3A_365 = arith.addi %mul3A_363, %add3A_364 : i32
      %get3A_366 = arith.index_cast %add3A_365 : i32 to index
      %get3A_367 = tpu.vector_load %arg4[%get3A_366] {strides = array<i32>} : memref<16384xf32, #tpu.memory_space<vmem>>, vector<16xf32>,
      %get3A_368 = vector.shape_cast %get3A_367 : vector<16xf32> to vector<16xf32>
      %mul3A_369 = arith.constant 0.707106769 : f32
      %mul3A_370 = vector.broadcast %mul3A_369 : f32 to vector<16xf32>
      %mul3A_371 = arith.mulf %get3A_368, %mul3A_370 : vector<16xf32>
      %swap3A_372 = arith.index_cast %add3A_365 : i32 to index
      %swap3A_373 = tpu.vector_load %arg6[%swap3A_372] {strides = array<i32>} : memref<16384xf32, #tpu.memory_space<vmem>>, vector<16xf32>,
      %swap3A_374 = vector.shape_cast %swap3A_373 : vector<16xf32> to vector<16xf32>
      %swap3A_375 = vector.shape_cast %mul3A_371 : vector<16xf32> to vector<16xf32>
      tpu.vector_store %arg6[%swap3A_372], %swap3A_375 {strides = array<i32>} : memref<16384xf32, #tpu.memory_space<vmem>>, vector<16xf32>,
      %scan3A_376 = arith.constant 0 : i32
      scf.yield %scan3A_376 : i32
    }
    %scan3A_52 = arith.constant 64 : i32
    %add3A_53 = arith.constant 32768 : i32
    %add3A_54 = arith.addi %mul3A_2, %add3A_53 : i32
    %dma_start3A_55 = tpu.memref_slice %arg3[%add3A_54] : memref<4194304xf32, #tpu.memory_space<hbm>> -> memref<16384xf32, #tpu.memory_space<hbm>>
    %dma_start3A_56 = tpu.memref_slice %arg3[%add3A_54] : memref<4194304xf32, #tpu.memory_space<hbm>> -> memref<16384xf32, #tpu.memory_space<hbm>>
    tpu.enqueue_dma source(%arg6 : memref<16384xf32, #tpu.memory_space<vmem>>) target(%dma_start3A_56 : memref<16384xf32, #tpu.memory_space<hbm>>) target_semaphore(%arg10 : memref<!tpu.dma_semaphore, #tpu.memory_space<semaphore_mem>>)
    %add3A_57 = arith.constant 65536 : i32
    %add3A_58 = arith.addi %mul3A_2, %add3A_57 : i32
    %dma_start3A_59 = tpu.memref_slice %arg2[%add3A_58] : memref<4194304xf32, #tpu.memory_space<hbm>> -> memref<16384xf32, #tpu.memory_space<hbm>>
    %dma_start3A_60 = tpu.memref_slice %arg2[%add3A_58] : memref<4194304xf32, #tpu.memory_space<hbm>> -> memref<16384xf32, #tpu.memory_space<hbm>>
    tpu.enqueue_dma source(%dma_start3A_60 : memref<16384xf32, #tpu.memory_space<hbm>>) target(%arg4 : memref<16384xf32, #tpu.memory_space<vmem>>) target_semaphore(%arg8 : memref<!tpu.dma_semaphore, #tpu.memory_space<semaphore_mem>>)
    %dma_wait3A_61 = tpu.memref_slice %arg2[%add3A_39] : memref<4194304xf32, #tpu.memory_space<hbm>> -> memref<16384xf32, #tpu.memory_space<hbm>>
    %dma_wait3A_62 = tpu.memref_slice %arg2[%add3A_39] : memref<4194304xf32, #tpu.memory_space<hbm>> -> memref<16384xf32, #tpu.memory_space<hbm>>
    tpu.wait_dma2 semaphore(%arg9 : memref<!tpu.dma_semaphore, #tpu.memory_space<semaphore_mem>>) src(%dma_wait3A_62 : memref<16384xf32, #tpu.memory_space<hbm>>) dst(%arg5 : memref<16384xf32, #tpu.memory_space<vmem>>)
    %dma_wait3A_63 = tpu.memref_slice %arg3[%add3A_35] : memref<4194304xf32, #tpu.memory_space<hbm>> -> memref<16384xf32, #tpu.memory_space<hbm>>
    %dma_wait3A_64 = tpu.memref_slice %arg3[%add3A_35] : memref<4194304xf32, #tpu.memory_space<hbm>> -> memref<16384xf32, #tpu.memory_space<hbm>>
    tpu.wait_dma2 semaphore(%arg11 : memref<!tpu.dma_semaphore, #tpu.memory_space<semaphore_mem>>) src(%arg7 : memref<16384xf32, #tpu.memory_space<vmem>>) dst(%dma_wait3A_64 : memref<16384xf32, #tpu.memory_space<hbm>>)
    %scan3A_65 = arith.constant 0 : i32
    %scan3A_66 = arith.constant 0 : i32
    %scan3A_67 = arith.constant 64 : i32
    %scan3A_68 = arith.addi %scan3A_66, %scan3A_67 : i32
    %scan3A_69 = arith.constant 1 : i32
    %scan3A_70 = scf.for %scan3A_152 = %scan3A_66 to %scan3A_68 step %scan3A_69 iter_args(%scan3A_153 = %scan3A_65) -> (i32)  : i32 {
      %mul3A_154 = arith.constant 256 : i32
      %mul3A_155 = arith.muli %scan3A_152, %mul3A_154 : i32
      %add3A_156 = arith.constant 0 : i32
      %add3A_157 = arith.addi %mul3A_155, %add3A_156 : i32
      %get3A = arith.index_cast %add3A_157 : i32 to index
      %get3A_158 = tpu.vector_load %arg5[%get3A] {strides = array<i32>} : memref<16384xf32, #tpu.memory_space<vmem>>, vector<16xf32>,
      %get3A_159 = vector.shape_cast %get3A_158 : vector<16xf32> to vector<16xf32>
      %mul3A_160 = arith.constant 0.707106769 : f32
      %mul3A_161 = vector.broadcast %mul3A_160 : f32 to vector<16xf32>
      %mul3A_162 = arith.mulf %get3A_159, %mul3A_161 : vector<16xf32>
      %swap3A = arith.index_cast %add3A_157 : i32 to index
      %swap3A_163 = tpu.vector_load %arg7[%swap3A] {strides = array<i32>} : memref<16384xf32, #tpu.memory_space<vmem>>, vector<16xf32>,
      %swap3A_164 = vector.shape_cast %swap3A_163 : vector<16xf32> to vector<16xf32>
      %swap3A_165 = vector.shape_cast %mul3A_162 : vector<16xf32> to vector<16xf32>
      tpu.vector_store %arg7[%swap3A], %swap3A_165 {strides = array<i32>} : memref<16384xf32, #tpu.memory_space<vmem>>, vector<16xf32>,
      %mul3A_166 = arith.constant 256 : i32
      %mul3A_167 = arith.muli %scan3A_152, %mul3A_166 : i32
      %add3A_168 = arith.constant 16 : i32
      %add3A_169 = arith.addi %mul3A_167, %add3A_168 : i32
      %get3A_170 = arith.index_cast %add3A_169 : i32 to index
      %get3A_171 = tpu.vector_load %arg5[%get3A_170] {strides = array<i32>} : memref<16384xf32, #tpu.memory_space<vmem>>, vector<16xf32>,
      %get3A_172 = vector.shape_cast %get3A_171 : vector<16xf32> to vector<16xf32>
      %mul3A_173 = arith.constant 0.707106769 : f32
      %mul3A_174 = vector.broadcast %mul3A_173 : f32 to vector<16xf32>
      %mul3A_175 = arith.mulf %get3A_172, %mul3A_174 : vector<16xf32>
      %swap3A_176 = arith.index_cast %add3A_169 : i32 to index
      %swap3A_177 = tpu.vector_load %arg7[%swap3A_176] {strides = array<i32>} : memref<16384xf32, #tpu.memory_space<vmem>>, vector<16xf32>,
      %swap3A_178 = vector.shape_cast %swap3A_177 : vector<16xf32> to vector<16xf32>
      %swap3A_179 = vector.shape_cast %mul3A_175 : vector<16xf32> to vector<16xf32>
      tpu.vector_store %arg7[%swap3A_176], %swap3A_179 {strides = array<i32>} : memref<16384xf32, #tpu.memory_space<vmem>>, vector<16xf32>,
      %mul3A_180 = arith.constant 256 : i32
      %mul3A_181 = arith.muli %scan3A_152, %mul3A_180 : i32
      %add3A_182 = arith.constant 32 : i32
      %add3A_183 = arith.addi %mul3A_181, %add3A_182 : i32
      %get3A_184 = arith.index_cast %add3A_183 : i32 to index
      %get3A_185 = tpu.vector_load %arg5[%get3A_184] {strides = array<i32>} : memref<16384xf32, #tpu.memory_space<vmem>>, vector<16xf32>,
      %get3A_186 = vector.shape_cast %get3A_185 : vector<16xf32> to vector<16xf32>
      %mul3A_187 = arith.constant 0.707106769 : f32
      %mul3A_188 = vector.broadcast %mul3A_187 : f32 to vector<16xf32>
      %mul3A_189 = arith.mulf %get3A_186, %mul3A_188 : vector<16xf32>
      %swap3A_190 = arith.index_cast %add3A_183 : i32 to index
      %swap3A_191 = tpu.vector_load %arg7[%swap3A_190] {strides = array<i32>} : memref<16384xf32, #tpu.memory_space<vmem>>, vector<16xf32>,
      %swap3A_192 = vector.shape_cast %swap3A_191 : vector<16xf32> to vector<16xf32>
      %swap3A_193 = vector.shape_cast %mul3A_189 : vector<16xf32> to vector<16xf32>
      tpu.vector_store %arg7[%swap3A_190], %swap3A_193 {strides = array<i32>} : memref<16384xf32, #tpu.memory_space<vmem>>, vector<16xf32>,
      %mul3A_194 = arith.constant 256 : i32
      %mul3A_195 = arith.muli %scan3A_152, %mul3A_194 : i32
      %add3A_196 = arith.constant 48 : i32
      %add3A_197 = arith.addi %mul3A_195, %add3A_196 : i32
      %get3A_198 = arith.index_cast %add3A_197 : i32 to index
      %get3A_199 = tpu.vector_load %arg5[%get3A_198] {strides = array<i32>} : memref<16384xf32, #tpu.memory_space<vmem>>, vector<16xf32>,
      %get3A_200 = vector.shape_cast %get3A_199 : vector<16xf32> to vector<16xf32>
      %mul3A_201 = arith.constant 0.707106769 : f32
      %mul3A_202 = vector.broadcast %mul3A_201 : f32 to vector<16xf32>
      %mul3A_203 = arith.mulf %get3A_200, %mul3A_202 : vector<16xf32>
      %swap3A_204 = arith.index_cast %add3A_197 : i32 to index
      %swap3A_205 = tpu.vector_load %arg7[%swap3A_204] {strides = array<i32>} : memref<16384xf32, #tpu.memory_space<vmem>>, vector<16xf32>,
      %swap3A_206 = vector.shape_cast %swap3A_205 : vector<16xf32> to vector<16xf32>
      %swap3A_207 = vector.shape_cast %mul3A_203 : vector<16xf32> to vector<16xf32>
      tpu.vector_store %arg7[%swap3A_204], %swap3A_207 {strides = array<i32>} : memref<16384xf32, #tpu.memory_space<vmem>>, vector<16xf32>,
      %mul3A_208 = arith.constant 256 : i32
      %mul3A_209 = arith.muli %scan3A_152, %mul3A_208 : i32
      %add3A_210 = arith.constant 64 : i32
      %add3A_211 = arith.addi %mul3A_209, %add3A_210 : i32
      %get3A_212 = arith.index_cast %add3A_211 : i32 to index
      %get3A_213 = tpu.vector_load %arg5[%get3A_212] {strides = array<i32>} : memref<16384xf32, #tpu.memory_space<vmem>>, vector<16xf32>,
      %get3A_214 = vector.shape_cast %get3A_213 : vector<16xf32> to vector<16xf32>
      %mul3A_215 = arith.constant 0.707106769 : f32
      %mul3A_216 = vector.broadcast %mul3A_215 : f32 to vector<16xf32>
      %mul3A_217 = arith.mulf %get3A_214, %mul3A_216 : vector<16xf32>
      %swap3A_218 = arith.index_cast %add3A_211 : i32 to index
      %swap3A_219 = tpu.vector_load %arg7[%swap3A_218] {strides = array<i32>} : memref<16384xf32, #tpu.memory_space<vmem>>, vector<16xf32>,
      %swap3A_220 = vector.shape_cast %swap3A_219 : vector<16xf32> to vector<16xf32>
      %swap3A_221 = vector.shape_cast %mul3A_217 : vector<16xf32> to vector<16xf32>
      tpu.vector_store %arg7[%swap3A_218], %swap3A_221 {strides = array<i32>} : memref<16384xf32, #tpu.memory_space<vmem>>, vector<16xf32>,
      %mul3A_222 = arith.constant 256 : i32
      %mul3A_223 = arith.muli %scan3A_152, %mul3A_222 : i32
      %add3A_224 = arith.constant 80 : i32
      %add3A_225 = arith.addi %mul3A_223, %add3A_224 : i32
      %get3A_226 = arith.index_cast %add3A_225 : i32 to index
      %get3A_227 = tpu.vector_load %arg5[%get3A_226] {strides = array<i32>} : memref<16384xf32, #tpu.memory_space<vmem>>, vector<16xf32>,
      %get3A_228 = vector.shape_cast %get3A_227 : vector<16xf32> to vector<16xf32>
      %mul3A_229 = arith.constant 0.707106769 : f32
      %mul3A_230 = vector.broadcast %mul3A_229 : f32 to vector<16xf32>
      %mul3A_231 = arith.mulf %get3A_228, %mul3A_230 : vector<16xf32>
      %swap3A_232 = arith.index_cast %add3A_225 : i32 to index
      %swap3A_233 = tpu.vector_load %arg7[%swap3A_232] {strides = array<i32>} : memref<16384xf32, #tpu.memory_space<vmem>>, vector<16xf32>,
      %swap3A_234 = vector.shape_cast %swap3A_233 : vector<16xf32> to vector<16xf32>
      %swap3A_235 = vector.shape_cast %mul3A_231 : vector<16xf32> to vector<16xf32>
      tpu.vector_store %arg7[%swap3A_232], %swap3A_235 {strides = array<i32>} : memref<16384xf32, #tpu.memory_space<vmem>>, vector<16xf32>,
      %mul3A_236 = arith.constant 256 : i32
      %mul3A_237 = arith.muli %scan3A_152, %mul3A_236 : i32
      %add3A_238 = arith.constant 96 : i32
      %add3A_239 = arith.addi %mul3A_237, %add3A_238 : i32
      %get3A_240 = arith.index_cast %add3A_239 : i32 to index
      %get3A_241 = tpu.vector_load %arg5[%get3A_240] {strides = array<i32>} : memref<16384xf32, #tpu.memory_space<vmem>>, vector<16xf32>,
      %get3A_242 = vector.shape_cast %get3A_241 : vector<16xf32> to vector<16xf32>
      %mul3A_243 = arith.constant 0.707106769 : f32
      %mul3A_244 = vector.broadcast %mul3A_243 : f32 to vector<16xf32>
      %mul3A_245 = arith.mulf %get3A_242, %mul3A_244 : vector<16xf32>
      %swap3A_246 = arith.index_cast %add3A_239 : i32 to index
      %swap3A_247 = tpu.vector_load %arg7[%swap3A_246] {strides = array<i32>} : memref<16384xf32, #tpu.memory_space<vmem>>, vector<16xf32>,
      %swap3A_248 = vector.shape_cast %swap3A_247 : vector<16xf32> to vector<16xf32>
      %swap3A_249 = vector.shape_cast %mul3A_245 : vector<16xf32> to vector<16xf32>
      tpu.vector_store %arg7[%swap3A_246], %swap3A_249 {strides = array<i32>} : memref<16384xf32, #tpu.memory_space<vmem>>, vector<16xf32>,
      %mul3A_250 = arith.constant 256 : i32
      %mul3A_251 = arith.muli %scan3A_152, %mul3A_250 : i32
      %add3A_252 = arith.constant 112 : i32
      %add3A_253 = arith.addi %mul3A_251, %add3A_252 : i32
      %get3A_254 = arith.index_cast %add3A_253 : i32 to index
      %get3A_255 = tpu.vector_load %arg5[%get3A_254] {strides = array<i32>} : memref<16384xf32, #tpu.memory_space<vmem>>, vector<16xf32>,
      %get3A_256 = vector.shape_cast %get3A_255 : vector<16xf32> to vector<16xf32>
      %mul3A_257 = arith.constant 0.707106769 : f32
      %mul3A_258 = vector.broadcast %mul3A_257 : f32 to vector<16xf32>
      %mul3A_259 = arith.mulf %get3A_256, %mul3A_258 : vector<16xf32>
      %swap3A_260 = arith.index_cast %add3A_253 : i32 to index
      %swap3A_261 = tpu.vector_load %arg7[%swap3A_260] {strides = array<i32>} : memref<16384xf32, #tpu.memory_space<vmem>>, vector<16xf32>,
      %swap3A_262 = vector.shape_cast %swap3A_261 : vector<16xf32> to vector<16xf32>
      %swap3A_263 = vector.shape_cast %mul3A_259 : vector<16xf32> to vector<16xf32>
      tpu.vector_store %arg7[%swap3A_260], %swap3A_263 {strides = array<i32>} : memref<16384xf32, #tpu.memory_space<vmem>>, vector<16xf32>,
      %mul3A_264 = arith.constant 256 : i32
      %mul3A_265 = arith.muli %scan3A_152, %mul3A_264 : i32
      %add3A_266 = arith.constant 128 : i32
      %add3A_267 = arith.addi %mul3A_265, %add3A_266 : i32
      %get3A_268 = arith.index_cast %add3A_267 : i32 to index
      %get3A_269 = tpu.vector_load %arg5[%get3A_268] {strides = array<i32>} : memref<16384xf32, #tpu.memory_space<vmem>>, vector<16xf32>,
      %get3A_270 = vector.shape_cast %get3A_269 : vector<16xf32> to vector<16xf32>
      %mul3A_271 = arith.constant 0.707106769 : f32
      %mul3A_272 = vector.broadcast %mul3A_271 : f32 to vector<16xf32>
      %mul3A_273 = arith.mulf %get3A_270, %mul3A_272 : vector<16xf32>
      %swap3A_274 = arith.index_cast %add3A_267 : i32 to index
      %swap3A_275 = tpu.vector_load %arg7[%swap3A_274] {strides = array<i32>} : memref<16384xf32, #tpu.memory_space<vmem>>, vector<16xf32>,
      %swap3A_276 = vector.shape_cast %swap3A_275 : vector<16xf32> to vector<16xf32>
      %swap3A_277 = vector.shape_cast %mul3A_273 : vector<16xf32> to vector<16xf32>
      tpu.vector_store %arg7[%swap3A_274], %swap3A_277 {strides = array<i32>} : memref<16384xf32, #tpu.memory_space<vmem>>, vector<16xf32>,
      %mul3A_278 = arith.constant 256 : i32
      %mul3A_279 = arith.muli %scan3A_152, %mul3A_278 : i32
      %add3A_280 = arith.constant 144 : i32
      %add3A_281 = arith.addi %mul3A_279, %add3A_280 : i32
      %get3A_282 = arith.index_cast %add3A_281 : i32 to index
      %get3A_283 = tpu.vector_load %arg5[%get3A_282] {strides = array<i32>} : memref<16384xf32, #tpu.memory_space<vmem>>, vector<16xf32>,
      %get3A_284 = vector.shape_cast %get3A_283 : vector<16xf32> to vector<16xf32>
      %mul3A_285 = arith.constant 0.707106769 : f32
      %mul3A_286 = vector.broadcast %mul3A_285 : f32 to vector<16xf32>
      %mul3A_287 = arith.mulf %get3A_284, %mul3A_286 : vector<16xf32>
      %swap3A_288 = arith.index_cast %add3A_281 : i32 to index
      %swap3A_289 = tpu.vector_load %arg7[%swap3A_288] {strides = array<i32>} : memref<16384xf32, #tpu.memory_space<vmem>>, vector<16xf32>,
      %swap3A_290 = vector.shape_cast %swap3A_289 : vector<16xf32> to vector<16xf32>
      %swap3A_291 = vector.shape_cast %mul3A_287 : vector<16xf32> to vector<16xf32>
      tpu.vector_store %arg7[%swap3A_288], %swap3A_291 {strides = array<i32>} : memref<16384xf32, #tpu.memory_space<vmem>>, vector<16xf32>,
      %mul3A_292 = arith.constant 256 : i32
      %mul3A_293 = arith.muli %scan3A_152, %mul3A_292 : i32
      %add3A_294 = arith.constant 160 : i32
      %add3A_295 = arith.addi %mul3A_293, %add3A_294 : i32
      %get3A_296 = arith.index_cast %add3A_295 : i32 to index
      %get3A_297 = tpu.vector_load %arg5[%get3A_296] {strides = array<i32>} : memref<16384xf32, #tpu.memory_space<vmem>>, vector<16xf32>,
      %get3A_298 = vector.shape_cast %get3A_297 : vector<16xf32> to vector<16xf32>
      %mul3A_299 = arith.constant 0.707106769 : f32
      %mul3A_300 = vector.broadcast %mul3A_299 : f32 to vector<16xf32>
      %mul3A_301 = arith.mulf %get3A_298, %mul3A_300 : vector<16xf32>
      %swap3A_302 = arith.index_cast %add3A_295 : i32 to index
      %swap3A_303 = tpu.vector_load %arg7[%swap3A_302] {strides = array<i32>} : memref<16384xf32, #tpu.memory_space<vmem>>, vector<16xf32>,
      %swap3A_304 = vector.shape_cast %swap3A_303 : vector<16xf32> to vector<16xf32>
      %swap3A_305 = vector.shape_cast %mul3A_301 : vector<16xf32> to vector<16xf32>
      tpu.vector_store %arg7[%swap3A_302], %swap3A_305 {strides = array<i32>} : memref<16384xf32, #tpu.memory_space<vmem>>, vector<16xf32>,
      %mul3A_306 = arith.constant 256 : i32
      %mul3A_307 = arith.muli %scan3A_152, %mul3A_306 : i32
      %add3A_308 = arith.constant 176 : i32
      %add3A_309 = arith.addi %mul3A_307, %add3A_308 : i32
      %get3A_310 = arith.index_cast %add3A_309 : i32 to index
      %get3A_311 = tpu.vector_load %arg5[%get3A_310] {strides = array<i32>} : memref<16384xf32, #tpu.memory_space<vmem>>, vector<16xf32>,
      %get3A_312 = vector.shape_cast %get3A_311 : vector<16xf32> to vector<16xf32>
      %mul3A_313 = arith.constant 0.707106769 : f32
      %mul3A_314 = vector.broadcast %mul3A_313 : f32 to vector<16xf32>
      %mul3A_315 = arith.mulf %get3A_312, %mul3A_314 : vector<16xf32>
      %swap3A_316 = arith.index_cast %add3A_309 : i32 to index
      %swap3A_317 = tpu.vector_load %arg7[%swap3A_316] {strides = array<i32>} : memref<16384xf32, #tpu.memory_space<vmem>>, vector<16xf32>,
      %swap3A_318 = vector.shape_cast %swap3A_317 : vector<16xf32> to vector<16xf32>
      %swap3A_319 = vector.shape_cast %mul3A_315 : vector<16xf32> to vector<16xf32>
      tpu.vector_store %arg7[%swap3A_316], %swap3A_319 {strides = array<i32>} : memref<16384xf32, #tpu.memory_space<vmem>>, vector<16xf32>,
      %mul3A_320 = arith.constant 256 : i32
      %mul3A_321 = arith.muli %scan3A_152, %mul3A_320 : i32
      %add3A_322 = arith.constant 192 : i32
      %add3A_323 = arith.addi %mul3A_321, %add3A_322 : i32
      %get3A_324 = arith.index_cast %add3A_323 : i32 to index
      %get3A_325 = tpu.vector_load %arg5[%get3A_324] {strides = array<i32>} : memref<16384xf32, #tpu.memory_space<vmem>>, vector<16xf32>,
      %get3A_326 = vector.shape_cast %get3A_325 : vector<16xf32> to vector<16xf32>
      %mul3A_327 = arith.constant 0.707106769 : f32
      %mul3A_328 = vector.broadcast %mul3A_327 : f32 to vector<16xf32>
      %mul3A_329 = arith.mulf %get3A_326, %mul3A_328 : vector<16xf32>
      %swap3A_330 = arith.index_cast %add3A_323 : i32 to index
      %swap3A_331 = tpu.vector_load %arg7[%swap3A_330] {strides = array<i32>} : memref<16384xf32, #tpu.memory_space<vmem>>, vector<16xf32>,
      %swap3A_332 = vector.shape_cast %swap3A_331 : vector<16xf32> to vector<16xf32>
      %swap3A_333 = vector.shape_cast %mul3A_329 : vector<16xf32> to vector<16xf32>
      tpu.vector_store %arg7[%swap3A_330], %swap3A_333 {strides = array<i32>} : memref<16384xf32, #tpu.memory_space<vmem>>, vector<16xf32>,
      %mul3A_334 = arith.constant 256 : i32
      %mul3A_335 = arith.muli %scan3A_152, %mul3A_334 : i32
      %add3A_336 = arith.constant 208 : i32
      %add3A_337 = arith.addi %mul3A_335, %add3A_336 : i32
      %get3A_338 = arith.index_cast %add3A_337 : i32 to index
      %get3A_339 = tpu.vector_load %arg5[%get3A_338] {strides = array<i32>} : memref<16384xf32, #tpu.memory_space<vmem>>, vector<16xf32>,
      %get3A_340 = vector.shape_cast %get3A_339 : vector<16xf32> to vector<16xf32>
      %mul3A_341 = arith.constant 0.707106769 : f32
      %mul3A_342 = vector.broadcast %mul3A_341 : f32 to vector<16xf32>
      %mul3A_343 = arith.mulf %get3A_340, %mul3A_342 : vector<16xf32>
      %swap3A_344 = arith.index_cast %add3A_337 : i32 to index
      %swap3A_345 = tpu.vector_load %arg7[%swap3A_344] {strides = array<i32>} : memref<16384xf32, #tpu.memory_space<vmem>>, vector<16xf32>,
      %swap3A_346 = vector.shape_cast %swap3A_345 : vector<16xf32> to vector<16xf32>
      %swap3A_347 = vector.shape_cast %mul3A_343 : vector<16xf32> to vector<16xf32>
      tpu.vector_store %arg7[%swap3A_344], %swap3A_347 {strides = array<i32>} : memref<16384xf32, #tpu.memory_space<vmem>>, vector<16xf32>,
      %mul3A_348 = arith.constant 256 : i32
      %mul3A_349 = arith.muli %scan3A_152, %mul3A_348 : i32
      %add3A_350 = arith.constant 224 : i32
      %add3A_351 = arith.addi %mul3A_349, %add3A_350 : i32
      %get3A_352 = arith.index_cast %add3A_351 : i32 to index
      %get3A_353 = tpu.vector_load %arg5[%get3A_352] {strides = array<i32>} : memref<16384xf32, #tpu.memory_space<vmem>>, vector<16xf32>,
      %get3A_354 = vector.shape_cast %get3A_353 : vector<16xf32> to vector<16xf32>
      %mul3A_355 = arith.constant 0.707106769 : f32
      %mul3A_356 = vector.broadcast %mul3A_355 : f32 to vector<16xf32>
      %mul3A_357 = arith.mulf %get3A_354, %mul3A_356 : vector<16xf32>
      %swap3A_358 = arith.index_cast %add3A_351 : i32 to index
      %swap3A_359 = tpu.vector_load %arg7[%swap3A_358] {strides = array<i32>} : memref<16384xf32, #tpu.memory_space<vmem>>, vector<16xf32>,
      %swap3A_360 = vector.shape_cast %swap3A_359 : vector<16xf32> to vector<16xf32>
      %swap3A_361 = vector.shape_cast %mul3A_357 : vector<16xf32> to vector<16xf32>
      tpu.vector_store %arg7[%swap3A_358], %swap3A_361 {strides = array<i32>} : memref<16384xf32, #tpu.memory_space<vmem>>, vector<16xf32>,
      %mul3A_362 = arith.constant 256 : i32
      %mul3A_363 = arith.muli %scan3A_152, %mul3A_362 : i32
      %add3A_364 = arith.constant 240 : i32
      %add3A_365 = arith.addi %mul3A_363, %add3A_364 : i32
      %get3A_366 = arith.index_cast %add3A_365 : i32 to index
      %get3A_367 = tpu.vector_load %arg5[%get3A_366] {strides = array<i32>} : memref<16384xf32, #tpu.memory_space<vmem>>, vector<16xf32>,
      %get3A_368 = vector.shape_cast %get3A_367 : vector<16xf32> to vector<16xf32>
      %mul3A_369 = arith.constant 0.707106769 : f32
      %mul3A_370 = vector.broadcast %mul3A_369 : f32 to vector<16xf32>
      %mul3A_371 = arith.mulf %get3A_368, %mul3A_370 : vector<16xf32>
      %swap3A_372 = arith.index_cast %add3A_365 : i32 to index
      %swap3A_373 = tpu.vector_load %arg7[%swap3A_372] {strides = array<i32>} : memref<16384xf32, #tpu.memory_space<vmem>>, vector<16xf32>,
      %swap3A_374 = vector.shape_cast %swap3A_373 : vector<16xf32> to vector<16xf32>
      %swap3A_375 = vector.shape_cast %mul3A_371 : vector<16xf32> to vector<16xf32>
      tpu.vector_store %arg7[%swap3A_372], %swap3A_375 {strides = array<i32>} : memref<16384xf32, #tpu.memory_space<vmem>>, vector<16xf32>,
      %scan3A_376 = arith.constant 0 : i32
      scf.yield %scan3A_376 : i32
    }
    %scan3A_71 = arith.constant 64 : i32
    %add3A_72 = arith.constant 49152 : i32
    %add3A_73 = arith.addi %mul3A_2, %add3A_72 : i32
    %dma_start3A_74 = tpu.memref_slice %arg3[%add3A_73] : memref<4194304xf32, #tpu.memory_space<hbm>> -> memref<16384xf32, #tpu.memory_space<hbm>>
    %dma_start3A_75 = tpu.memref_slice %arg3[%add3A_73] : memref<4194304xf32, #tpu.memory_space<hbm>> -> memref<16384xf32, #tpu.memory_space<hbm>>
    tpu.enqueue_dma source(%arg7 : memref<16384xf32, #tpu.memory_space<vmem>>) target(%dma_start3A_75 : memref<16384xf32, #tpu.memory_space<hbm>>) target_semaphore(%arg11 : memref<!tpu.dma_semaphore, #tpu.memory_space<semaphore_mem>>)
    %add3A_76 = arith.constant 81920 : i32
    %add3A_77 = arith.addi %mul3A_2, %add3A_76 : i32
    %dma_start3A_78 = tpu.memref_slice %arg2[%add3A_77] : memref<4194304xf32, #tpu.memory_space<hbm>> -> memref<16384xf32, #tpu.memory_space<hbm>>
    %dma_start3A_79 = tpu.memref_slice %arg2[%add3A_77] : memref<4194304xf32, #tpu.memory_space<hbm>> -> memref<16384xf32, #tpu.memory_space<hbm>>
    tpu.enqueue_dma source(%dma_start3A_79 : memref<16384xf32, #tpu.memory_space<hbm>>) target(%arg5 : memref<16384xf32, #tpu.memory_space<vmem>>) target_semaphore(%arg9 : memref<!tpu.dma_semaphore, #tpu.memory_space<semaphore_mem>>)
    %dma_wait3A_80 = tpu.memref_slice %arg2[%add3A_58] : memref<4194304xf32, #tpu.memory_space<hbm>> -> memref<16384xf32, #tpu.memory_space<hbm>>
    %dma_wait3A_81 = tpu.memref_slice %arg2[%add3A_58] : memref<4194304xf32, #tpu.memory_space<hbm>> -> memref<16384xf32, #tpu.memory_space<hbm>>
    tpu.wait_dma2 semaphore(%arg8 : memref<!tpu.dma_semaphore, #tpu.memory_space<semaphore_mem>>) src(%dma_wait3A_81 : memref<16384xf32, #tpu.memory_space<hbm>>) dst(%arg4 : memref<16384xf32, #tpu.memory_space<vmem>>)
    %dma_wait3A_82 = tpu.memref_slice %arg3[%add3A_54] : memref<4194304xf32, #tpu.memory_space<hbm>> -> memref<16384xf32, #tpu.memory_space<hbm>>
    %dma_wait3A_83 = tpu.memref_slice %arg3[%add3A_54] : memref<4194304xf32, #tpu.memory_space<hbm>> -> memref<16384xf32, #tpu.memory_space<hbm>>
    tpu.wait_dma2 semaphore(%arg10 : memref<!tpu.dma_semaphore, #tpu.memory_space<semaphore_mem>>) src(%arg6 : memref<16384xf32, #tpu.memory_space<vmem>>) dst(%dma_wait3A_83 : memref<16384xf32, #tpu.memory_space<hbm>>)
    %scan3A_84 = arith.constant 0 : i32
    %scan3A_85 = arith.constant 0 : i32
    %scan3A_86 = arith.constant 64 : i32
    %scan3A_87 = arith.addi %scan3A_85, %scan3A_86 : i32
    %scan3A_88 = arith.constant 1 : i32
    %scan3A_89 = scf.for %scan3A_152 = %scan3A_85 to %scan3A_87 step %scan3A_88 iter_args(%scan3A_153 = %scan3A_84) -> (i32)  : i32 {
      %mul3A_154 = arith.constant 256 : i32
      %mul3A_155 = arith.muli %scan3A_152, %mul3A_154 : i32
      %add3A_156 = arith.constant 0 : i32
      %add3A_157 = arith.addi %mul3A_155, %add3A_156 : i32
      %get3A = arith.index_cast %add3A_157 : i32 to index
      %get3A_158 = tpu.vector_load %arg4[%get3A] {strides = array<i32>} : memref<16384xf32, #tpu.memory_space<vmem>>, vector<16xf32>,
      %get3A_159 = vector.shape_cast %get3A_158 : vector<16xf32> to vector<16xf32>
      %mul3A_160 = arith.constant 0.707106769 : f32
      %mul3A_161 = vector.broadcast %mul3A_160 : f32 to vector<16xf32>
      %mul3A_162 = arith.mulf %get3A_159, %mul3A_161 : vector<16xf32>
      %swap3A = arith.index_cast %add3A_157 : i32 to index
      %swap3A_163 = tpu.vector_load %arg6[%swap3A] {strides = array<i32>} : memref<16384xf32, #tpu.memory_space<vmem>>, vector<16xf32>,
      %swap3A_164 = vector.shape_cast %swap3A_163 : vector<16xf32> to vector<16xf32>
      %swap3A_165 = vector.shape_cast %mul3A_162 : vector<16xf32> to vector<16xf32>
      tpu.vector_store %arg6[%swap3A], %swap3A_165 {strides = array<i32>} : memref<16384xf32, #tpu.memory_space<vmem>>, vector<16xf32>,
      %mul3A_166 = arith.constant 256 : i32
      %mul3A_167 = arith.muli %scan3A_152, %mul3A_166 : i32
      %add3A_168 = arith.constant 16 : i32
      %add3A_169 = arith.addi %mul3A_167, %add3A_168 : i32
      %get3A_170 = arith.index_cast %add3A_169 : i32 to index
      %get3A_171 = tpu.vector_load %arg4[%get3A_170] {strides = array<i32>} : memref<16384xf32, #tpu.memory_space<vmem>>, vector<16xf32>,
      %get3A_172 = vector.shape_cast %get3A_171 : vector<16xf32> to vector<16xf32>
      %mul3A_173 = arith.constant 0.707106769 : f32
      %mul3A_174 = vector.broadcast %mul3A_173 : f32 to vector<16xf32>
      %mul3A_175 = arith.mulf %get3A_172, %mul3A_174 : vector<16xf32>
      %swap3A_176 = arith.index_cast %add3A_169 : i32 to index
      %swap3A_177 = tpu.vector_load %arg6[%swap3A_176] {strides = array<i32>} : memref<16384xf32, #tpu.memory_space<vmem>>, vector<16xf32>,
      %swap3A_178 = vector.shape_cast %swap3A_177 : vector<16xf32> to vector<16xf32>
      %swap3A_179 = vector.shape_cast %mul3A_175 : vector<16xf32> to vector<16xf32>
      tpu.vector_store %arg6[%swap3A_176], %swap3A_179 {strides = array<i32>} : memref<16384xf32, #tpu.memory_space<vmem>>, vector<16xf32>,
      %mul3A_180 = arith.constant 256 : i32
      %mul3A_181 = arith.muli %scan3A_152, %mul3A_180 : i32
      %add3A_182 = arith.constant 32 : i32
      %add3A_183 = arith.addi %mul3A_181, %add3A_182 : i32
      %get3A_184 = arith.index_cast %add3A_183 : i32 to index
      %get3A_185 = tpu.vector_load %arg4[%get3A_184] {strides = array<i32>} : memref<16384xf32, #tpu.memory_space<vmem>>, vector<16xf32>,
      %get3A_186 = vector.shape_cast %get3A_185 : vector<16xf32> to vector<16xf32>
      %mul3A_187 = arith.constant 0.707106769 : f32
      %mul3A_188 = vector.broadcast %mul3A_187 : f32 to vector<16xf32>
      %mul3A_189 = arith.mulf %get3A_186, %mul3A_188 : vector<16xf32>
      %swap3A_190 = arith.index_cast %add3A_183 : i32 to index
      %swap3A_191 = tpu.vector_load %arg6[%swap3A_190] {strides = array<i32>} : memref<16384xf32, #tpu.memory_space<vmem>>, vector<16xf32>,
      %swap3A_192 = vector.shape_cast %swap3A_191 : vector<16xf32> to vector<16xf32>
      %swap3A_193 = vector.shape_cast %mul3A_189 : vector<16xf32> to vector<16xf32>
      tpu.vector_store %arg6[%swap3A_190], %swap3A_193 {strides = array<i32>} : memref<16384xf32, #tpu.memory_space<vmem>>, vector<16xf32>,
      %mul3A_194 = arith.constant 256 : i32
      %mul3A_195 = arith.muli %scan3A_152, %mul3A_194 : i32
      %add3A_196 = arith.constant 48 : i32
      %add3A_197 = arith.addi %mul3A_195, %add3A_196 : i32
      %get3A_198 = arith.index_cast %add3A_197 : i32 to index
      %get3A_199 = tpu.vector_load %arg4[%get3A_198] {strides = array<i32>} : memref<16384xf32, #tpu.memory_space<vmem>>, vector<16xf32>,
      %get3A_200 = vector.shape_cast %get3A_199 : vector<16xf32> to vector<16xf32>
      %mul3A_201 = arith.constant 0.707106769 : f32
      %mul3A_202 = vector.broadcast %mul3A_201 : f32 to vector<16xf32>
      %mul3A_203 = arith.mulf %get3A_200, %mul3A_202 : vector<16xf32>
      %swap3A_204 = arith.index_cast %add3A_197 : i32 to index
      %swap3A_205 = tpu.vector_load %arg6[%swap3A_204] {strides = array<i32>} : memref<16384xf32, #tpu.memory_space<vmem>>, vector<16xf32>,
      %swap3A_206 = vector.shape_cast %swap3A_205 : vector<16xf32> to vector<16xf32>
      %swap3A_207 = vector.shape_cast %mul3A_203 : vector<16xf32> to vector<16xf32>
      tpu.vector_store %arg6[%swap3A_204], %swap3A_207 {strides = array<i32>} : memref<16384xf32, #tpu.memory_space<vmem>>, vector<16xf32>,
      %mul3A_208 = arith.constant 256 : i32
      %mul3A_209 = arith.muli %scan3A_152, %mul3A_208 : i32
      %add3A_210 = arith.constant 64 : i32
      %add3A_211 = arith.addi %mul3A_209, %add3A_210 : i32
      %get3A_212 = arith.index_cast %add3A_211 : i32 to index
      %get3A_213 = tpu.vector_load %arg4[%get3A_212] {strides = array<i32>} : memref<16384xf32, #tpu.memory_space<vmem>>, vector<16xf32>,
      %get3A_214 = vector.shape_cast %get3A_213 : vector<16xf32> to vector<16xf32>
      %mul3A_215 = arith.constant 0.707106769 : f32
      %mul3A_216 = vector.broadcast %mul3A_215 : f32 to vector<16xf32>
      %mul3A_217 = arith.mulf %get3A_214, %mul3A_216 : vector<16xf32>
      %swap3A_218 = arith.index_cast %add3A_211 : i32 to index
      %swap3A_219 = tpu.vector_load %arg6[%swap3A_218] {strides = array<i32>} : memref<16384xf32, #tpu.memory_space<vmem>>, vector<16xf32>,
      %swap3A_220 = vector.shape_cast %swap3A_219 : vector<16xf32> to vector<16xf32>
      %swap3A_221 = vector.shape_cast %mul3A_217 : vector<16xf32> to vector<16xf32>
      tpu.vector_store %arg6[%swap3A_218], %swap3A_221 {strides = array<i32>} : memref<16384xf32, #tpu.memory_space<vmem>>, vector<16xf32>,
      %mul3A_222 = arith.constant 256 : i32
      %mul3A_223 = arith.muli %scan3A_152, %mul3A_222 : i32
      %add3A_224 = arith.constant 80 : i32
      %add3A_225 = arith.addi %mul3A_223, %add3A_224 : i32
      %get3A_226 = arith.index_cast %add3A_225 : i32 to index
      %get3A_227 = tpu.vector_load %arg4[%get3A_226] {strides = array<i32>} : memref<16384xf32, #tpu.memory_space<vmem>>, vector<16xf32>,
      %get3A_228 = vector.shape_cast %get3A_227 : vector<16xf32> to vector<16xf32>
      %mul3A_229 = arith.constant 0.707106769 : f32
      %mul3A_230 = vector.broadcast %mul3A_229 : f32 to vector<16xf32>
      %mul3A_231 = arith.mulf %get3A_228, %mul3A_230 : vector<16xf32>
      %swap3A_232 = arith.index_cast %add3A_225 : i32 to index
      %swap3A_233 = tpu.vector_load %arg6[%swap3A_232] {strides = array<i32>} : memref<16384xf32, #tpu.memory_space<vmem>>, vector<16xf32>,
      %swap3A_234 = vector.shape_cast %swap3A_233 : vector<16xf32> to vector<16xf32>
      %swap3A_235 = vector.shape_cast %mul3A_231 : vector<16xf32> to vector<16xf32>
      tpu.vector_store %arg6[%swap3A_232], %swap3A_235 {strides = array<i32>} : memref<16384xf32, #tpu.memory_space<vmem>>, vector<16xf32>,
      %mul3A_236 = arith.constant 256 : i32
      %mul3A_237 = arith.muli %scan3A_152, %mul3A_236 : i32
      %add3A_238 = arith.constant 96 : i32
      %add3A_239 = arith.addi %mul3A_237, %add3A_238 : i32
      %get3A_240 = arith.index_cast %add3A_239 : i32 to index
      %get3A_241 = tpu.vector_load %arg4[%get3A_240] {strides = array<i32>} : memref<16384xf32, #tpu.memory_space<vmem>>, vector<16xf32>,
      %get3A_242 = vector.shape_cast %get3A_241 : vector<16xf32> to vector<16xf32>
      %mul3A_243 = arith.constant 0.707106769 : f32
      %mul3A_244 = vector.broadcast %mul3A_243 : f32 to vector<16xf32>
      %mul3A_245 = arith.mulf %get3A_242, %mul3A_244 : vector<16xf32>
      %swap3A_246 = arith.index_cast %add3A_239 : i32 to index
      %swap3A_247 = tpu.vector_load %arg6[%swap3A_246] {strides = array<i32>} : memref<16384xf32, #tpu.memory_space<vmem>>, vector<16xf32>,
      %swap3A_248 = vector.shape_cast %swap3A_247 : vector<16xf32> to vector<16xf32>
      %swap3A_249 = vector.shape_cast %mul3A_245 : vector<16xf32> to vector<16xf32>
      tpu.vector_store %arg6[%swap3A_246], %swap3A_249 {strides = array<i32>} : memref<16384xf32, #tpu.memory_space<vmem>>, vector<16xf32>,
      %mul3A_250 = arith.constant 256 : i32
      %mul3A_251 = arith.muli %scan3A_152, %mul3A_250 : i32
      %add3A_252 = arith.constant 112 : i32
      %add3A_253 = arith.addi %mul3A_251, %add3A_252 : i32
      %get3A_254 = arith.index_cast %add3A_253 : i32 to index
      %get3A_255 = tpu.vector_load %arg4[%get3A_254] {strides = array<i32>} : memref<16384xf32, #tpu.memory_space<vmem>>, vector<16xf32>,
      %get3A_256 = vector.shape_cast %get3A_255 : vector<16xf32> to vector<16xf32>
      %mul3A_257 = arith.constant 0.707106769 : f32
      %mul3A_258 = vector.broadcast %mul3A_257 : f32 to vector<16xf32>
      %mul3A_259 = arith.mulf %get3A_256, %mul3A_258 : vector<16xf32>
      %swap3A_260 = arith.index_cast %add3A_253 : i32 to index
      %swap3A_261 = tpu.vector_load %arg6[%swap3A_260] {strides = array<i32>} : memref<16384xf32, #tpu.memory_space<vmem>>, vector<16xf32>,
      %swap3A_262 = vector.shape_cast %swap3A_261 : vector<16xf32> to vector<16xf32>
      %swap3A_263 = vector.shape_cast %mul3A_259 : vector<16xf32> to vector<16xf32>
      tpu.vector_store %arg6[%swap3A_260], %swap3A_263 {strides = array<i32>} : memref<16384xf32, #tpu.memory_space<vmem>>, vector<16xf32>,
      %mul3A_264 = arith.constant 256 : i32
      %mul3A_265 = arith.muli %scan3A_152, %mul3A_264 : i32
      %add3A_266 = arith.constant 128 : i32
      %add3A_267 = arith.addi %mul3A_265, %add3A_266 : i32
      %get3A_268 = arith.index_cast %add3A_267 : i32 to index
      %get3A_269 = tpu.vector_load %arg4[%get3A_268] {strides = array<i32>} : memref<16384xf32, #tpu.memory_space<vmem>>, vector<16xf32>,
      %get3A_270 = vector.shape_cast %get3A_269 : vector<16xf32> to vector<16xf32>
      %mul3A_271 = arith.constant 0.707106769 : f32
      %mul3A_272 = vector.broadcast %mul3A_271 : f32 to vector<16xf32>
      %mul3A_273 = arith.mulf %get3A_270, %mul3A_272 : vector<16xf32>
      %swap3A_274 = arith.index_cast %add3A_267 : i32 to index
      %swap3A_275 = tpu.vector_load %arg6[%swap3A_274] {strides = array<i32>} : memref<16384xf32, #tpu.memory_space<vmem>>, vector<16xf32>,
      %swap3A_276 = vector.shape_cast %swap3A_275 : vector<16xf32> to vector<16xf32>
      %swap3A_277 = vector.shape_cast %mul3A_273 : vector<16xf32> to vector<16xf32>
      tpu.vector_store %arg6[%swap3A_274], %swap3A_277 {strides = array<i32>} : memref<16384xf32, #tpu.memory_space<vmem>>, vector<16xf32>,
      %mul3A_278 = arith.constant 256 : i32
      %mul3A_279 = arith.muli %scan3A_152, %mul3A_278 : i32
      %add3A_280 = arith.constant 144 : i32
      %add3A_281 = arith.addi %mul3A_279, %add3A_280 : i32
      %get3A_282 = arith.index_cast %add3A_281 : i32 to index
      %get3A_283 = tpu.vector_load %arg4[%get3A_282] {strides = array<i32>} : memref<16384xf32, #tpu.memory_space<vmem>>, vector<16xf32>,
      %get3A_284 = vector.shape_cast %get3A_283 : vector<16xf32> to vector<16xf32>
      %mul3A_285 = arith.constant 0.707106769 : f32
      %mul3A_286 = vector.broadcast %mul3A_285 : f32 to vector<16xf32>
      %mul3A_287 = arith.mulf %get3A_284, %mul3A_286 : vector<16xf32>
      %swap3A_288 = arith.index_cast %add3A_281 : i32 to index
      %swap3A_289 = tpu.vector_load %arg6[%swap3A_288] {strides = array<i32>} : memref<16384xf32, #tpu.memory_space<vmem>>, vector<16xf32>,
      %swap3A_290 = vector.shape_cast %swap3A_289 : vector<16xf32> to vector<16xf32>
      %swap3A_291 = vector.shape_cast %mul3A_287 : vector<16xf32> to vector<16xf32>
      tpu.vector_store %arg6[%swap3A_288], %swap3A_291 {strides = array<i32>} : memref<16384xf32, #tpu.memory_space<vmem>>, vector<16xf32>,
      %mul3A_292 = arith.constant 256 : i32
      %mul3A_293 = arith.muli %scan3A_152, %mul3A_292 : i32
      %add3A_294 = arith.constant 160 : i32
      %add3A_295 = arith.addi %mul3A_293, %add3A_294 : i32
      %get3A_296 = arith.index_cast %add3A_295 : i32 to index
      %get3A_297 = tpu.vector_load %arg4[%get3A_296] {strides = array<i32>} : memref<16384xf32, #tpu.memory_space<vmem>>, vector<16xf32>,
      %get3A_298 = vector.shape_cast %get3A_297 : vector<16xf32> to vector<16xf32>
      %mul3A_299 = arith.constant 0.707106769 : f32
      %mul3A_300 = vector.broadcast %mul3A_299 : f32 to vector<16xf32>
      %mul3A_301 = arith.mulf %get3A_298, %mul3A_300 : vector<16xf32>
      %swap3A_302 = arith.index_cast %add3A_295 : i32 to index
      %swap3A_303 = tpu.vector_load %arg6[%swap3A_302] {strides = array<i32>} : memref<16384xf32, #tpu.memory_space<vmem>>, vector<16xf32>,
      %swap3A_304 = vector.shape_cast %swap3A_303 : vector<16xf32> to vector<16xf32>
      %swap3A_305 = vector.shape_cast %mul3A_301 : vector<16xf32> to vector<16xf32>
      tpu.vector_store %arg6[%swap3A_302], %swap3A_305 {strides = array<i32>} : memref<16384xf32, #tpu.memory_space<vmem>>, vector<16xf32>,
      %mul3A_306 = arith.constant 256 : i32
      %mul3A_307 = arith.muli %scan3A_152, %mul3A_306 : i32
      %add3A_308 = arith.constant 176 : i32
      %add3A_309 = arith.addi %mul3A_307, %add3A_308 : i32
      %get3A_310 = arith.index_cast %add3A_309 : i32 to index
      %get3A_311 = tpu.vector_load %arg4[%get3A_310] {strides = array<i32>} : memref<16384xf32, #tpu.memory_space<vmem>>, vector<16xf32>,
      %get3A_312 = vector.shape_cast %get3A_311 : vector<16xf32> to vector<16xf32>
      %mul3A_313 = arith.constant 0.707106769 : f32
      %mul3A_314 = vector.broadcast %mul3A_313 : f32 to vector<16xf32>
      %mul3A_315 = arith.mulf %get3A_312, %mul3A_314 : vector<16xf32>
      %swap3A_316 = arith.index_cast %add3A_309 : i32 to index
      %swap3A_317 = tpu.vector_load %arg6[%swap3A_316] {strides = array<i32>} : memref<16384xf32, #tpu.memory_space<vmem>>, vector<16xf32>,
      %swap3A_318 = vector.shape_cast %swap3A_317 : vector<16xf32> to vector<16xf32>
      %swap3A_319 = vector.shape_cast %mul3A_315 : vector<16xf32> to vector<16xf32>
      tpu.vector_store %arg6[%swap3A_316], %swap3A_319 {strides = array<i32>} : memref<16384xf32, #tpu.memory_space<vmem>>, vector<16xf32>,
      %mul3A_320 = arith.constant 256 : i32
      %mul3A_321 = arith.muli %scan3A_152, %mul3A_320 : i32
      %add3A_322 = arith.constant 192 : i32
      %add3A_323 = arith.addi %mul3A_321, %add3A_322 : i32
      %get3A_324 = arith.index_cast %add3A_323 : i32 to index
      %get3A_325 = tpu.vector_load %arg4[%get3A_324] {strides = array<i32>} : memref<16384xf32, #tpu.memory_space<vmem>>, vector<16xf32>,
      %get3A_326 = vector.shape_cast %get3A_325 : vector<16xf32> to vector<16xf32>
      %mul3A_327 = arith.constant 0.707106769 : f32
      %mul3A_328 = vector.broadcast %mul3A_327 : f32 to vector<16xf32>
      %mul3A_329 = arith.mulf %get3A_326, %mul3A_328 : vector<16xf32>
      %swap3A_330 = arith.index_cast %add3A_323 : i32 to index
      %swap3A_331 = tpu.vector_load %arg6[%swap3A_330] {strides = array<i32>} : memref<16384xf32, #tpu.memory_space<vmem>>, vector<16xf32>,
      %swap3A_332 = vector.shape_cast %swap3A_331 : vector<16xf32> to vector<16xf32>
      %swap3A_333 = vector.shape_cast %mul3A_329 : vector<16xf32> to vector<16xf32>
      tpu.vector_store %arg6[%swap3A_330], %swap3A_333 {strides = array<i32>} : memref<16384xf32, #tpu.memory_space<vmem>>, vector<16xf32>,
      %mul3A_334 = arith.constant 256 : i32
      %mul3A_335 = arith.muli %scan3A_152, %mul3A_334 : i32
      %add3A_336 = arith.constant 208 : i32
      %add3A_337 = arith.addi %mul3A_335, %add3A_336 : i32
      %get3A_338 = arith.index_cast %add3A_337 : i32 to index
      %get3A_339 = tpu.vector_load %arg4[%get3A_338] {strides = array<i32>} : memref<16384xf32, #tpu.memory_space<vmem>>, vector<16xf32>,
      %get3A_340 = vector.shape_cast %get3A_339 : vector<16xf32> to vector<16xf32>
      %mul3A_341 = arith.constant 0.707106769 : f32
      %mul3A_342 = vector.broadcast %mul3A_341 : f32 to vector<16xf32>
      %mul3A_343 = arith.mulf %get3A_340, %mul3A_342 : vector<16xf32>
      %swap3A_344 = arith.index_cast %add3A_337 : i32 to index
      %swap3A_345 = tpu.vector_load %arg6[%swap3A_344] {strides = array<i32>} : memref<16384xf32, #tpu.memory_space<vmem>>, vector<16xf32>,
      %swap3A_346 = vector.shape_cast %swap3A_345 : vector<16xf32> to vector<16xf32>
      %swap3A_347 = vector.shape_cast %mul3A_343 : vector<16xf32> to vector<16xf32>
      tpu.vector_store %arg6[%swap3A_344], %swap3A_347 {strides = array<i32>} : memref<16384xf32, #tpu.memory_space<vmem>>, vector<16xf32>,
      %mul3A_348 = arith.constant 256 : i32
      %mul3A_349 = arith.muli %scan3A_152, %mul3A_348 : i32
      %add3A_350 = arith.constant 224 : i32
      %add3A_351 = arith.addi %mul3A_349, %add3A_350 : i32
      %get3A_352 = arith.index_cast %add3A_351 : i32 to index
      %get3A_353 = tpu.vector_load %arg4[%get3A_352] {strides = array<i32>} : memref<16384xf32, #tpu.memory_space<vmem>>, vector<16xf32>,
      %get3A_354 = vector.shape_cast %get3A_353 : vector<16xf32> to vector<16xf32>
      %mul3A_355 = arith.constant 0.707106769 : f32
      %mul3A_356 = vector.broadcast %mul3A_355 : f32 to vector<16xf32>
      %mul3A_357 = arith.mulf %get3A_354, %mul3A_356 : vector<16xf32>
      %swap3A_358 = arith.index_cast %add3A_351 : i32 to index
      %swap3A_359 = tpu.vector_load %arg6[%swap3A_358] {strides = array<i32>} : memref<16384xf32, #tpu.memory_space<vmem>>, vector<16xf32>,
      %swap3A_360 = vector.shape_cast %swap3A_359 : vector<16xf32> to vector<16xf32>
      %swap3A_361 = vector.shape_cast %mul3A_357 : vector<16xf32> to vector<16xf32>
      tpu.vector_store %arg6[%swap3A_358], %swap3A_361 {strides = array<i32>} : memref<16384xf32, #tpu.memory_space<vmem>>, vector<16xf32>,
      %mul3A_362 = arith.constant 256 : i32
      %mul3A_363 = arith.muli %scan3A_152, %mul3A_362 : i32
      %add3A_364 = arith.constant 240 : i32
      %add3A_365 = arith.addi %mul3A_363, %add3A_364 : i32
      %get3A_366 = arith.index_cast %add3A_365 : i32 to index
      %get3A_367 = tpu.vector_load %arg4[%get3A_366] {strides = array<i32>} : memref<16384xf32, #tpu.memory_space<vmem>>, vector<16xf32>,
      %get3A_368 = vector.shape_cast %get3A_367 : vector<16xf32> to vector<16xf32>
      %mul3A_369 = arith.constant 0.707106769 : f32
      %mul3A_370 = vector.broadcast %mul3A_369 : f32 to vector<16xf32>
      %mul3A_371 = arith.mulf %get3A_368, %mul3A_370 : vector<16xf32>
      %swap3A_372 = arith.index_cast %add3A_365 : i32 to index
      %swap3A_373 = tpu.vector_load %arg6[%swap3A_372] {strides = array<i32>} : memref<16384xf32, #tpu.memory_space<vmem>>, vector<16xf32>,
      %swap3A_374 = vector.shape_cast %swap3A_373 : vector<16xf32> to vector<16xf32>
      %swap3A_375 = vector.shape_cast %mul3A_371 : vector<16xf32> to vector<16xf32>
      tpu.vector_store %arg6[%swap3A_372], %swap3A_375 {strides = array<i32>} : memref<16384xf32, #tpu.memory_space<vmem>>, vector<16xf32>,
      %scan3A_376 = arith.constant 0 : i32
      scf.yield %scan3A_376 : i32
    }
    %scan3A_90 = arith.constant 64 : i32
    %add3A_91 = arith.constant 65536 : i32
    %add3A_92 = arith.addi %mul3A_2, %add3A_91 : i32
    %dma_start3A_93 = tpu.memref_slice %arg3[%add3A_92] : memref<4194304xf32, #tpu.memory_space<hbm>> -> memref<16384xf32, #tpu.memory_space<hbm>>
    %dma_start3A_94 = tpu.memref_slice %arg3[%add3A_92] : memref<4194304xf32, #tpu.memory_space<hbm>> -> memref<16384xf32, #tpu.memory_space<hbm>>
    tpu.enqueue_dma source(%arg6 : memref<16384xf32, #tpu.memory_space<vmem>>) target(%dma_start3A_94 : memref<16384xf32, #tpu.memory_space<hbm>>) target_semaphore(%arg10 : memref<!tpu.dma_semaphore, #tpu.memory_space<semaphore_mem>>)
    %add3A_95 = arith.constant 98304 : i32
    %add3A_96 = arith.addi %mul3A_2, %add3A_95 : i32
    %dma_start3A_97 = tpu.memref_slice %arg2[%add3A_96] : memref<4194304xf32, #tpu.memory_space<hbm>> -> memref<16384xf32, #tpu.memory_space<hbm>>
    %dma_start3A_98 = tpu.memref_slice %arg2[%add3A_96] : memref<4194304xf32, #tpu.memory_space<hbm>> -> memref<16384xf32, #tpu.memory_space<hbm>>
    tpu.enqueue_dma source(%dma_start3A_98 : memref<16384xf32, #tpu.memory_space<hbm>>) target(%arg4 : memref<16384xf32, #tpu.memory_space<vmem>>) target_semaphore(%arg8 : memref<!tpu.dma_semaphore, #tpu.memory_space<semaphore_mem>>)
    %dma_wait3A_99 = tpu.memref_slice %arg2[%add3A_77] : memref<4194304xf32, #tpu.memory_space<hbm>> -> memref<16384xf32, #tpu.memory_space<hbm>>
    %dma_wait3A_100 = tpu.memref_slice %arg2[%add3A_77] : memref<4194304xf32, #tpu.memory_space<hbm>> -> memref<16384xf32, #tpu.memory_space<hbm>>
    tpu.wait_dma2 semaphore(%arg9 : memref<!tpu.dma_semaphore, #tpu.memory_space<semaphore_mem>>) src(%dma_wait3A_100 : memref<16384xf32, #tpu.memory_space<hbm>>) dst(%arg5 : memref<16384xf32, #tpu.memory_space<vmem>>)
    %dma_wait3A_101 = tpu.memref_slice %arg3[%add3A_73] : memref<4194304xf32, #tpu.memory_space<hbm>> -> memref<16384xf32, #tpu.memory_space<hbm>>
    %dma_wait3A_102 = tpu.memref_slice %arg3[%add3A_73] : memref<4194304xf32, #tpu.memory_space<hbm>> -> memref<16384xf32, #tpu.memory_space<hbm>>
    tpu.wait_dma2 semaphore(%arg11 : memref<!tpu.dma_semaphore, #tpu.memory_space<semaphore_mem>>) src(%arg7 : memref<16384xf32, #tpu.memory_space<vmem>>) dst(%dma_wait3A_102 : memref<16384xf32, #tpu.memory_space<hbm>>)
    %scan3A_103 = arith.constant 0 : i32
    %scan3A_104 = arith.constant 0 : i32
    %scan3A_105 = arith.constant 64 : i32
    %scan3A_106 = arith.addi %scan3A_104, %scan3A_105 : i32
    %scan3A_107 = arith.constant 1 : i32
    %scan3A_108 = scf.for %scan3A_152 = %scan3A_104 to %scan3A_106 step %scan3A_107 iter_args(%scan3A_153 = %scan3A_103) -> (i32)  : i32 {
      %mul3A_154 = arith.constant 256 : i32
      %mul3A_155 = arith.muli %scan3A_152, %mul3A_154 : i32
      %add3A_156 = arith.constant 0 : i32
      %add3A_157 = arith.addi %mul3A_155, %add3A_156 : i32
      %get3A = arith.index_cast %add3A_157 : i32 to index
      %get3A_158 = tpu.vector_load %arg5[%get3A] {strides = array<i32>} : memref<16384xf32, #tpu.memory_space<vmem>>, vector<16xf32>,
      %get3A_159 = vector.shape_cast %get3A_158 : vector<16xf32> to vector<16xf32>
      %mul3A_160 = arith.constant 0.707106769 : f32
      %mul3A_161 = vector.broadcast %mul3A_160 : f32 to vector<16xf32>
      %mul3A_162 = arith.mulf %get3A_159, %mul3A_161 : vector<16xf32>
      %swap3A = arith.index_cast %add3A_157 : i32 to index
      %swap3A_163 = tpu.vector_load %arg7[%swap3A] {strides = array<i32>} : memref<16384xf32, #tpu.memory_space<vmem>>, vector<16xf32>,
      %swap3A_164 = vector.shape_cast %swap3A_163 : vector<16xf32> to vector<16xf32>
      %swap3A_165 = vector.shape_cast %mul3A_162 : vector<16xf32> to vector<16xf32>
      tpu.vector_store %arg7[%swap3A], %swap3A_165 {strides = array<i32>} : memref<16384xf32, #tpu.memory_space<vmem>>, vector<16xf32>,
      %mul3A_166 = arith.constant 256 : i32
      %mul3A_167 = arith.muli %scan3A_152, %mul3A_166 : i32
      %add3A_168 = arith.constant 16 : i32
      %add3A_169 = arith.addi %mul3A_167, %add3A_168 : i32
      %get3A_170 = arith.index_cast %add3A_169 : i32 to index
      %get3A_171 = tpu.vector_load %arg5[%get3A_170] {strides = array<i32>} : memref<16384xf32, #tpu.memory_space<vmem>>, vector<16xf32>,
      %get3A_172 = vector.shape_cast %get3A_171 : vector<16xf32> to vector<16xf32>
      %mul3A_173 = arith.constant 0.707106769 : f32
      %mul3A_174 = vector.broadcast %mul3A_173 : f32 to vector<16xf32>
      %mul3A_175 = arith.mulf %get3A_172, %mul3A_174 : vector<16xf32>
      %swap3A_176 = arith.index_cast %add3A_169 : i32 to index
      %swap3A_177 = tpu.vector_load %arg7[%swap3A_176] {strides = array<i32>} : memref<16384xf32, #tpu.memory_space<vmem>>, vector<16xf32>,
      %swap3A_178 = vector.shape_cast %swap3A_177 : vector<16xf32> to vector<16xf32>
      %swap3A_179 = vector.shape_cast %mul3A_175 : vector<16xf32> to vector<16xf32>
      tpu.vector_store %arg7[%swap3A_176], %swap3A_179 {strides = array<i32>} : memref<16384xf32, #tpu.memory_space<vmem>>, vector<16xf32>,
      %mul3A_180 = arith.constant 256 : i32
      %mul3A_181 = arith.muli %scan3A_152, %mul3A_180 : i32
      %add3A_182 = arith.constant 32 : i32
      %add3A_183 = arith.addi %mul3A_181, %add3A_182 : i32
      %get3A_184 = arith.index_cast %add3A_183 : i32 to index
      %get3A_185 = tpu.vector_load %arg5[%get3A_184] {strides = array<i32>} : memref<16384xf32, #tpu.memory_space<vmem>>, vector<16xf32>,
      %get3A_186 = vector.shape_cast %get3A_185 : vector<16xf32> to vector<16xf32>
      %mul3A_187 = arith.constant 0.707106769 : f32
      %mul3A_188 = vector.broadcast %mul3A_187 : f32 to vector<16xf32>
      %mul3A_189 = arith.mulf %get3A_186, %mul3A_188 : vector<16xf32>
      %swap3A_190 = arith.index_cast %add3A_183 : i32 to index
      %swap3A_191 = tpu.vector_load %arg7[%swap3A_190] {strides = array<i32>} : memref<16384xf32, #tpu.memory_space<vmem>>, vector<16xf32>,
      %swap3A_192 = vector.shape_cast %swap3A_191 : vector<16xf32> to vector<16xf32>
      %swap3A_193 = vector.shape_cast %mul3A_189 : vector<16xf32> to vector<16xf32>
      tpu.vector_store %arg7[%swap3A_190], %swap3A_193 {strides = array<i32>} : memref<16384xf32, #tpu.memory_space<vmem>>, vector<16xf32>,
      %mul3A_194 = arith.constant 256 : i32
      %mul3A_195 = arith.muli %scan3A_152, %mul3A_194 : i32
      %add3A_196 = arith.constant 48 : i32
      %add3A_197 = arith.addi %mul3A_195, %add3A_196 : i32
      %get3A_198 = arith.index_cast %add3A_197 : i32 to index
      %get3A_199 = tpu.vector_load %arg5[%get3A_198] {strides = array<i32>} : memref<16384xf32, #tpu.memory_space<vmem>>, vector<16xf32>,
      %get3A_200 = vector.shape_cast %get3A_199 : vector<16xf32> to vector<16xf32>
      %mul3A_201 = arith.constant 0.707106769 : f32
      %mul3A_202 = vector.broadcast %mul3A_201 : f32 to vector<16xf32>
      %mul3A_203 = arith.mulf %get3A_200, %mul3A_202 : vector<16xf32>
      %swap3A_204 = arith.index_cast %add3A_197 : i32 to index
      %swap3A_205 = tpu.vector_load %arg7[%swap3A_204] {strides = array<i32>} : memref<16384xf32, #tpu.memory_space<vmem>>, vector<16xf32>,
      %swap3A_206 = vector.shape_cast %swap3A_205 : vector<16xf32> to vector<16xf32>
      %swap3A_207 = vector.shape_cast %mul3A_203 : vector<16xf32> to vector<16xf32>
      tpu.vector_store %arg7[%swap3A_204], %swap3A_207 {strides = array<i32>} : memref<16384xf32, #tpu.memory_space<vmem>>, vector<16xf32>,
      %mul3A_208 = arith.constant 256 : i32
      %mul3A_209 = arith.muli %scan3A_152, %mul3A_208 : i32
      %add3A_210 = arith.constant 64 : i32
      %add3A_211 = arith.addi %mul3A_209, %add3A_210 : i32
      %get3A_212 = arith.index_cast %add3A_211 : i32 to index
      %get3A_213 = tpu.vector_load %arg5[%get3A_212] {strides = array<i32>} : memref<16384xf32, #tpu.memory_space<vmem>>, vector<16xf32>,
      %get3A_214 = vector.shape_cast %get3A_213 : vector<16xf32> to vector<16xf32>
      %mul3A_215 = arith.constant 0.707106769 : f32
      %mul3A_216 = vector.broadcast %mul3A_215 : f32 to vector<16xf32>
      %mul3A_217 = arith.mulf %get3A_214, %mul3A_216 : vector<16xf32>
      %swap3A_218 = arith.index_cast %add3A_211 : i32 to index
      %swap3A_219 = tpu.vector_load %arg7[%swap3A_218] {strides = array<i32>} : memref<16384xf32, #tpu.memory_space<vmem>>, vector<16xf32>,
      %swap3A_220 = vector.shape_cast %swap3A_219 : vector<16xf32> to vector<16xf32>
      %swap3A_221 = vector.shape_cast %mul3A_217 : vector<16xf32> to vector<16xf32>
      tpu.vector_store %arg7[%swap3A_218], %swap3A_221 {strides = array<i32>} : memref<16384xf32, #tpu.memory_space<vmem>>, vector<16xf32>,
      %mul3A_222 = arith.constant 256 : i32
      %mul3A_223 = arith.muli %scan3A_152, %mul3A_222 : i32
      %add3A_224 = arith.constant 80 : i32
      %add3A_225 = arith.addi %mul3A_223, %add3A_224 : i32
      %get3A_226 = arith.index_cast %add3A_225 : i32 to index
      %get3A_227 = tpu.vector_load %arg5[%get3A_226] {strides = array<i32>} : memref<16384xf32, #tpu.memory_space<vmem>>, vector<16xf32>,
      %get3A_228 = vector.shape_cast %get3A_227 : vector<16xf32> to vector<16xf32>
      %mul3A_229 = arith.constant 0.707106769 : f32
      %mul3A_230 = vector.broadcast %mul3A_229 : f32 to vector<16xf32>
      %mul3A_231 = arith.mulf %get3A_228, %mul3A_230 : vector<16xf32>
      %swap3A_232 = arith.index_cast %add3A_225 : i32 to index
      %swap3A_233 = tpu.vector_load %arg7[%swap3A_232] {strides = array<i32>} : memref<16384xf32, #tpu.memory_space<vmem>>, vector<16xf32>,
      %swap3A_234 = vector.shape_cast %swap3A_233 : vector<16xf32> to vector<16xf32>
      %swap3A_235 = vector.shape_cast %mul3A_231 : vector<16xf32> to vector<16xf32>
      tpu.vector_store %arg7[%swap3A_232], %swap3A_235 {strides = array<i32>} : memref<16384xf32, #tpu.memory_space<vmem>>, vector<16xf32>,
      %mul3A_236 = arith.constant 256 : i32
      %mul3A_237 = arith.muli %scan3A_152, %mul3A_236 : i32
      %add3A_238 = arith.constant 96 : i32
      %add3A_239 = arith.addi %mul3A_237, %add3A_238 : i32
      %get3A_240 = arith.index_cast %add3A_239 : i32 to index
      %get3A_241 = tpu.vector_load %arg5[%get3A_240] {strides = array<i32>} : memref<16384xf32, #tpu.memory_space<vmem>>, vector<16xf32>,
      %get3A_242 = vector.shape_cast %get3A_241 : vector<16xf32> to vector<16xf32>
      %mul3A_243 = arith.constant 0.707106769 : f32
      %mul3A_244 = vector.broadcast %mul3A_243 : f32 to vector<16xf32>
      %mul3A_245 = arith.mulf %get3A_242, %mul3A_244 : vector<16xf32>
      %swap3A_246 = arith.index_cast %add3A_239 : i32 to index
      %swap3A_247 = tpu.vector_load %arg7[%swap3A_246] {strides = array<i32>} : memref<16384xf32, #tpu.memory_space<vmem>>, vector<16xf32>,
      %swap3A_248 = vector.shape_cast %swap3A_247 : vector<16xf32> to vector<16xf32>
      %swap3A_249 = vector.shape_cast %mul3A_245 : vector<16xf32> to vector<16xf32>
      tpu.vector_store %arg7[%swap3A_246], %swap3A_249 {strides = array<i32>} : memref<16384xf32, #tpu.memory_space<vmem>>, vector<16xf32>,
      %mul3A_250 = arith.constant 256 : i32
      %mul3A_251 = arith.muli %scan3A_152, %mul3A_250 : i32
      %add3A_252 = arith.constant 112 : i32
      %add3A_253 = arith.addi %mul3A_251, %add3A_252 : i32
      %get3A_254 = arith.index_cast %add3A_253 : i32 to index
      %get3A_255 = tpu.vector_load %arg5[%get3A_254] {strides = array<i32>} : memref<16384xf32, #tpu.memory_space<vmem>>, vector<16xf32>,
      %get3A_256 = vector.shape_cast %get3A_255 : vector<16xf32> to vector<16xf32>
      %mul3A_257 = arith.constant 0.707106769 : f32
      %mul3A_258 = vector.broadcast %mul3A_257 : f32 to vector<16xf32>
      %mul3A_259 = arith.mulf %get3A_256, %mul3A_258 : vector<16xf32>
      %swap3A_260 = arith.index_cast %add3A_253 : i32 to index
      %swap3A_261 = tpu.vector_load %arg7[%swap3A_260] {strides = array<i32>} : memref<16384xf32, #tpu.memory_space<vmem>>, vector<16xf32>,
      %swap3A_262 = vector.shape_cast %swap3A_261 : vector<16xf32> to vector<16xf32>
      %swap3A_263 = vector.shape_cast %mul3A_259 : vector<16xf32> to vector<16xf32>
      tpu.vector_store %arg7[%swap3A_260], %swap3A_263 {strides = array<i32>} : memref<16384xf32, #tpu.memory_space<vmem>>, vector<16xf32>,
      %mul3A_264 = arith.constant 256 : i32
      %mul3A_265 = arith.muli %scan3A_152, %mul3A_264 : i32
      %add3A_266 = arith.constant 128 : i32
      %add3A_267 = arith.addi %mul3A_265, %add3A_266 : i32
      %get3A_268 = arith.index_cast %add3A_267 : i32 to index
      %get3A_269 = tpu.vector_load %arg5[%get3A_268] {strides = array<i32>} : memref<16384xf32, #tpu.memory_space<vmem>>, vector<16xf32>,
      %get3A_270 = vector.shape_cast %get3A_269 : vector<16xf32> to vector<16xf32>
      %mul3A_271 = arith.constant 0.707106769 : f32
      %mul3A_272 = vector.broadcast %mul3A_271 : f32 to vector<16xf32>
      %mul3A_273 = arith.mulf %get3A_270, %mul3A_272 : vector<16xf32>
      %swap3A_274 = arith.index_cast %add3A_267 : i32 to index
      %swap3A_275 = tpu.vector_load %arg7[%swap3A_274] {strides = array<i32>} : memref<16384xf32, #tpu.memory_space<vmem>>, vector<16xf32>,
      %swap3A_276 = vector.shape_cast %swap3A_275 : vector<16xf32> to vector<16xf32>
      %swap3A_277 = vector.shape_cast %mul3A_273 : vector<16xf32> to vector<16xf32>
      tpu.vector_store %arg7[%swap3A_274], %swap3A_277 {strides = array<i32>} : memref<16384xf32, #tpu.memory_space<vmem>>, vector<16xf32>,
      %mul3A_278 = arith.constant 256 : i32
      %mul3A_279 = arith.muli %scan3A_152, %mul3A_278 : i32
      %add3A_280 = arith.constant 144 : i32
      %add3A_281 = arith.addi %mul3A_279, %add3A_280 : i32
      %get3A_282 = arith.index_cast %add3A_281 : i32 to index
      %get3A_283 = tpu.vector_load %arg5[%get3A_282] {strides = array<i32>} : memref<16384xf32, #tpu.memory_space<vmem>>, vector<16xf32>,
      %get3A_284 = vector.shape_cast %get3A_283 : vector<16xf32> to vector<16xf32>
      %mul3A_285 = arith.constant 0.707106769 : f32
      %mul3A_286 = vector.broadcast %mul3A_285 : f32 to vector<16xf32>
      %mul3A_287 = arith.mulf %get3A_284, %mul3A_286 : vector<16xf32>
      %swap3A_288 = arith.index_cast %add3A_281 : i32 to index
      %swap3A_289 = tpu.vector_load %arg7[%swap3A_288] {strides = array<i32>} : memref<16384xf32, #tpu.memory_space<vmem>>, vector<16xf32>,
      %swap3A_290 = vector.shape_cast %swap3A_289 : vector<16xf32> to vector<16xf32>
      %swap3A_291 = vector.shape_cast %mul3A_287 : vector<16xf32> to vector<16xf32>
      tpu.vector_store %arg7[%swap3A_288], %swap3A_291 {strides = array<i32>} : memref<16384xf32, #tpu.memory_space<vmem>>, vector<16xf32>,
      %mul3A_292 = arith.constant 256 : i32
      %mul3A_293 = arith.muli %scan3A_152, %mul3A_292 : i32
      %add3A_294 = arith.constant 160 : i32
      %add3A_295 = arith.addi %mul3A_293, %add3A_294 : i32
      %get3A_296 = arith.index_cast %add3A_295 : i32 to index
      %get3A_297 = tpu.vector_load %arg5[%get3A_296] {strides = array<i32>} : memref<16384xf32, #tpu.memory_space<vmem>>, vector<16xf32>,
      %get3A_298 = vector.shape_cast %get3A_297 : vector<16xf32> to vector<16xf32>
      %mul3A_299 = arith.constant 0.707106769 : f32
      %mul3A_300 = vector.broadcast %mul3A_299 : f32 to vector<16xf32>
      %mul3A_301 = arith.mulf %get3A_298, %mul3A_300 : vector<16xf32>
      %swap3A_302 = arith.index_cast %add3A_295 : i32 to index
      %swap3A_303 = tpu.vector_load %arg7[%swap3A_302] {strides = array<i32>} : memref<16384xf32, #tpu.memory_space<vmem>>, vector<16xf32>,
      %swap3A_304 = vector.shape_cast %swap3A_303 : vector<16xf32> to vector<16xf32>
      %swap3A_305 = vector.shape_cast %mul3A_301 : vector<16xf32> to vector<16xf32>
      tpu.vector_store %arg7[%swap3A_302], %swap3A_305 {strides = array<i32>} : memref<16384xf32, #tpu.memory_space<vmem>>, vector<16xf32>,
      %mul3A_306 = arith.constant 256 : i32
      %mul3A_307 = arith.muli %scan3A_152, %mul3A_306 : i32
      %add3A_308 = arith.constant 176 : i32
      %add3A_309 = arith.addi %mul3A_307, %add3A_308 : i32
      %get3A_310 = arith.index_cast %add3A_309 : i32 to index
      %get3A_311 = tpu.vector_load %arg5[%get3A_310] {strides = array<i32>} : memref<16384xf32, #tpu.memory_space<vmem>>, vector<16xf32>,
      %get3A_312 = vector.shape_cast %get3A_311 : vector<16xf32> to vector<16xf32>
      %mul3A_313 = arith.constant 0.707106769 : f32
      %mul3A_314 = vector.broadcast %mul3A_313 : f32 to vector<16xf32>
      %mul3A_315 = arith.mulf %get3A_312, %mul3A_314 : vector<16xf32>
      %swap3A_316 = arith.index_cast %add3A_309 : i32 to index
      %swap3A_317 = tpu.vector_load %arg7[%swap3A_316] {strides = array<i32>} : memref<16384xf32, #tpu.memory_space<vmem>>, vector<16xf32>,
      %swap3A_318 = vector.shape_cast %swap3A_317 : vector<16xf32> to vector<16xf32>
      %swap3A_319 = vector.shape_cast %mul3A_315 : vector<16xf32> to vector<16xf32>
      tpu.vector_store %arg7[%swap3A_316], %swap3A_319 {strides = array<i32>} : memref<16384xf32, #tpu.memory_space<vmem>>, vector<16xf32>,
      %mul3A_320 = arith.constant 256 : i32
      %mul3A_321 = arith.muli %scan3A_152, %mul3A_320 : i32
      %add3A_322 = arith.constant 192 : i32
      %add3A_323 = arith.addi %mul3A_321, %add3A_322 : i32
      %get3A_324 = arith.index_cast %add3A_323 : i32 to index
      %get3A_325 = tpu.vector_load %arg5[%get3A_324] {strides = array<i32>} : memref<16384xf32, #tpu.memory_space<vmem>>, vector<16xf32>,
      %get3A_326 = vector.shape_cast %get3A_325 : vector<16xf32> to vector<16xf32>
      %mul3A_327 = arith.constant 0.707106769 : f32
      %mul3A_328 = vector.broadcast %mul3A_327 : f32 to vector<16xf32>
      %mul3A_329 = arith.mulf %get3A_326, %mul3A_328 : vector<16xf32>
      %swap3A_330 = arith.index_cast %add3A_323 : i32 to index
      %swap3A_331 = tpu.vector_load %arg7[%swap3A_330] {strides = array<i32>} : memref<16384xf32, #tpu.memory_space<vmem>>, vector<16xf32>,
      %swap3A_332 = vector.shape_cast %swap3A_331 : vector<16xf32> to vector<16xf32>
      %swap3A_333 = vector.shape_cast %mul3A_329 : vector<16xf32> to vector<16xf32>
      tpu.vector_store %arg7[%swap3A_330], %swap3A_333 {strides = array<i32>} : memref<16384xf32, #tpu.memory_space<vmem>>, vector<16xf32>,
      %mul3A_334 = arith.constant 256 : i32
      %mul3A_335 = arith.muli %scan3A_152, %mul3A_334 : i32
      %add3A_336 = arith.constant 208 : i32
      %add3A_337 = arith.addi %mul3A_335, %add3A_336 : i32
      %get3A_338 = arith.index_cast %add3A_337 : i32 to index
      %get3A_339 = tpu.vector_load %arg5[%get3A_338] {strides = array<i32>} : memref<16384xf32, #tpu.memory_space<vmem>>, vector<16xf32>,
      %get3A_340 = vector.shape_cast %get3A_339 : vector<16xf32> to vector<16xf32>
      %mul3A_341 = arith.constant 0.707106769 : f32
      %mul3A_342 = vector.broadcast %mul3A_341 : f32 to vector<16xf32>
      %mul3A_343 = arith.mulf %get3A_340, %mul3A_342 : vector<16xf32>
      %swap3A_344 = arith.index_cast %add3A_337 : i32 to index
      %swap3A_345 = tpu.vector_load %arg7[%swap3A_344] {strides = array<i32>} : memref<16384xf32, #tpu.memory_space<vmem>>, vector<16xf32>,
      %swap3A_346 = vector.shape_cast %swap3A_345 : vector<16xf32> to vector<16xf32>
      %swap3A_347 = vector.shape_cast %mul3A_343 : vector<16xf32> to vector<16xf32>
      tpu.vector_store %arg7[%swap3A_344], %swap3A_347 {strides = array<i32>} : memref<16384xf32, #tpu.memory_space<vmem>>, vector<16xf32>,
      %mul3A_348 = arith.constant 256 : i32
      %mul3A_349 = arith.muli %scan3A_152, %mul3A_348 : i32
      %add3A_350 = arith.constant 224 : i32
      %add3A_351 = arith.addi %mul3A_349, %add3A_350 : i32
      %get3A_352 = arith.index_cast %add3A_351 : i32 to index
      %get3A_353 = tpu.vector_load %arg5[%get3A_352] {strides = array<i32>} : memref<16384xf32, #tpu.memory_space<vmem>>, vector<16xf32>,
      %get3A_354 = vector.shape_cast %get3A_353 : vector<16xf32> to vector<16xf32>
      %mul3A_355 = arith.constant 0.707106769 : f32
      %mul3A_356 = vector.broadcast %mul3A_355 : f32 to vector<16xf32>
      %mul3A_357 = arith.mulf %get3A_354, %mul3A_356 : vector<16xf32>
      %swap3A_358 = arith.index_cast %add3A_351 : i32 to index
      %swap3A_359 = tpu.vector_load %arg7[%swap3A_358] {strides = array<i32>} : memref<16384xf32, #tpu.memory_space<vmem>>, vector<16xf32>,
      %swap3A_360 = vector.shape_cast %swap3A_359 : vector<16xf32> to vector<16xf32>
      %swap3A_361 = vector.shape_cast %mul3A_357 : vector<16xf32> to vector<16xf32>
      tpu.vector_store %arg7[%swap3A_358], %swap3A_361 {strides = array<i32>} : memref<16384xf32, #tpu.memory_space<vmem>>, vector<16xf32>,
      %mul3A_362 = arith.constant 256 : i32
      %mul3A_363 = arith.muli %scan3A_152, %mul3A_362 : i32
      %add3A_364 = arith.constant 240 : i32
      %add3A_365 = arith.addi %mul3A_363, %add3A_364 : i32
      %get3A_366 = arith.index_cast %add3A_365 : i32 to index
      %get3A_367 = tpu.vector_load %arg5[%get3A_366] {strides = array<i32>} : memref<16384xf32, #tpu.memory_space<vmem>>, vector<16xf32>,
      %get3A_368 = vector.shape_cast %get3A_367 : vector<16xf32> to vector<16xf32>
      %mul3A_369 = arith.constant 0.707106769 : f32
      %mul3A_370 = vector.broadcast %mul3A_369 : f32 to vector<16xf32>
      %mul3A_371 = arith.mulf %get3A_368, %mul3A_370 : vector<16xf32>
      %swap3A_372 = arith.index_cast %add3A_365 : i32 to index
      %swap3A_373 = tpu.vector_load %arg7[%swap3A_372] {strides = array<i32>} : memref<16384xf32, #tpu.memory_space<vmem>>, vector<16xf32>,
      %swap3A_374 = vector.shape_cast %swap3A_373 : vector<16xf32> to vector<16xf32>
      %swap3A_375 = vector.shape_cast %mul3A_371 : vector<16xf32> to vector<16xf32>
      tpu.vector_store %arg7[%swap3A_372], %swap3A_375 {strides = array<i32>} : memref<16384xf32, #tpu.memory_space<vmem>>, vector<16xf32>,
      %scan3A_376 = arith.constant 0 : i32
      scf.yield %scan3A_376 : i32
    }
    %scan3A_109 = arith.constant 64 : i32
    %add3A_110 = arith.constant 81920 : i32
    %add3A_111 = arith.addi %mul3A_2, %add3A_110 : i32
    %dma_start3A_112 = tpu.memref_slice %arg3[%add3A_111] : memref<4194304xf32, #tpu.memory_space<hbm>> -> memref<16384xf32, #tpu.memory_space<hbm>>
    %dma_start3A_113 = tpu.memref_slice %arg3[%add3A_111] : memref<4194304xf32, #tpu.memory_space<hbm>> -> memref<16384xf32, #tpu.memory_space<hbm>>
    tpu.enqueue_dma source(%arg7 : memref<16384xf32, #tpu.memory_space<vmem>>) target(%dma_start3A_113 : memref<16384xf32, #tpu.memory_space<hbm>>) target_semaphore(%arg11 : memref<!tpu.dma_semaphore, #tpu.memory_space<semaphore_mem>>)
    %add3A_114 = arith.constant 114688 : i32
    %add3A_115 = arith.addi %mul3A_2, %add3A_114 : i32
    %dma_start3A_116 = tpu.memref_slice %arg2[%add3A_115] : memref<4194304xf32, #tpu.memory_space<hbm>> -> memref<16384xf32, #tpu.memory_space<hbm>>
    %dma_start3A_117 = tpu.memref_slice %arg2[%add3A_115] : memref<4194304xf32, #tpu.memory_space<hbm>> -> memref<16384xf32, #tpu.memory_space<hbm>>
    tpu.enqueue_dma source(%dma_start3A_117 : memref<16384xf32, #tpu.memory_space<hbm>>) target(%arg5 : memref<16384xf32, #tpu.memory_space<vmem>>) target_semaphore(%arg9 : memref<!tpu.dma_semaphore, #tpu.memory_space<semaphore_mem>>)
    %dma_wait3A_118 = tpu.memref_slice %arg2[%add3A_96] : memref<4194304xf32, #tpu.memory_space<hbm>> -> memref<16384xf32, #tpu.memory_space<hbm>>
    %dma_wait3A_119 = tpu.memref_slice %arg2[%add3A_96] : memref<4194304xf32, #tpu.memory_space<hbm>> -> memref<16384xf32, #tpu.memory_space<hbm>>
    tpu.wait_dma2 semaphore(%arg8 : memref<!tpu.dma_semaphore, #tpu.memory_space<semaphore_mem>>) src(%dma_wait3A_119 : memref<16384xf32, #tpu.memory_space<hbm>>) dst(%arg4 : memref<16384xf32, #tpu.memory_space<vmem>>)
    %dma_wait3A_120 = tpu.memref_slice %arg3[%add3A_92] : memref<4194304xf32, #tpu.memory_space<hbm>> -> memref<16384xf32, #tpu.memory_space<hbm>>
    %dma_wait3A_121 = tpu.memref_slice %arg3[%add3A_92] : memref<4194304xf32, #tpu.memory_space<hbm>> -> memref<16384xf32, #tpu.memory_space<hbm>>
    tpu.wait_dma2 semaphore(%arg10 : memref<!tpu.dma_semaphore, #tpu.memory_space<semaphore_mem>>) src(%arg6 : memref<16384xf32, #tpu.memory_space<vmem>>) dst(%dma_wait3A_121 : memref<16384xf32, #tpu.memory_space<hbm>>)
    %scan3A_122 = arith.constant 0 : i32
    %scan3A_123 = arith.constant 0 : i32
    %scan3A_124 = arith.constant 64 : i32
    %scan3A_125 = arith.addi %scan3A_123, %scan3A_124 : i32
    %scan3A_126 = arith.constant 1 : i32
    %scan3A_127 = scf.for %scan3A_152 = %scan3A_123 to %scan3A_125 step %scan3A_126 iter_args(%scan3A_153 = %scan3A_122) -> (i32)  : i32 {
      %mul3A_154 = arith.constant 256 : i32
      %mul3A_155 = arith.muli %scan3A_152, %mul3A_154 : i32
      %add3A_156 = arith.constant 0 : i32
      %add3A_157 = arith.addi %mul3A_155, %add3A_156 : i32
      %get3A = arith.index_cast %add3A_157 : i32 to index
      %get3A_158 = tpu.vector_load %arg4[%get3A] {strides = array<i32>} : memref<16384xf32, #tpu.memory_space<vmem>>, vector<16xf32>,
      %get3A_159 = vector.shape_cast %get3A_158 : vector<16xf32> to vector<16xf32>
      %mul3A_160 = arith.constant 0.707106769 : f32
      %mul3A_161 = vector.broadcast %mul3A_160 : f32 to vector<16xf32>
      %mul3A_162 = arith.mulf %get3A_159, %mul3A_161 : vector<16xf32>
      %swap3A = arith.index_cast %add3A_157 : i32 to index
      %swap3A_163 = tpu.vector_load %arg6[%swap3A] {strides = array<i32>} : memref<16384xf32, #tpu.memory_space<vmem>>, vector<16xf32>,
      %swap3A_164 = vector.shape_cast %swap3A_163 : vector<16xf32> to vector<16xf32>
      %swap3A_165 = vector.shape_cast %mul3A_162 : vector<16xf32> to vector<16xf32>
      tpu.vector_store %arg6[%swap3A], %swap3A_165 {strides = array<i32>} : memref<16384xf32, #tpu.memory_space<vmem>>, vector<16xf32>,
      %mul3A_166 = arith.constant 256 : i32
      %mul3A_167 = arith.muli %scan3A_152, %mul3A_166 : i32
      %add3A_168 = arith.constant 16 : i32
      %add3A_169 = arith.addi %mul3A_167, %add3A_168 : i32
      %get3A_170 = arith.index_cast %add3A_169 : i32 to index
      %get3A_171 = tpu.vector_load %arg4[%get3A_170] {strides = array<i32>} : memref<16384xf32, #tpu.memory_space<vmem>>, vector<16xf32>,
      %get3A_172 = vector.shape_cast %get3A_171 : vector<16xf32> to vector<16xf32>
      %mul3A_173 = arith.constant 0.707106769 : f32
      %mul3A_174 = vector.broadcast %mul3A_173 : f32 to vector<16xf32>
      %mul3A_175 = arith.mulf %get3A_172, %mul3A_174 : vector<16xf32>
      %swap3A_176 = arith.index_cast %add3A_169 : i32 to index
      %swap3A_177 = tpu.vector_load %arg6[%swap3A_176] {strides = array<i32>} : memref<16384xf32, #tpu.memory_space<vmem>>, vector<16xf32>,
      %swap3A_178 = vector.shape_cast %swap3A_177 : vector<16xf32> to vector<16xf32>
      %swap3A_179 = vector.shape_cast %mul3A_175 : vector<16xf32> to vector<16xf32>
      tpu.vector_store %arg6[%swap3A_176], %swap3A_179 {strides = array<i32>} : memref<16384xf32, #tpu.memory_space<vmem>>, vector<16xf32>,
      %mul3A_180 = arith.constant 256 : i32
      %mul3A_181 = arith.muli %scan3A_152, %mul3A_180 : i32
      %add3A_182 = arith.constant 32 : i32
      %add3A_183 = arith.addi %mul3A_181, %add3A_182 : i32
      %get3A_184 = arith.index_cast %add3A_183 : i32 to index
      %get3A_185 = tpu.vector_load %arg4[%get3A_184] {strides = array<i32>} : memref<16384xf32, #tpu.memory_space<vmem>>, vector<16xf32>,
      %get3A_186 = vector.shape_cast %get3A_185 : vector<16xf32> to vector<16xf32>
      %mul3A_187 = arith.constant 0.707106769 : f32
      %mul3A_188 = vector.broadcast %mul3A_187 : f32 to vector<16xf32>
      %mul3A_189 = arith.mulf %get3A_186, %mul3A_188 : vector<16xf32>
      %swap3A_190 = arith.index_cast %add3A_183 : i32 to index
      %swap3A_191 = tpu.vector_load %arg6[%swap3A_190] {strides = array<i32>} : memref<16384xf32, #tpu.memory_space<vmem>>, vector<16xf32>,
      %swap3A_192 = vector.shape_cast %swap3A_191 : vector<16xf32> to vector<16xf32>
      %swap3A_193 = vector.shape_cast %mul3A_189 : vector<16xf32> to vector<16xf32>
      tpu.vector_store %arg6[%swap3A_190], %swap3A_193 {strides = array<i32>} : memref<16384xf32, #tpu.memory_space<vmem>>, vector<16xf32>,
      %mul3A_194 = arith.constant 256 : i32
      %mul3A_195 = arith.muli %scan3A_152, %mul3A_194 : i32
      %add3A_196 = arith.constant 48 : i32
      %add3A_197 = arith.addi %mul3A_195, %add3A_196 : i32
      %get3A_198 = arith.index_cast %add3A_197 : i32 to index
      %get3A_199 = tpu.vector_load %arg4[%get3A_198] {strides = array<i32>} : memref<16384xf32, #tpu.memory_space<vmem>>, vector<16xf32>,
      %get3A_200 = vector.shape_cast %get3A_199 : vector<16xf32> to vector<16xf32>
      %mul3A_201 = arith.constant 0.707106769 : f32
      %mul3A_202 = vector.broadcast %mul3A_201 : f32 to vector<16xf32>
      %mul3A_203 = arith.mulf %get3A_200, %mul3A_202 : vector<16xf32>
      %swap3A_204 = arith.index_cast %add3A_197 : i32 to index
      %swap3A_205 = tpu.vector_load %arg6[%swap3A_204] {strides = array<i32>} : memref<16384xf32, #tpu.memory_space<vmem>>, vector<16xf32>,
      %swap3A_206 = vector.shape_cast %swap3A_205 : vector<16xf32> to vector<16xf32>
      %swap3A_207 = vector.shape_cast %mul3A_203 : vector<16xf32> to vector<16xf32>
      tpu.vector_store %arg6[%swap3A_204], %swap3A_207 {strides = array<i32>} : memref<16384xf32, #tpu.memory_space<vmem>>, vector<16xf32>,
      %mul3A_208 = arith.constant 256 : i32
      %mul3A_209 = arith.muli %scan3A_152, %mul3A_208 : i32
      %add3A_210 = arith.constant 64 : i32
      %add3A_211 = arith.addi %mul3A_209, %add3A_210 : i32
      %get3A_212 = arith.index_cast %add3A_211 : i32 to index
      %get3A_213 = tpu.vector_load %arg4[%get3A_212] {strides = array<i32>} : memref<16384xf32, #tpu.memory_space<vmem>>, vector<16xf32>,
      %get3A_214 = vector.shape_cast %get3A_213 : vector<16xf32> to vector<16xf32>
      %mul3A_215 = arith.constant 0.707106769 : f32
      %mul3A_216 = vector.broadcast %mul3A_215 : f32 to vector<16xf32>
      %mul3A_217 = arith.mulf %get3A_214, %mul3A_216 : vector<16xf32>
      %swap3A_218 = arith.index_cast %add3A_211 : i32 to index
      %swap3A_219 = tpu.vector_load %arg6[%swap3A_218] {strides = array<i32>} : memref<16384xf32, #tpu.memory_space<vmem>>, vector<16xf32>,
      %swap3A_220 = vector.shape_cast %swap3A_219 : vector<16xf32> to vector<16xf32>
      %swap3A_221 = vector.shape_cast %mul3A_217 : vector<16xf32> to vector<16xf32>
      tpu.vector_store %arg6[%swap3A_218], %swap3A_221 {strides = array<i32>} : memref<16384xf32, #tpu.memory_space<vmem>>, vector<16xf32>,
      %mul3A_222 = arith.constant 256 : i32
      %mul3A_223 = arith.muli %scan3A_152, %mul3A_222 : i32
      %add3A_224 = arith.constant 80 : i32
      %add3A_225 = arith.addi %mul3A_223, %add3A_224 : i32
      %get3A_226 = arith.index_cast %add3A_225 : i32 to index
      %get3A_227 = tpu.vector_load %arg4[%get3A_226] {strides = array<i32>} : memref<16384xf32, #tpu.memory_space<vmem>>, vector<16xf32>,
      %get3A_228 = vector.shape_cast %get3A_227 : vector<16xf32> to vector<16xf32>
      %mul3A_229 = arith.constant 0.707106769 : f32
      %mul3A_230 = vector.broadcast %mul3A_229 : f32 to vector<16xf32>
      %mul3A_231 = arith.mulf %get3A_228, %mul3A_230 : vector<16xf32>
      %swap3A_232 = arith.index_cast %add3A_225 : i32 to index
      %swap3A_233 = tpu.vector_load %arg6[%swap3A_232] {strides = array<i32>} : memref<16384xf32, #tpu.memory_space<vmem>>, vector<16xf32>,
      %swap3A_234 = vector.shape_cast %swap3A_233 : vector<16xf32> to vector<16xf32>
      %swap3A_235 = vector.shape_cast %mul3A_231 : vector<16xf32> to vector<16xf32>
      tpu.vector_store %arg6[%swap3A_232], %swap3A_235 {strides = array<i32>} : memref<16384xf32, #tpu.memory_space<vmem>>, vector<16xf32>,
      %mul3A_236 = arith.constant 256 : i32
      %mul3A_237 = arith.muli %scan3A_152, %mul3A_236 : i32
      %add3A_238 = arith.constant 96 : i32
      %add3A_239 = arith.addi %mul3A_237, %add3A_238 : i32
      %get3A_240 = arith.index_cast %add3A_239 : i32 to index
      %get3A_241 = tpu.vector_load %arg4[%get3A_240] {strides = array<i32>} : memref<16384xf32, #tpu.memory_space<vmem>>, vector<16xf32>,
      %get3A_242 = vector.shape_cast %get3A_241 : vector<16xf32> to vector<16xf32>
      %mul3A_243 = arith.constant 0.707106769 : f32
      %mul3A_244 = vector.broadcast %mul3A_243 : f32 to vector<16xf32>
      %mul3A_245 = arith.mulf %get3A_242, %mul3A_244 : vector<16xf32>
      %swap3A_246 = arith.index_cast %add3A_239 : i32 to index
      %swap3A_247 = tpu.vector_load %arg6[%swap3A_246] {strides = array<i32>} : memref<16384xf32, #tpu.memory_space<vmem>>, vector<16xf32>,
      %swap3A_248 = vector.shape_cast %swap3A_247 : vector<16xf32> to vector<16xf32>
      %swap3A_249 = vector.shape_cast %mul3A_245 : vector<16xf32> to vector<16xf32>
      tpu.vector_store %arg6[%swap3A_246], %swap3A_249 {strides = array<i32>} : memref<16384xf32, #tpu.memory_space<vmem>>, vector<16xf32>,
      %mul3A_250 = arith.constant 256 : i32
      %mul3A_251 = arith.muli %scan3A_152, %mul3A_250 : i32
      %add3A_252 = arith.constant 112 : i32
      %add3A_253 = arith.addi %mul3A_251, %add3A_252 : i32
      %get3A_254 = arith.index_cast %add3A_253 : i32 to index
      %get3A_255 = tpu.vector_load %arg4[%get3A_254] {strides = array<i32>} : memref<16384xf32, #tpu.memory_space<vmem>>, vector<16xf32>,
      %get3A_256 = vector.shape_cast %get3A_255 : vector<16xf32> to vector<16xf32>
      %mul3A_257 = arith.constant 0.707106769 : f32
      %mul3A_258 = vector.broadcast %mul3A_257 : f32 to vector<16xf32>
      %mul3A_259 = arith.mulf %get3A_256, %mul3A_258 : vector<16xf32>
      %swap3A_260 = arith.index_cast %add3A_253 : i32 to index
      %swap3A_261 = tpu.vector_load %arg6[%swap3A_260] {strides = array<i32>} : memref<16384xf32, #tpu.memory_space<vmem>>, vector<16xf32>,
      %swap3A_262 = vector.shape_cast %swap3A_261 : vector<16xf32> to vector<16xf32>
      %swap3A_263 = vector.shape_cast %mul3A_259 : vector<16xf32> to vector<16xf32>
      tpu.vector_store %arg6[%swap3A_260], %swap3A_263 {strides = array<i32>} : memref<16384xf32, #tpu.memory_space<vmem>>, vector<16xf32>,
      %mul3A_264 = arith.constant 256 : i32
      %mul3A_265 = arith.muli %scan3A_152, %mul3A_264 : i32
      %add3A_266 = arith.constant 128 : i32
      %add3A_267 = arith.addi %mul3A_265, %add3A_266 : i32
      %get3A_268 = arith.index_cast %add3A_267 : i32 to index
      %get3A_269 = tpu.vector_load %arg4[%get3A_268] {strides = array<i32>} : memref<16384xf32, #tpu.memory_space<vmem>>, vector<16xf32>,
      %get3A_270 = vector.shape_cast %get3A_269 : vector<16xf32> to vector<16xf32>
      %mul3A_271 = arith.constant 0.707106769 : f32
      %mul3A_272 = vector.broadcast %mul3A_271 : f32 to vector<16xf32>
      %mul3A_273 = arith.mulf %get3A_270, %mul3A_272 : vector<16xf32>
      %swap3A_274 = arith.index_cast %add3A_267 : i32 to index
      %swap3A_275 = tpu.vector_load %arg6[%swap3A_274] {strides = array<i32>} : memref<16384xf32, #tpu.memory_space<vmem>>, vector<16xf32>,
      %swap3A_276 = vector.shape_cast %swap3A_275 : vector<16xf32> to vector<16xf32>
      %swap3A_277 = vector.shape_cast %mul3A_273 : vector<16xf32> to vector<16xf32>
      tpu.vector_store %arg6[%swap3A_274], %swap3A_277 {strides = array<i32>} : memref<16384xf32, #tpu.memory_space<vmem>>, vector<16xf32>,
      %mul3A_278 = arith.constant 256 : i32
      %mul3A_279 = arith.muli %scan3A_152, %mul3A_278 : i32
      %add3A_280 = arith.constant 144 : i32
      %add3A_281 = arith.addi %mul3A_279, %add3A_280 : i32
      %get3A_282 = arith.index_cast %add3A_281 : i32 to index
      %get3A_283 = tpu.vector_load %arg4[%get3A_282] {strides = array<i32>} : memref<16384xf32, #tpu.memory_space<vmem>>, vector<16xf32>,
      %get3A_284 = vector.shape_cast %get3A_283 : vector<16xf32> to vector<16xf32>
      %mul3A_285 = arith.constant 0.707106769 : f32
      %mul3A_286 = vector.broadcast %mul3A_285 : f32 to vector<16xf32>
      %mul3A_287 = arith.mulf %get3A_284, %mul3A_286 : vector<16xf32>
      %swap3A_288 = arith.index_cast %add3A_281 : i32 to index
      %swap3A_289 = tpu.vector_load %arg6[%swap3A_288] {strides = array<i32>} : memref<16384xf32, #tpu.memory_space<vmem>>, vector<16xf32>,
      %swap3A_290 = vector.shape_cast %swap3A_289 : vector<16xf32> to vector<16xf32>
      %swap3A_291 = vector.shape_cast %mul3A_287 : vector<16xf32> to vector<16xf32>
      tpu.vector_store %arg6[%swap3A_288], %swap3A_291 {strides = array<i32>} : memref<16384xf32, #tpu.memory_space<vmem>>, vector<16xf32>,
      %mul3A_292 = arith.constant 256 : i32
      %mul3A_293 = arith.muli %scan3A_152, %mul3A_292 : i32
      %add3A_294 = arith.constant 160 : i32
      %add3A_295 = arith.addi %mul3A_293, %add3A_294 : i32
      %get3A_296 = arith.index_cast %add3A_295 : i32 to index
      %get3A_297 = tpu.vector_load %arg4[%get3A_296] {strides = array<i32>} : memref<16384xf32, #tpu.memory_space<vmem>>, vector<16xf32>,
      %get3A_298 = vector.shape_cast %get3A_297 : vector<16xf32> to vector<16xf32>
      %mul3A_299 = arith.constant 0.707106769 : f32
      %mul3A_300 = vector.broadcast %mul3A_299 : f32 to vector<16xf32>
      %mul3A_301 = arith.mulf %get3A_298, %mul3A_300 : vector<16xf32>
      %swap3A_302 = arith.index_cast %add3A_295 : i32 to index
      %swap3A_303 = tpu.vector_load %arg6[%swap3A_302] {strides = array<i32>} : memref<16384xf32, #tpu.memory_space<vmem>>, vector<16xf32>,
      %swap3A_304 = vector.shape_cast %swap3A_303 : vector<16xf32> to vector<16xf32>
      %swap3A_305 = vector.shape_cast %mul3A_301 : vector<16xf32> to vector<16xf32>
      tpu.vector_store %arg6[%swap3A_302], %swap3A_305 {strides = array<i32>} : memref<16384xf32, #tpu.memory_space<vmem>>, vector<16xf32>,
      %mul3A_306 = arith.constant 256 : i32
      %mul3A_307 = arith.muli %scan3A_152, %mul3A_306 : i32
      %add3A_308 = arith.constant 176 : i32
      %add3A_309 = arith.addi %mul3A_307, %add3A_308 : i32
      %get3A_310 = arith.index_cast %add3A_309 : i32 to index
      %get3A_311 = tpu.vector_load %arg4[%get3A_310] {strides = array<i32>} : memref<16384xf32, #tpu.memory_space<vmem>>, vector<16xf32>,
      %get3A_312 = vector.shape_cast %get3A_311 : vector<16xf32> to vector<16xf32>
      %mul3A_313 = arith.constant 0.707106769 : f32
      %mul3A_314 = vector.broadcast %mul3A_313 : f32 to vector<16xf32>
      %mul3A_315 = arith.mulf %get3A_312, %mul3A_314 : vector<16xf32>
      %swap3A_316 = arith.index_cast %add3A_309 : i32 to index
      %swap3A_317 = tpu.vector_load %arg6[%swap3A_316] {strides = array<i32>} : memref<16384xf32, #tpu.memory_space<vmem>>, vector<16xf32>,
      %swap3A_318 = vector.shape_cast %swap3A_317 : vector<16xf32> to vector<16xf32>
      %swap3A_319 = vector.shape_cast %mul3A_315 : vector<16xf32> to vector<16xf32>
      tpu.vector_store %arg6[%swap3A_316], %swap3A_319 {strides = array<i32>} : memref<16384xf32, #tpu.memory_space<vmem>>, vector<16xf32>,
      %mul3A_320 = arith.constant 256 : i32
      %mul3A_321 = arith.muli %scan3A_152, %mul3A_320 : i32
      %add3A_322 = arith.constant 192 : i32
      %add3A_323 = arith.addi %mul3A_321, %add3A_322 : i32
      %get3A_324 = arith.index_cast %add3A_323 : i32 to index
      %get3A_325 = tpu.vector_load %arg4[%get3A_324] {strides = array<i32>} : memref<16384xf32, #tpu.memory_space<vmem>>, vector<16xf32>,
      %get3A_326 = vector.shape_cast %get3A_325 : vector<16xf32> to vector<16xf32>
      %mul3A_327 = arith.constant 0.707106769 : f32
      %mul3A_328 = vector.broadcast %mul3A_327 : f32 to vector<16xf32>
      %mul3A_329 = arith.mulf %get3A_326, %mul3A_328 : vector<16xf32>
      %swap3A_330 = arith.index_cast %add3A_323 : i32 to index
      %swap3A_331 = tpu.vector_load %arg6[%swap3A_330] {strides = array<i32>} : memref<16384xf32, #tpu.memory_space<vmem>>, vector<16xf32>,
      %swap3A_332 = vector.shape_cast %swap3A_331 : vector<16xf32> to vector<16xf32>
      %swap3A_333 = vector.shape_cast %mul3A_329 : vector<16xf32> to vector<16xf32>
      tpu.vector_store %arg6[%swap3A_330], %swap3A_333 {strides = array<i32>} : memref<16384xf32, #tpu.memory_space<vmem>>, vector<16xf32>,
      %mul3A_334 = arith.constant 256 : i32
      %mul3A_335 = arith.muli %scan3A_152, %mul3A_334 : i32
      %add3A_336 = arith.constant 208 : i32
      %add3A_337 = arith.addi %mul3A_335, %add3A_336 : i32
      %get3A_338 = arith.index_cast %add3A_337 : i32 to index
      %get3A_339 = tpu.vector_load %arg4[%get3A_338] {strides = array<i32>} : memref<16384xf32, #tpu.memory_space<vmem>>, vector<16xf32>,
      %get3A_340 = vector.shape_cast %get3A_339 : vector<16xf32> to vector<16xf32>
      %mul3A_341 = arith.constant 0.707106769 : f32
      %mul3A_342 = vector.broadcast %mul3A_341 : f32 to vector<16xf32>
      %mul3A_343 = arith.mulf %get3A_340, %mul3A_342 : vector<16xf32>
      %swap3A_344 = arith.index_cast %add3A_337 : i32 to index
      %swap3A_345 = tpu.vector_load %arg6[%swap3A_344] {strides = array<i32>} : memref<16384xf32, #tpu.memory_space<vmem>>, vector<16xf32>,
      %swap3A_346 = vector.shape_cast %swap3A_345 : vector<16xf32> to vector<16xf32>
      %swap3A_347 = vector.shape_cast %mul3A_343 : vector<16xf32> to vector<16xf32>
      tpu.vector_store %arg6[%swap3A_344], %swap3A_347 {strides = array<i32>} : memref<16384xf32, #tpu.memory_space<vmem>>, vector<16xf32>,
      %mul3A_348 = arith.constant 256 : i32
      %mul3A_349 = arith.muli %scan3A_152, %mul3A_348 : i32
      %add3A_350 = arith.constant 224 : i32
      %add3A_351 = arith.addi %mul3A_349, %add3A_350 : i32
      %get3A_352 = arith.index_cast %add3A_351 : i32 to index
      %get3A_353 = tpu.vector_load %arg4[%get3A_352] {strides = array<i32>} : memref<16384xf32, #tpu.memory_space<vmem>>, vector<16xf32>,
      %get3A_354 = vector.shape_cast %get3A_353 : vector<16xf32> to vector<16xf32>
      %mul3A_355 = arith.constant 0.707106769 : f32
      %mul3A_356 = vector.broadcast %mul3A_355 : f32 to vector<16xf32>
      %mul3A_357 = arith.mulf %get3A_354, %mul3A_356 : vector<16xf32>
      %swap3A_358 = arith.index_cast %add3A_351 : i32 to index
      %swap3A_359 = tpu.vector_load %arg6[%swap3A_358] {strides = array<i32>} : memref<16384xf32, #tpu.memory_space<vmem>>, vector<16xf32>,
      %swap3A_360 = vector.shape_cast %swap3A_359 : vector<16xf32> to vector<16xf32>
      %swap3A_361 = vector.shape_cast %mul3A_357 : vector<16xf32> to vector<16xf32>
      tpu.vector_store %arg6[%swap3A_358], %swap3A_361 {strides = array<i32>} : memref<16384xf32, #tpu.memory_space<vmem>>, vector<16xf32>,
      %mul3A_362 = arith.constant 256 : i32
      %mul3A_363 = arith.muli %scan3A_152, %mul3A_362 : i32
      %add3A_364 = arith.constant 240 : i32
      %add3A_365 = arith.addi %mul3A_363, %add3A_364 : i32
      %get3A_366 = arith.index_cast %add3A_365 : i32 to index
      %get3A_367 = tpu.vector_load %arg4[%get3A_366] {strides = array<i32>} : memref<16384xf32, #tpu.memory_space<vmem>>, vector<16xf32>,
      %get3A_368 = vector.shape_cast %get3A_367 : vector<16xf32> to vector<16xf32>
      %mul3A_369 = arith.constant 0.707106769 : f32
      %mul3A_370 = vector.broadcast %mul3A_369 : f32 to vector<16xf32>
      %mul3A_371 = arith.mulf %get3A_368, %mul3A_370 : vector<16xf32>
      %swap3A_372 = arith.index_cast %add3A_365 : i32 to index
      %swap3A_373 = tpu.vector_load %arg6[%swap3A_372] {strides = array<i32>} : memref<16384xf32, #tpu.memory_space<vmem>>, vector<16xf32>,
      %swap3A_374 = vector.shape_cast %swap3A_373 : vector<16xf32> to vector<16xf32>
      %swap3A_375 = vector.shape_cast %mul3A_371 : vector<16xf32> to vector<16xf32>
      tpu.vector_store %arg6[%swap3A_372], %swap3A_375 {strides = array<i32>} : memref<16384xf32, #tpu.memory_space<vmem>>, vector<16xf32>,
      %scan3A_376 = arith.constant 0 : i32
      scf.yield %scan3A_376 : i32
    }
    %scan3A_128 = arith.constant 64 : i32
    %add3A_129 = arith.constant 98304 : i32
    %add3A_130 = arith.addi %mul3A_2, %add3A_129 : i32
    %dma_start3A_131 = tpu.memref_slice %arg3[%add3A_130] : memref<4194304xf32, #tpu.memory_space<hbm>> -> memref<16384xf32, #tpu.memory_space<hbm>>
    %dma_start3A_132 = tpu.memref_slice %arg3[%add3A_130] : memref<4194304xf32, #tpu.memory_space<hbm>> -> memref<16384xf32, #tpu.memory_space<hbm>>
    tpu.enqueue_dma source(%arg6 : memref<16384xf32, #tpu.memory_space<vmem>>) target(%dma_start3A_132 : memref<16384xf32, #tpu.memory_space<hbm>>) target_semaphore(%arg10 : memref<!tpu.dma_semaphore, #tpu.memory_space<semaphore_mem>>)
    %dma_wait3A_133 = tpu.memref_slice %arg2[%add3A_115] : memref<4194304xf32, #tpu.memory_space<hbm>> -> memref<16384xf32, #tpu.memory_space<hbm>>
    %dma_wait3A_134 = tpu.memref_slice %arg2[%add3A_115] : memref<4194304xf32, #tpu.memory_space<hbm>> -> memref<16384xf32, #tpu.memory_space<hbm>>
    tpu.wait_dma2 semaphore(%arg9 : memref<!tpu.dma_semaphore, #tpu.memory_space<semaphore_mem>>) src(%dma_wait3A_134 : memref<16384xf32, #tpu.memory_space<hbm>>) dst(%arg5 : memref<16384xf32, #tpu.memory_space<vmem>>)
    %dma_wait3A_135 = tpu.memref_slice %arg3[%add3A_111] : memref<4194304xf32, #tpu.memory_space<hbm>> -> memref<16384xf32, #tpu.memory_space<hbm>>
    %dma_wait3A_136 = tpu.memref_slice %arg3[%add3A_111] : memref<4194304xf32, #tpu.memory_space<hbm>> -> memref<16384xf32, #tpu.memory_space<hbm>>
    tpu.wait_dma2 semaphore(%arg11 : memref<!tpu.dma_semaphore, #tpu.memory_space<semaphore_mem>>) src(%arg7 : memref<16384xf32, #tpu.memory_space<vmem>>) dst(%dma_wait3A_136 : memref<16384xf32, #tpu.memory_space<hbm>>)
    %scan3A_137 = arith.constant 0 : i32
    %scan3A_138 = arith.constant 0 : i32
    %scan3A_139 = arith.constant 64 : i32
    %scan3A_140 = arith.addi %scan3A_138, %scan3A_139 : i32
    %scan3A_141 = arith.constant 1 : i32
    %scan3A_142 = scf.for %scan3A_152 = %scan3A_138 to %scan3A_140 step %scan3A_141 iter_args(%scan3A_153 = %scan3A_137) -> (i32)  : i32 {
      %mul3A_154 = arith.constant 256 : i32
      %mul3A_155 = arith.muli %scan3A_152, %mul3A_154 : i32
      %add3A_156 = arith.constant 0 : i32
      %add3A_157 = arith.addi %mul3A_155, %add3A_156 : i32
      %get3A = arith.index_cast %add3A_157 : i32 to index
      %get3A_158 = tpu.vector_load %arg5[%get3A] {strides = array<i32>} : memref<16384xf32, #tpu.memory_space<vmem>>, vector<16xf32>,
      %get3A_159 = vector.shape_cast %get3A_158 : vector<16xf32> to vector<16xf32>
      %mul3A_160 = arith.constant 0.707106769 : f32
      %mul3A_161 = vector.broadcast %mul3A_160 : f32 to vector<16xf32>
      %mul3A_162 = arith.mulf %get3A_159, %mul3A_161 : vector<16xf32>
      %swap3A = arith.index_cast %add3A_157 : i32 to index
      %swap3A_163 = tpu.vector_load %arg7[%swap3A] {strides = array<i32>} : memref<16384xf32, #tpu.memory_space<vmem>>, vector<16xf32>,
      %swap3A_164 = vector.shape_cast %swap3A_163 : vector<16xf32> to vector<16xf32>
      %swap3A_165 = vector.shape_cast %mul3A_162 : vector<16xf32> to vector<16xf32>
      tpu.vector_store %arg7[%swap3A], %swap3A_165 {strides = array<i32>} : memref<16384xf32, #tpu.memory_space<vmem>>, vector<16xf32>,
      %mul3A_166 = arith.constant 256 : i32
      %mul3A_167 = arith.muli %scan3A_152, %mul3A_166 : i32
      %add3A_168 = arith.constant 16 : i32
      %add3A_169 = arith.addi %mul3A_167, %add3A_168 : i32
      %get3A_170 = arith.index_cast %add3A_169 : i32 to index
      %get3A_171 = tpu.vector_load %arg5[%get3A_170] {strides = array<i32>} : memref<16384xf32, #tpu.memory_space<vmem>>, vector<16xf32>,
      %get3A_172 = vector.shape_cast %get3A_171 : vector<16xf32> to vector<16xf32>
      %mul3A_173 = arith.constant 0.707106769 : f32
      %mul3A_174 = vector.broadcast %mul3A_173 : f32 to vector<16xf32>
      %mul3A_175 = arith.mulf %get3A_172, %mul3A_174 : vector<16xf32>
      %swap3A_176 = arith.index_cast %add3A_169 : i32 to index
      %swap3A_177 = tpu.vector_load %arg7[%swap3A_176] {strides = array<i32>} : memref<16384xf32, #tpu.memory_space<vmem>>, vector<16xf32>,
      %swap3A_178 = vector.shape_cast %swap3A_177 : vector<16xf32> to vector<16xf32>
      %swap3A_179 = vector.shape_cast %mul3A_175 : vector<16xf32> to vector<16xf32>
      tpu.vector_store %arg7[%swap3A_176], %swap3A_179 {strides = array<i32>} : memref<16384xf32, #tpu.memory_space<vmem>>, vector<16xf32>,
      %mul3A_180 = arith.constant 256 : i32
      %mul3A_181 = arith.muli %scan3A_152, %mul3A_180 : i32
      %add3A_182 = arith.constant 32 : i32
      %add3A_183 = arith.addi %mul3A_181, %add3A_182 : i32
      %get3A_184 = arith.index_cast %add3A_183 : i32 to index
      %get3A_185 = tpu.vector_load %arg5[%get3A_184] {strides = array<i32>} : memref<16384xf32, #tpu.memory_space<vmem>>, vector<16xf32>,
      %get3A_186 = vector.shape_cast %get3A_185 : vector<16xf32> to vector<16xf32>
      %mul3A_187 = arith.constant 0.707106769 : f32
      %mul3A_188 = vector.broadcast %mul3A_187 : f32 to vector<16xf32>
      %mul3A_189 = arith.mulf %get3A_186, %mul3A_188 : vector<16xf32>
      %swap3A_190 = arith.index_cast %add3A_183 : i32 to index
      %swap3A_191 = tpu.vector_load %arg7[%swap3A_190] {strides = array<i32>} : memref<16384xf32, #tpu.memory_space<vmem>>, vector<16xf32>,
      %swap3A_192 = vector.shape_cast %swap3A_191 : vector<16xf32> to vector<16xf32>
      %swap3A_193 = vector.shape_cast %mul3A_189 : vector<16xf32> to vector<16xf32>
      tpu.vector_store %arg7[%swap3A_190], %swap3A_193 {strides = array<i32>} : memref<16384xf32, #tpu.memory_space<vmem>>, vector<16xf32>,
      %mul3A_194 = arith.constant 256 : i32
      %mul3A_195 = arith.muli %scan3A_152, %mul3A_194 : i32
      %add3A_196 = arith.constant 48 : i32
      %add3A_197 = arith.addi %mul3A_195, %add3A_196 : i32
      %get3A_198 = arith.index_cast %add3A_197 : i32 to index
      %get3A_199 = tpu.vector_load %arg5[%get3A_198] {strides = array<i32>} : memref<16384xf32, #tpu.memory_space<vmem>>, vector<16xf32>,
      %get3A_200 = vector.shape_cast %get3A_199 : vector<16xf32> to vector<16xf32>
      %mul3A_201 = arith.constant 0.707106769 : f32
      %mul3A_202 = vector.broadcast %mul3A_201 : f32 to vector<16xf32>
      %mul3A_203 = arith.mulf %get3A_200, %mul3A_202 : vector<16xf32>
      %swap3A_204 = arith.index_cast %add3A_197 : i32 to index
      %swap3A_205 = tpu.vector_load %arg7[%swap3A_204] {strides = array<i32>} : memref<16384xf32, #tpu.memory_space<vmem>>, vector<16xf32>,
      %swap3A_206 = vector.shape_cast %swap3A_205 : vector<16xf32> to vector<16xf32>
      %swap3A_207 = vector.shape_cast %mul3A_203 : vector<16xf32> to vector<16xf32>
      tpu.vector_store %arg7[%swap3A_204], %swap3A_207 {strides = array<i32>} : memref<16384xf32, #tpu.memory_space<vmem>>, vector<16xf32>,
      %mul3A_208 = arith.constant 256 : i32
      %mul3A_209 = arith.muli %scan3A_152, %mul3A_208 : i32
      %add3A_210 = arith.constant 64 : i32
      %add3A_211 = arith.addi %mul3A_209, %add3A_210 : i32
      %get3A_212 = arith.index_cast %add3A_211 : i32 to index
      %get3A_213 = tpu.vector_load %arg5[%get3A_212] {strides = array<i32>} : memref<16384xf32, #tpu.memory_space<vmem>>, vector<16xf32>,
      %get3A_214 = vector.shape_cast %get3A_213 : vector<16xf32> to vector<16xf32>
      %mul3A_215 = arith.constant 0.707106769 : f32
      %mul3A_216 = vector.broadcast %mul3A_215 : f32 to vector<16xf32>
      %mul3A_217 = arith.mulf %get3A_214, %mul3A_216 : vector<16xf32>
      %swap3A_218 = arith.index_cast %add3A_211 : i32 to index
      %swap3A_219 = tpu.vector_load %arg7[%swap3A_218] {strides = array<i32>} : memref<16384xf32, #tpu.memory_space<vmem>>, vector<16xf32>,
      %swap3A_220 = vector.shape_cast %swap3A_219 : vector<16xf32> to vector<16xf32>
      %swap3A_221 = vector.shape_cast %mul3A_217 : vector<16xf32> to vector<16xf32>
      tpu.vector_store %arg7[%swap3A_218], %swap3A_221 {strides = array<i32>} : memref<16384xf32, #tpu.memory_space<vmem>>, vector<16xf32>,
      %mul3A_222 = arith.constant 256 : i32
      %mul3A_223 = arith.muli %scan3A_152, %mul3A_222 : i32
      %add3A_224 = arith.constant 80 : i32
      %add3A_225 = arith.addi %mul3A_223, %add3A_224 : i32
      %get3A_226 = arith.index_cast %add3A_225 : i32 to index
      %get3A_227 = tpu.vector_load %arg5[%get3A_226] {strides = array<i32>} : memref<16384xf32, #tpu.memory_space<vmem>>, vector<16xf32>,
      %get3A_228 = vector.shape_cast %get3A_227 : vector<16xf32> to vector<16xf32>
      %mul3A_229 = arith.constant 0.707106769 : f32
      %mul3A_230 = vector.broadcast %mul3A_229 : f32 to vector<16xf32>
      %mul3A_231 = arith.mulf %get3A_228, %mul3A_230 : vector<16xf32>
      %swap3A_232 = arith.index_cast %add3A_225 : i32 to index
      %swap3A_233 = tpu.vector_load %arg7[%swap3A_232] {strides = array<i32>} : memref<16384xf32, #tpu.memory_space<vmem>>, vector<16xf32>,
      %swap3A_234 = vector.shape_cast %swap3A_233 : vector<16xf32> to vector<16xf32>
      %swap3A_235 = vector.shape_cast %mul3A_231 : vector<16xf32> to vector<16xf32>
      tpu.vector_store %arg7[%swap3A_232], %swap3A_235 {strides = array<i32>} : memref<16384xf32, #tpu.memory_space<vmem>>, vector<16xf32>,
      %mul3A_236 = arith.constant 256 : i32
      %mul3A_237 = arith.muli %scan3A_152, %mul3A_236 : i32
      %add3A_238 = arith.constant 96 : i32
      %add3A_239 = arith.addi %mul3A_237, %add3A_238 : i32
      %get3A_240 = arith.index_cast %add3A_239 : i32 to index
      %get3A_241 = tpu.vector_load %arg5[%get3A_240] {strides = array<i32>} : memref<16384xf32, #tpu.memory_space<vmem>>, vector<16xf32>,
      %get3A_242 = vector.shape_cast %get3A_241 : vector<16xf32> to vector<16xf32>
      %mul3A_243 = arith.constant 0.707106769 : f32
      %mul3A_244 = vector.broadcast %mul3A_243 : f32 to vector<16xf32>
      %mul3A_245 = arith.mulf %get3A_242, %mul3A_244 : vector<16xf32>
      %swap3A_246 = arith.index_cast %add3A_239 : i32 to index
      %swap3A_247 = tpu.vector_load %arg7[%swap3A_246] {strides = array<i32>} : memref<16384xf32, #tpu.memory_space<vmem>>, vector<16xf32>,
      %swap3A_248 = vector.shape_cast %swap3A_247 : vector<16xf32> to vector<16xf32>
      %swap3A_249 = vector.shape_cast %mul3A_245 : vector<16xf32> to vector<16xf32>
      tpu.vector_store %arg7[%swap3A_246], %swap3A_249 {strides = array<i32>} : memref<16384xf32, #tpu.memory_space<vmem>>, vector<16xf32>,
      %mul3A_250 = arith.constant 256 : i32
      %mul3A_251 = arith.muli %scan3A_152, %mul3A_250 : i32
      %add3A_252 = arith.constant 112 : i32
      %add3A_253 = arith.addi %mul3A_251, %add3A_252 : i32
      %get3A_254 = arith.index_cast %add3A_253 : i32 to index
      %get3A_255 = tpu.vector_load %arg5[%get3A_254] {strides = array<i32>} : memref<16384xf32, #tpu.memory_space<vmem>>, vector<16xf32>,
      %get3A_256 = vector.shape_cast %get3A_255 : vector<16xf32> to vector<16xf32>
      %mul3A_257 = arith.constant 0.707106769 : f32
      %mul3A_258 = vector.broadcast %mul3A_257 : f32 to vector<16xf32>
      %mul3A_259 = arith.mulf %get3A_256, %mul3A_258 : vector<16xf32>
      %swap3A_260 = arith.index_cast %add3A_253 : i32 to index
      %swap3A_261 = tpu.vector_load %arg7[%swap3A_260] {strides = array<i32>} : memref<16384xf32, #tpu.memory_space<vmem>>, vector<16xf32>,
      %swap3A_262 = vector.shape_cast %swap3A_261 : vector<16xf32> to vector<16xf32>
      %swap3A_263 = vector.shape_cast %mul3A_259 : vector<16xf32> to vector<16xf32>
      tpu.vector_store %arg7[%swap3A_260], %swap3A_263 {strides = array<i32>} : memref<16384xf32, #tpu.memory_space<vmem>>, vector<16xf32>,
      %mul3A_264 = arith.constant 256 : i32
      %mul3A_265 = arith.muli %scan3A_152, %mul3A_264 : i32
      %add3A_266 = arith.constant 128 : i32
      %add3A_267 = arith.addi %mul3A_265, %add3A_266 : i32
      %get3A_268 = arith.index_cast %add3A_267 : i32 to index
      %get3A_269 = tpu.vector_load %arg5[%get3A_268] {strides = array<i32>} : memref<16384xf32, #tpu.memory_space<vmem>>, vector<16xf32>,
      %get3A_270 = vector.shape_cast %get3A_269 : vector<16xf32> to vector<16xf32>
      %mul3A_271 = arith.constant 0.707106769 : f32
      %mul3A_272 = vector.broadcast %mul3A_271 : f32 to vector<16xf32>
      %mul3A_273 = arith.mulf %get3A_270, %mul3A_272 : vector<16xf32>
      %swap3A_274 = arith.index_cast %add3A_267 : i32 to index
      %swap3A_275 = tpu.vector_load %arg7[%swap3A_274] {strides = array<i32>} : memref<16384xf32, #tpu.memory_space<vmem>>, vector<16xf32>,
      %swap3A_276 = vector.shape_cast %swap3A_275 : vector<16xf32> to vector<16xf32>
      %swap3A_277 = vector.shape_cast %mul3A_273 : vector<16xf32> to vector<16xf32>
      tpu.vector_store %arg7[%swap3A_274], %swap3A_277 {strides = array<i32>} : memref<16384xf32, #tpu.memory_space<vmem>>, vector<16xf32>,
      %mul3A_278 = arith.constant 256 : i32
      %mul3A_279 = arith.muli %scan3A_152, %mul3A_278 : i32
      %add3A_280 = arith.constant 144 : i32
      %add3A_281 = arith.addi %mul3A_279, %add3A_280 : i32
      %get3A_282 = arith.index_cast %add3A_281 : i32 to index
      %get3A_283 = tpu.vector_load %arg5[%get3A_282] {strides = array<i32>} : memref<16384xf32, #tpu.memory_space<vmem>>, vector<16xf32>,
      %get3A_284 = vector.shape_cast %get3A_283 : vector<16xf32> to vector<16xf32>
      %mul3A_285 = arith.constant 0.707106769 : f32
      %mul3A_286 = vector.broadcast %mul3A_285 : f32 to vector<16xf32>
      %mul3A_287 = arith.mulf %get3A_284, %mul3A_286 : vector<16xf32>
      %swap3A_288 = arith.index_cast %add3A_281 : i32 to index
      %swap3A_289 = tpu.vector_load %arg7[%swap3A_288] {strides = array<i32>} : memref<16384xf32, #tpu.memory_space<vmem>>, vector<16xf32>,
      %swap3A_290 = vector.shape_cast %swap3A_289 : vector<16xf32> to vector<16xf32>
      %swap3A_291 = vector.shape_cast %mul3A_287 : vector<16xf32> to vector<16xf32>
      tpu.vector_store %arg7[%swap3A_288], %swap3A_291 {strides = array<i32>} : memref<16384xf32, #tpu.memory_space<vmem>>, vector<16xf32>,
      %mul3A_292 = arith.constant 256 : i32
      %mul3A_293 = arith.muli %scan3A_152, %mul3A_292 : i32
      %add3A_294 = arith.constant 160 : i32
      %add3A_295 = arith.addi %mul3A_293, %add3A_294 : i32
      %get3A_296 = arith.index_cast %add3A_295 : i32 to index
      %get3A_297 = tpu.vector_load %arg5[%get3A_296] {strides = array<i32>} : memref<16384xf32, #tpu.memory_space<vmem>>, vector<16xf32>,
      %get3A_298 = vector.shape_cast %get3A_297 : vector<16xf32> to vector<16xf32>
      %mul3A_299 = arith.constant 0.707106769 : f32
      %mul3A_300 = vector.broadcast %mul3A_299 : f32 to vector<16xf32>
      %mul3A_301 = arith.mulf %get3A_298, %mul3A_300 : vector<16xf32>
      %swap3A_302 = arith.index_cast %add3A_295 : i32 to index
      %swap3A_303 = tpu.vector_load %arg7[%swap3A_302] {strides = array<i32>} : memref<16384xf32, #tpu.memory_space<vmem>>, vector<16xf32>,
      %swap3A_304 = vector.shape_cast %swap3A_303 : vector<16xf32> to vector<16xf32>
      %swap3A_305 = vector.shape_cast %mul3A_301 : vector<16xf32> to vector<16xf32>
      tpu.vector_store %arg7[%swap3A_302], %swap3A_305 {strides = array<i32>} : memref<16384xf32, #tpu.memory_space<vmem>>, vector<16xf32>,
      %mul3A_306 = arith.constant 256 : i32
      %mul3A_307 = arith.muli %scan3A_152, %mul3A_306 : i32
      %add3A_308 = arith.constant 176 : i32
      %add3A_309 = arith.addi %mul3A_307, %add3A_308 : i32
      %get3A_310 = arith.index_cast %add3A_309 : i32 to index
      %get3A_311 = tpu.vector_load %arg5[%get3A_310] {strides = array<i32>} : memref<16384xf32, #tpu.memory_space<vmem>>, vector<16xf32>,
      %get3A_312 = vector.shape_cast %get3A_311 : vector<16xf32> to vector<16xf32>
      %mul3A_313 = arith.constant 0.707106769 : f32
      %mul3A_314 = vector.broadcast %mul3A_313 : f32 to vector<16xf32>
      %mul3A_315 = arith.mulf %get3A_312, %mul3A_314 : vector<16xf32>
      %swap3A_316 = arith.index_cast %add3A_309 : i32 to index
      %swap3A_317 = tpu.vector_load %arg7[%swap3A_316] {strides = array<i32>} : memref<16384xf32, #tpu.memory_space<vmem>>, vector<16xf32>,
      %swap3A_318 = vector.shape_cast %swap3A_317 : vector<16xf32> to vector<16xf32>
      %swap3A_319 = vector.shape_cast %mul3A_315 : vector<16xf32> to vector<16xf32>
      tpu.vector_store %arg7[%swap3A_316], %swap3A_319 {strides = array<i32>} : memref<16384xf32, #tpu.memory_space<vmem>>, vector<16xf32>,
      %mul3A_320 = arith.constant 256 : i32
      %mul3A_321 = arith.muli %scan3A_152, %mul3A_320 : i32
      %add3A_322 = arith.constant 192 : i32
      %add3A_323 = arith.addi %mul3A_321, %add3A_322 : i32
      %get3A_324 = arith.index_cast %add3A_323 : i32 to index
      %get3A_325 = tpu.vector_load %arg5[%get3A_324] {strides = array<i32>} : memref<16384xf32, #tpu.memory_space<vmem>>, vector<16xf32>,
      %get3A_326 = vector.shape_cast %get3A_325 : vector<16xf32> to vector<16xf32>
      %mul3A_327 = arith.constant 0.707106769 : f32
      %mul3A_328 = vector.broadcast %mul3A_327 : f32 to vector<16xf32>
      %mul3A_329 = arith.mulf %get3A_326, %mul3A_328 : vector<16xf32>
      %swap3A_330 = arith.index_cast %add3A_323 : i32 to index
      %swap3A_331 = tpu.vector_load %arg7[%swap3A_330] {strides = array<i32>} : memref<16384xf32, #tpu.memory_space<vmem>>, vector<16xf32>,
      %swap3A_332 = vector.shape_cast %swap3A_331 : vector<16xf32> to vector<16xf32>
      %swap3A_333 = vector.shape_cast %mul3A_329 : vector<16xf32> to vector<16xf32>
      tpu.vector_store %arg7[%swap3A_330], %swap3A_333 {strides = array<i32>} : memref<16384xf32, #tpu.memory_space<vmem>>, vector<16xf32>,
      %mul3A_334 = arith.constant 256 : i32
      %mul3A_335 = arith.muli %scan3A_152, %mul3A_334 : i32
      %add3A_336 = arith.constant 208 : i32
      %add3A_337 = arith.addi %mul3A_335, %add3A_336 : i32
      %get3A_338 = arith.index_cast %add3A_337 : i32 to index
      %get3A_339 = tpu.vector_load %arg5[%get3A_338] {strides = array<i32>} : memref<16384xf32, #tpu.memory_space<vmem>>, vector<16xf32>,
      %get3A_340 = vector.shape_cast %get3A_339 : vector<16xf32> to vector<16xf32>
      %mul3A_341 = arith.constant 0.707106769 : f32
      %mul3A_342 = vector.broadcast %mul3A_341 : f32 to vector<16xf32>
      %mul3A_343 = arith.mulf %get3A_340, %mul3A_342 : vector<16xf32>
      %swap3A_344 = arith.index_cast %add3A_337 : i32 to index
      %swap3A_345 = tpu.vector_load %arg7[%swap3A_344] {strides = array<i32>} : memref<16384xf32, #tpu.memory_space<vmem>>, vector<16xf32>,
      %swap3A_346 = vector.shape_cast %swap3A_345 : vector<16xf32> to vector<16xf32>
      %swap3A_347 = vector.shape_cast %mul3A_343 : vector<16xf32> to vector<16xf32>
      tpu.vector_store %arg7[%swap3A_344], %swap3A_347 {strides = array<i32>} : memref<16384xf32, #tpu.memory_space<vmem>>, vector<16xf32>,
      %mul3A_348 = arith.constant 256 : i32
      %mul3A_349 = arith.muli %scan3A_152, %mul3A_348 : i32
      %add3A_350 = arith.constant 224 : i32
      %add3A_351 = arith.addi %mul3A_349, %add3A_350 : i32
      %get3A_352 = arith.index_cast %add3A_351 : i32 to index
      %get3A_353 = tpu.vector_load %arg5[%get3A_352] {strides = array<i32>} : memref<16384xf32, #tpu.memory_space<vmem>>, vector<16xf32>,
      %get3A_354 = vector.shape_cast %get3A_353 : vector<16xf32> to vector<16xf32>
      %mul3A_355 = arith.constant 0.707106769 : f32
      %mul3A_356 = vector.broadcast %mul3A_355 : f32 to vector<16xf32>
      %mul3A_357 = arith.mulf %get3A_354, %mul3A_356 : vector<16xf32>
      %swap3A_358 = arith.index_cast %add3A_351 : i32 to index
      %swap3A_359 = tpu.vector_load %arg7[%swap3A_358] {strides = array<i32>} : memref<16384xf32, #tpu.memory_space<vmem>>, vector<16xf32>,
      %swap3A_360 = vector.shape_cast %swap3A_359 : vector<16xf32> to vector<16xf32>
      %swap3A_361 = vector.shape_cast %mul3A_357 : vector<16xf32> to vector<16xf32>
      tpu.vector_store %arg7[%swap3A_358], %swap3A_361 {strides = array<i32>} : memref<16384xf32, #tpu.memory_space<vmem>>, vector<16xf32>,
      %mul3A_362 = arith.constant 256 : i32
      %mul3A_363 = arith.muli %scan3A_152, %mul3A_362 : i32
      %add3A_364 = arith.constant 240 : i32
      %add3A_365 = arith.addi %mul3A_363, %add3A_364 : i32
      %get3A_366 = arith.index_cast %add3A_365 : i32 to index
      %get3A_367 = tpu.vector_load %arg5[%get3A_366] {strides = array<i32>} : memref<16384xf32, #tpu.memory_space<vmem>>, vector<16xf32>,
      %get3A_368 = vector.shape_cast %get3A_367 : vector<16xf32> to vector<16xf32>
      %mul3A_369 = arith.constant 0.707106769 : f32
      %mul3A_370 = vector.broadcast %mul3A_369 : f32 to vector<16xf32>
      %mul3A_371 = arith.mulf %get3A_368, %mul3A_370 : vector<16xf32>
      %swap3A_372 = arith.index_cast %add3A_365 : i32 to index
      %swap3A_373 = tpu.vector_load %arg7[%swap3A_372] {strides = array<i32>} : memref<16384xf32, #tpu.memory_space<vmem>>, vector<16xf32>,
      %swap3A_374 = vector.shape_cast %swap3A_373 : vector<16xf32> to vector<16xf32>
      %swap3A_375 = vector.shape_cast %mul3A_371 : vector<16xf32> to vector<16xf32>
      tpu.vector_store %arg7[%swap3A_372], %swap3A_375 {strides = array<i32>} : memref<16384xf32, #tpu.memory_space<vmem>>, vector<16xf32>,
      %scan3A_376 = arith.constant 0 : i32
      scf.yield %scan3A_376 : i32
    }
    %scan3A_143 = arith.constant 64 : i32
    %add3A_144 = arith.constant 114688 : i32
    %add3A_145 = arith.addi %mul3A_2, %add3A_144 : i32
    %dma_start3A_146 = tpu.memref_slice %arg3[%add3A_145] : memref<4194304xf32, #tpu.memory_space<hbm>> -> memref<16384xf32, #tpu.memory_space<hbm>>
    %dma_start3A_147 = tpu.memref_slice %arg3[%add3A_145] : memref<4194304xf32, #tpu.memory_space<hbm>> -> memref<16384xf32, #tpu.memory_space<hbm>>
    tpu.enqueue_dma source(%arg7 : memref<16384xf32, #tpu.memory_space<vmem>>) target(%dma_start3A_147 : memref<16384xf32, #tpu.memory_space<hbm>>) target_semaphore(%arg11 : memref<!tpu.dma_semaphore, #tpu.memory_space<semaphore_mem>>)
    %dma_wait3A_148 = tpu.memref_slice %arg3[%add3A_130] : memref<4194304xf32, #tpu.memory_space<hbm>> -> memref<16384xf32, #tpu.memory_space<hbm>>
    %dma_wait3A_149 = tpu.memref_slice %arg3[%add3A_130] : memref<4194304xf32, #tpu.memory_space<hbm>> -> memref<16384xf32, #tpu.memory_space<hbm>>
    tpu.wait_dma2 semaphore(%arg10 : memref<!tpu.dma_semaphore, #tpu.memory_space<semaphore_mem>>) src(%arg6 : memref<16384xf32, #tpu.memory_space<vmem>>) dst(%dma_wait3A_149 : memref<16384xf32, #tpu.memory_space<hbm>>)
    %dma_wait3A_150 = tpu.memref_slice %arg3[%add3A_145] : memref<4194304xf32, #tpu.memory_space<hbm>> -> memref<16384xf32, #tpu.memory_space<hbm>>
    %dma_wait3A_151 = tpu.memref_slice %arg3[%add3A_145] : memref<4194304xf32, #tpu.memory_space<hbm>> -> memref<16384xf32, #tpu.memory_space<hbm>>
    tpu.wait_dma2 semaphore(%arg11 : memref<!tpu.dma_semaphore, #tpu.memory_space<semaphore_mem>>) src(%arg7 : memref<16384xf32, #tpu.memory_space<vmem>>) dst(%dma_wait3A_151 : memref<16384xf32, #tpu.memory_space<hbm>>)
    return
  }
}

</mosaic_0001>

<sc_bundles>
// kernel: kernel.3.cloned.1.call-start
scs
__scs_entry_jumppad:
0x0: {  	(pc) =	sbr.rel $0x88, $3  }
0x1: {  	(tag) =	ssettag $0x0;
	lr =	simm.s32 $0x1  }
0x2: {  	[smem:$0x3FA0] =	sst lr;
	_ =	strace $0xD0000000  }
0x3: {  	_ = 	snop  }
0x4: {  	_ = 	snop  }
0x5: {  	_ = 	snop  }
0x6: {  	_ = 	snop  }
0x7: {  	_ = 	snop  }
__scs_overlays_trampoline_lowered:
0x8: {  	[smem:$0x3FAF] =	sst s0  }
0x9: {  	[smem:$0x3FB0] =	sst s1  }
0xa: {  	[smem:$0x3FB1] =	sst s2  }
0xb: {  	[smem:$0x3FB2] =	sst s3  }
0xc: {  	[smem:$0x3FB3] =	sst s4  }
0xd: {  	[smem:$0x3FB4] =	sst s5  }
0xe: {  	[smem:$0x3FB5] =	sst s6  }
0xf: {  	[smem:$0x3FB6] =	sst s7  }
0x10: {  	[smem:$0x3FB7] =	sst s8  }
0x11: {  	[smem:$0x3FB8] =	sst s9;
	s0 =	simm.s32 @!p0 $0x0  }
0x12: {  	s1 =	sld [smem:$0x3F9E];
	s0 =	simm.s32 @p0 $0x1  }
0x13: {  	[smem:$0x3FB9] =	sst s0;
	s0 =	simm.s32 @!p1 $0x0  }
0x14: {  	s2 =	sld [smem:$0x3F9D];
	s0 =	simm.s32 @p1 $0x1  }
0x15: {  	[smem:$0x3FBA] =	sst s0;
	s0 =	simm.s32 @!p2 $0x0  }
0x16: {  	s3 =	sld [smem:$0x3FDB];
	s0 =	simm.s32 @p2 $0x1  }
0x17: {  	s4 =	simm.s32 $0x1BF5;
	[smem:$0x3FBC] =	sst s0  }
0x18: {  	s0 =	sld [smem:$0x3F9F];
	_ =	swait.ge [sflag:s4], $0x0  }
0x19: {  	s7 =	sld [smem:$0x3FA0]  }
0x1a: {  	s8 =	sadd.s32 $0xFFFFE003, lr  }
0x1b: {  	s9 =	sadd.s32 $0xFFFFFEF7, lr;
	s5 =	simm.s32 $0xFFFFFFFF;
	p2 =	slt.u32 s8, $0xFFFFF086  }
0x1c: {  	p1 =	slt.u32 s9, $0xF7A;
	s5 =	simm.s32 @!p2 $0x0  }
0x1d: {  	s5 =	simm.s32 @p1 $0x1;
	p0 =	seq.s32 s7, s2  }
0x1e: {  	s7 =	smul.u32 @!p0 $0xF7A, s2;
	p2 =	seq.s32 @!p0 s5, $0x0  }
0x1f: {  	s9 =	smul.u32 $0xF7A, s1;
	s8 =	simm.s32 @!p0 $0x1BF5;
	p2 =	por !p2, p0  }
0x20: {  	[sflag:s8] =	ssyncset.s32 @!p0 $0xFFFFF086;
	s6 =	sadd.s32 @!p0 s3, s7;
	s7 =	simm.s32 @!p0 $0x108  }
0x21: {  	s3 =	sadd.s32 s3, s9;
	s6 =	sadd.s32 @!p0 $0x88, s6;
	s7 =	simm.s32 @p2 $0x1082  }
0x22: {  	[simem:s7], [sflag:s8] =	dma.local @!p0 [hbm:s6], $0xF7A  }
0x23: {  	s9 =	sor.u32 $0xD0000000, s2;
	s6 =	simm.s32 $0x108;
	_ =	swait.ge @!p0 [sflag:s8], $0x0  }
0x24: {  	s3 =	sadd.s32 $0x88, s3;
	s6 =	simm.s32 @!p1 $0x1082;
	[sflag:s4] =	ssyncset.s32 $0xFFFFF086  }
0x25: {  	[simem:s6], [sflag:s4] =	dma.local [hbm:s3], $0xF7A  }
0x26: {  	[smem:$0x3FA0] =	sst s1;
	(tag) =	ssettag s2;
	_ =	strace s9  }
0x27: {  	s1 =	sld [smem:$0x3FB0]  }
0x28: {  	s2 =	sld [smem:$0x3FB1]  }
0x29: {  	s4 =	sld [smem:$0x3FB3]  }
0x2a: {  	p0 =	seq.s32 s5, $0x0;
	s5 =	sld [smem:$0x3FB4]  }
0x2b: {  	s6 =	sld [smem:$0x3FB5]  }
0x2c: {  	s7 =	sld [smem:$0x3FB6]  }
0x2d: {  	s3 =	simm.s32 $0x108;
	s8 =	sld [smem:$0x3FB7]  }
0x2e: {  	s3 =	simm.s32 @!p0 $0x1082;
	s9 =	sld [smem:$0x3FB8]  }
0x2f: {  	lr =	sadd.s32 s0, s3;
	s0 =	sld [smem:$0x3FAF]  }
0x30: {  	s3 =	sld [smem:$0x3FB2]  }
0x31: {  	[smem:$0x3FBB] =	sst s10  }
0x32: {  	s10 =	sld [smem:$0x3FB9];
	_ =	sdelay $0x3  }
0x33: {  	p0 =	seq.s32 s10, $0x1;
	s10 =	sld [smem:$0x3FBB];
	_ =	sdelay $0x3  }
0x34: {  	[smem:$0x3FBB] =	sst s10  }
0x35: {  	s10 =	sld [smem:$0x3FBA];
	_ =	sdelay $0x3  }
0x36: {  	p1 =	seq.s32 s10, $0x1;
	s10 =	sld [smem:$0x3FBB];
	_ =	sdelay $0x3  }
0x37: {  	[smem:$0x3FBB] =	sst s10  }
0x38: {  	s10 =	sld [smem:$0x3FBC]  }
0x39: {  	_ = 	snop;
	(pc) =	sbr.ind lr, $3  }
0x3a: {  	_ = 	snop  }
0x3b: {  	_ = 	snop  }
0x3c: {  	p2 =	seq.s32 s10, $0x1;
	s10 =	sld [smem:$0x3FBB]  }
0x3d: {  	_ =	shalt  }
0x3e: {  	_ =	shalt  }
0x3f: {  	_ =	shalt  }
0x40: {  	_ =	shalt  }
0x41: {  	_ =	shalt  }
0x42: {  	_ =	shalt  }
0x43: {  	_ =	shalt  }
0x44: {  	_ =	shalt  }
0x45: {  	_ =	shalt  }
0x46: {  	_ =	shalt  }
0x47: {  	_ =	shalt  }
0x48: {  	_ =	shalt  }
0x49: {  	_ =	shalt  }
0x4a: {  	_ =	shalt  }
0x4b: {  	_ =	shalt  }
0x4c: {  	_ =	shalt  }
0x4d: {  	_ =	shalt  }
0x4e: {  	_ =	shalt  }
0x4f: {  	_ =	shalt  }
0x50: {  	_ =	shalt  }
0x51: {  	_ =	shalt  }
0x52: {  	_ =	shalt  }
0x53: {  	_ =	shalt  }
0x54: {  	_ =	shalt  }
0x55: {  	_ =	shalt  }
0x56: {  	_ =	shalt  }
0x57: {  	_ =	shalt  }
0x58: {  	_ =	shalt  }
0x59: {  	_ =	shalt  }
0x5a: {  	_ =	shalt  }
0x5b: {  	_ =	shalt  }
0x5c: {  	_ =	shalt  }
0x5d: {  	_ =	shalt  }
0x5e: {  	_ =	shalt  }
0x5f: {  	_ =	shalt  }
0x60: {  	_ =	shalt  }
0x61: {  	_ =	shalt  }
0x62: {  	_ =	shalt  }
0x63: {  	_ =	shalt  }
0x64: {  	_ =	shalt  }
0x65: {  	_ =	shalt  }
0x66: {  	_ =	shalt  }
0x67: {  	_ =	shalt  }
0x68: {  	_ =	shalt  }
0x69: {  	_ =	shalt  }
0x6a: {  	_ =	shalt  }
0x6b: {  	_ =	shalt  }
0x6c: {  	_ =	shalt  }
0x6d: {  	_ =	shalt  }
0x6e: {  	_ =	shalt  }
0x6f: {  	_ =	shalt  }
0x70: {  	_ =	shalt  }
0x71: {  	_ =	shalt  }
0x72: {  	_ =	shalt  }
0x73: {  	_ =	shalt  }
0x74: {  	_ =	shalt  }
0x75: {  	_ =	shalt  }
0x76: {  	_ =	shalt  }
0x77: {  	_ =	shalt  }
0x78: {  	_ =	shalt  }
0x79: {  	_ =	shalt  }
0x7a: {  	_ =	shalt  }
0x7b: {  	_ =	shalt  }
0x7c: {  	_ =	shalt  }
0x7d: {  	_ =	shalt  }
0x7e: {  	_ =	shalt  }
0x7f: {  	_ =	shalt  }
0x80: {  	_ =	shalt  }
0x81: {  	_ =	shalt  }
0x82: {  	_ =	shalt  }
0x83: {  	_ =	shalt  }
0x84: {  	_ =	shalt  }
0x85: {  	_ =	shalt  }
0x86: {  	_ =	shalt  }
0x87: {  	_ =	shalt  }
.Lfunc_end0:
.L_simem_size_0:
called_computation_lowered:
.L_overlay_start_0:
0x88: {  	s2 =	sld [smem:$0x3FD9]  }
0x89: {  	s3 =	sld [smem:$0x3FFE];
	_ =	sdelay $0x1  }
0x8a: {  	s1 =	srdreg.scid  }
0x8b: {  	s0 =	sand.u32 $0x1, s1  }
0x8c: {  	s17 =	sshll.u32 s0, $0xA;
	s2 =	sadd.s32 s3, s2  }
0x8d: {  	s2 =	sadd.s32 s2, s17  }
0x8e: {  	[smem:$0x3FC7] =	sst s2  }
0x8f: {  	_ = 	snop  }
0x90: {  	s2 =	sld [smem:$0x3FC9];
	(tm) =	ssettm $0x1  }
0x91: {  	s18 =	sld [smem:$0x3FFB];
	_ =	sdelay $0x3  }
0x92: {  	_ =	strace s18  }
0x93: {  	s3 =	sld [smem:$0x3FFC];
	_ =	sdelay $0x3  }
0x94: {  	_ =	strace s3  }
0x95: {  	s3 =	sld [smem:$0x3FFD];
	_ =	sdelay $0x3  }
0x96: {  	_ =	strace s3  }
0x97: {  	_ =	strace $0x8FFFFFFF  }
0x98: {  	s19 =	sld [smem:$0x3FDB];
	_ =	sdelay $0x1  }
0x99: {  	s4 =	simm.s32 $_scs_section_size  }
0x9a: {  	s5 =	simm.s32 $_size__tile_overlayer_lowered;
	s6 =	simm.s32 $_tile_overlayer_lowered  }
0x9b: {  	s22 =	simm.s32 $0x1BFF;
	s21 =	sshll.u32 s6, $0x1;
	s3 =	sadd.s32 s4, s19  }
0x9c: {  	s7 =	simm.s32 $0x0;
	s20 =	sshll.u32 s5, $0x1;
	s5 =	sadd.s32 s21, s3  }
0x9d: {  	[timem:s7], [sflag:s22] =	dma.local [hbm:s5], s20  }
0x9e: {  	_ =	swait.ge [sflag:s22], s20  }
0x9f: {  	s4 =	ssub.s32 $0x0, s20;
	[sflag:s22] =	ssyncset.done $0x0  }
0xa0: {  	[sflag:s22] =	ssyncadd.s32 s4;
	_ =	sdelay $0x1  }
0xa1: {  	s23 =	simm.s32 $0x1B8B  }
0xa2: {  	_ =	swait.ge [sflag:s23], $0x1  }
0xa3: {  	[sflag:s23] =	ssyncset.done $0x0  }
0xa4: {  	s25 =	simm.s32 $0x1B8E;
	s24 =	sld [smem:$0x3FFE];
	[sflag:s23] =	ssyncadd.s32 $0xFFFFFFFF  }
0xa5: {  	s26 =	simm.s32 $execute0_lowered;
	[smem:$0x3FD2] =	sst s25  }
0xa6: {  	s5 =	sshll.u32 s26, $0x1;
	_ =	strace $0x80000046;
	[dreg:$0x1] =	wrdreg $0xFFFFFFFF  }
0xa7: {  	s28 =	simm.s32 $_size_execute0_lowered;
	s3 =	sadd.s32 s3, s5;
	[dreg:$0x0] =	wrdreg $0x0  }
0xa8: {  	s5 =	sshll.u32 s28, $0x1;
	[dreg:$0x2] =	wrdreg s3  }
0xa9: {  	[dreg:$0x3] =	wrdreg s5  }
0xaa: {  	[dreg:$0x4] =	wrdreg $0xC0  }
0xab: {  	_ =	task [dreg:s7], $0x5FFFF  }
0xac: {  	[dreg:$0x1] =	wrdreg $0xFFFFFFFF  }
0xad: {  	[dreg:$0x0] =	wrdreg $0x60  }
0xae: {  	[dreg:$0x2] =	wrdreg s2  }
0xaf: {  	[dreg:$0x3] =	wrdreg s24  }
0xb0: {  	[dreg:$0x4] =	wrdreg $0x9  }
0xb1: {  	_ =	task.clear_ibuf [dreg:s7], $0x5FFFF;
	_ =	strace $0x90000046  }
0xb2: {  	s29 =	simm.s32 $0x9;
	_ =	strace $0x80000048  }
0xb3: {  	_ =	swait.ge [sflag:s29], $0x1  }
0xb4: {  	[sflag:s29] =	ssyncadd.s32 $0xFFFFFFFF  }
0xb5: {  	_ =	strace $0x90000048  }
0xb6: {  	_ =	sfence  }
0xb7: {  	s30 =	sld [smem:$0x0];
	_ =	sdelay $0x2  }
0xb8: {  	s31 =	sshll.u32 s1, $0xD;
	s1 =	sshrl.u32 s1, $0x2  }
0xb9: {  	s3 =	sand.u32 $0x4000, s31;
	s1 =	sadd.s32 s1, s30  }
0xba: {  	s0 =	sor.u32 s3, s0;
	s1 =	sshll.u32 s1, $0x11  }
0xbb: {  	s0 =	sor.u32 s1, s0  }
0xbc: {  	s0 =	sadd.s32 $0x8F2B, s0  }
0xbd: {  	[sflag:s0] =	ssyncadd.remote.s32 $0x1  }
0xbe: {  	_ =	sfence.sel $0xFFFF  }
0xbf: {  	[dreg:$0x0] =	wrdreg $0xFFFFFFFF;
	(pc) =	sbr.abs _section_cstart, $3  }
0xc0: {  	[dreg:$0x1] =	wrdreg $0xFFFFFFFF  }
0xc1: {  	_ =	task.clear_ibuf [dreg:s7], $0x2FFFF;
	_ =	strace $0x9FFFFFFF  }
0xc2: {  	(tm) =	ssettm $0x7FFFFFFF  }
0xc3: {  	_ =	shalt  }
tec
execute0_lowered:
.L_overlay_start_1:
0x0: {  	(tag) =	ssettag $0x1  }
0x1: {  	s16 =	rddreg [dreg:$0x0]  }
0x2: {  	s3 =	rddreg [dreg:$0x1]  }
0x3: {  	s0 =	rddreg [dreg:$0x2]  }
0x4: {  	s2 =	simm.s32 $0x0;
	s4 =	srdreg.scid;
	s1 =	stileid.u32  }
0x5: {  	s22 =	simm.s32 $0x8000;
	s23 =	simm.s32 $0x2;
	s24 =	simm.s32 $0xC000  }
0x6: {  	s25 =	simm.s32 $0x3;
	s26 =	simm.s32 $0x4;
	s28 =	simm.s32 $0x0  }
0x7: {  	[smem:$0x7FF] =	sst s2;
	s4 =	sand.u32 $0x1, s4;
	s6 =	sshll.u32 s1, $0xF  }
0x8: {  	s18 =	sadd.s32 $0x400, s3;
	s5 =	ssub.s32 $0x2, s4;
	s4 =	sshll.u32 s4, $0xE  }
0x9: {  	_ =	strace $0x80000047;
	s31 =	sshrl.u32 s5, $0x1;
	s17 =	sor.u32 s4, s6  }
0xa: {  	s19 =	ssub.s32 s5, s31;
	s3 =	sadd.s32 s16, s17;
	s7 =	sor.u32 $0x800, s17  }
0xb: {  	s5 =	sadd.s32 s18, s17;
	s9 =	sor.u32 $0x1000, s17;
	s11 =	sor.u32 $0x1800, s17  }
0xc: {  	s13 =	sor.u32 $0x2000, s17;
	s15 =	sor.u32 $0x2800, s17;
	s20 =	sor.u32 $0x3000, s17  }
0xd: {  	s21 =	sor.u32 $0x3800, s17;
	s4 =	sadd.s32 s16, s7;
	s6 =	sadd.s32 s16, s9  }
0xe: {  	s7 =	sadd.s32 s18, s7;
	s8 =	sadd.s32 s16, s11;
	s9 =	sadd.s32 s18, s9  }
0xf: {  	s10 =	sadd.s32 s16, s13;
	s11 =	sadd.s32 s18, s11;
	s12 =	sadd.s32 s16, s15  }
0x10: {  	s13 =	sadd.s32 s18, s13;
	s14 =	sadd.s32 s16, s20;
	s15 =	sadd.s32 s18, s15  }
0x11: {  	s16 =	sadd.s32 s16, s21;
	s17 =	sadd.s32 s18, s20;
	s18 =	sadd.s32 s18, s21  }
0x12: {  	s19 =	smax.u32 s19, $0x1;
	s20 =	simm.s32 $0x4000;
	s21 =	simm.s32 $0x1  }
.LBB2_1:
0x13: {  	[tilespmem:s2], [sflag:$0x1] =	stream.linear.gather [hbm4b:s3+s2], $0x4000, $0x38;
	[tilespmem:$0x10000] =	vst v63  }
0x14: {  	_ = 	snop  }
0x15: {  	[tilespmem:s20], [sflag:$0x2] =	stream.linear.gather [hbm4b:s4+s2], $0x4000, $0x38;
	[tilespmem:$0x10000] =	vst v63  }
0x16: {  	_ =	swait.ge [sflag:s21], $0x4000  }
0x17: {  	[sflag:s21] =	ssyncset.done $0x0  }
0x18: {  	s29 =	simm.s32 $0x0;
	[sflag:s21] =	ssyncadd.s32 $0xFFFFC000  }
0x19: {  	v0 =	vld [tilespmem:s29+$0xF0]  }
0x1a: {  	v1 =	vld [tilespmem:s29+$0x0]  }
0x1b: {  	v2 =	vld [tilespmem:s29+$0x10]  }
0x1c: {  	v3 =	vld [tilespmem:s29+$0x20]  }
0x1d: {  	v6 =	vld [tilespmem:s29+$0x50]  }
0x1e: {  	v4 =	vld [tilespmem:s29+$0x30];
	v0 =	vmul.f32 $7.071067690e-01, v0  }
0x1f: {  	v5 =	vld [tilespmem:s29+$0x40];
	v1 =	vmul.f32 $7.071067690e-01, v1  }
0x20: {  	v7 =	vld [tilespmem:s29+$0x60];
	[tilespmem:s29+$0x80F0] =	vst v0;
	v0 =	vmul.f32 $7.071067690e-01, v2  }
0x21: {  	v8 =	vld [tilespmem:s29+$0x70];
	[tilespmem:s29+$0x8000] =	vst v1;
	v1 =	vmul.f32 $7.071067690e-01, v3  }
0x22: {  	v2 =	vmul.f32 $7.071067690e-01, v6;
	[tilespmem:s29+$0x8010] =	vst v0  }
0x23: {  	v9 =	vld [tilespmem:s29+$0x80];
	v0 =	vmul.f32 $7.071067690e-01, v4;
	[tilespmem:s29+$0x8020] =	vst v1  }
0x24: {  	v4 =	vld [tilespmem:s29+$0x90];
	v1 =	vmul.f32 $7.071067690e-01, v5;
	[tilespmem:s29+$0x8050] =	vst v2  }
0x25: {  	v3 =	vmul.f32 $7.071067690e-01, v7;
	[tilespmem:s29+$0x8030] =	vst v0;
	v0 =	vld [tilespmem:s29+$0xA0]  }
0x26: {  	v5 =	vmul.f32 $7.071067690e-01, v8;
	[tilespmem:s29+$0x8040] =	vst v1;
	v1 =	vld [tilespmem:s29+$0xB0]  }
0x27: {  	v2 =	vld [tilespmem:s29+$0xC0];
	[tilespmem:s29+$0x8060] =	vst v3  }
0x28: {  	v3 =	vld [tilespmem:s29+$0xD0];
	[tilespmem:s29+$0x8070] =	vst v5;
	v5 =	vmul.f32 $7.071067690e-01, v9  }
0x29: {  	s30 =	simm.s32 $0x100;
	s31 =	simm.s32 $0x800;
	v6 =	vmul.f32 $7.071067690e-01, v4;
	v4 =	vld [tilespmem:s29+$0xE0]  }
.LBB2_2:
0x2a: {  	p0 =	sne.s32 s31, $0xFC00;
	v7 =	vld [tilespmem:s30+$0xF0];
	[tilespmem:s29+$0x8080] =	vst v5;
	v0 =	vmul.f32 $7.071067690e-01, v0  }
0x2b: {  	v5 =	vld [tilespmem:s30+$0x0];
	[tilespmem:s29+$0x8090] =	vst v6;
	v1 =	vmul.f32 $7.071067690e-01, v1  }
0x2c: {  	v6 =	vld [tilespmem:s30+$0x10];
	[tilespmem:s29+$0x80A0] =	vst v0;
	v0 =	vmul.f32 $7.071067690e-01, v2  }
0x2d: {  	v2 =	vld [tilespmem:s30+$0x20];
	[tilespmem:s29+$0x80B0] =	vst v1;
	v1 =	vmul.f32 $7.071067690e-01, v3  }
0x2e: {  	v3 =	vld [tilespmem:s30+$0x30];
	[tilespmem:s29+$0x80C0] =	vst v0;
	v0 =	vmul.f32 $7.071067690e-01, v4  }
0x2f: {  	v4 =	vld [tilespmem:s30+$0x40];
	v7 =	vmul.f32 $7.071067690e-01, v7;
	[tilespmem:s29+$0x80D0] =	vst v1  }
0x30: {  	v1 =	vmul.f32 $7.071067690e-01, v5;
	v5 =	vld [tilespmem:s30+$0x50];
	[tilespmem:s29+$0x80E0] =	vst v0;
	s29 =	smov.u32 s30  }
0x31: {  	v0 =	vmul.f32 $7.071067690e-01, v6;
	v6 =	vld [tilespmem:s29+$0x60];
	[tilespmem:s29+$0x80F0] =	vst v7  }
0x32: {  	[tilespmem:s29+$0x8000] =	vst v1;
	v1 =	vmul.f32 $7.071067690e-01, v2;
	v2 =	vld [tilespmem:s29+$0x70]  }
0x33: {  	[tilespmem:s29+$0x8010] =	vst v0;
	v0 =	vmul.f32 $7.071067690e-01, v3;
	v3 =	vld [tilespmem:s29+$0x80]  }
0x34: {  	[tilespmem:s29+$0x8020] =	vst v1;
	v1 =	vmul.f32 $7.071067690e-01, v4;
	v4 =	vld [tilespmem:s29+$0x90]  }
.Ltmp0:
0x35: {  	[tilespmem:s29+$0x8030] =	vst v0;
	v5 =	vmul.f32 $7.071067690e-01, v5;
	v0 =	vld [tilespmem:s29+$0xA0];
	(pc) =	sbr.rel @p0 .LBB2_2-.Ltmp0, $4  }
0x36: {  	[tilespmem:s29+$0x8040] =	vst v1;
	v6 =	vmul.f32 $7.071067690e-01, v6;
	v1 =	vld [tilespmem:s29+$0xB0]  }
0x37: {  	[tilespmem:s29+$0x8050] =	vst v5;
	v7 =	vmul.f32 $7.071067690e-01, v2;
	v2 =	vld [tilespmem:s29+$0xC0]  }
0x38: {  	[tilespmem:s29+$0x8060] =	vst v6;
	v5 =	vmul.f32 $7.071067690e-01, v3;
	v3 =	vld [tilespmem:s29+$0xD0]  }
0x39: {  	s30 =	sshra.s32 s31, $0x2;
	s31 =	sadd.s32 $0x400, s31;
	[tilespmem:s29+$0x8070] =	vst v7;
	v6 =	vmul.f32 $7.071067690e-01, v4;
	v4 =	vld [tilespmem:s29+$0xE0]  }
0x3a: {  	v7 =	vld [tilespmem:s30+$0xF0];
	[tilespmem:s29+$0x8080] =	vst v5;
	v0 =	vmul.f32 $7.071067690e-01, v0  }
0x3b: {  	v5 =	vld [tilespmem:s30+$0x0];
	[tilespmem:s29+$0x8090] =	vst v6;
	v1 =	vmul.f32 $7.071067690e-01, v1  }
0x3c: {  	v6 =	vld [tilespmem:s30+$0x10];
	[tilespmem:s29+$0x80A0] =	vst v0;
	v2 =	vmul.f32 $7.071067690e-01, v2  }
0x3d: {  	v0 =	vld [tilespmem:s30+$0x20];
	[tilespmem:s29+$0x80B0] =	vst v1;
	v3 =	vmul.f32 $7.071067690e-01, v3  }
0x3e: {  	v1 =	vld [tilespmem:s30+$0x30];
	[tilespmem:s29+$0x80C0] =	vst v2;
	v4 =	vmul.f32 $7.071067690e-01, v4  }
0x3f: {  	v2 =	vld [tilespmem:s30+$0x40];
	[tilespmem:s29+$0x80D0] =	vst v3;
	v7 =	vmul.f32 $7.071067690e-01, v7  }
0x40: {  	v3 =	vld [tilespmem:s30+$0x50];
	[tilespmem:s29+$0x80E0] =	vst v4;
	v4 =	vmul.f32 $7.071067690e-01, v5  }
0x41: {  	v5 =	vld [tilespmem:s30+$0x60];
	[tilespmem:s30+$0x80F0] =	vst v7;
	v6 =	vmul.f32 $7.071067690e-01, v6  }
0x42: {  	[tilespmem:s30+$0x8000] =	vst v4;
	v4 =	vld [tilespmem:s30+$0x70];
	v0 =	vmul.f32 $7.071067690e-01, v0  }
0x43: {  	[tilespmem:s30+$0x8010] =	vst v6;
	v6 =	vld [tilespmem:s30+$0x80];
	v1 =	vmul.f32 $7.071067690e-01, v1  }
0x44: {  	[tilespmem:s30+$0x8020] =	vst v0;
	v0 =	vld [tilespmem:s30+$0x90];
	v2 =	vmul.f32 $7.071067690e-01, v2  }
0x45: {  	[tilespmem:s30+$0x8030] =	vst v1;
	v1 =	vld [tilespmem:s30+$0xA0];
	v3 =	vmul.f32 $7.071067690e-01, v3  }
0x46: {  	[tilespmem:s30+$0x8040] =	vst v2;
	v2 =	vld [tilespmem:s30+$0xB0];
	v5 =	vmul.f32 $7.071067690e-01, v5  }
0x47: {  	[tilespmem:s30+$0x8050] =	vst v3;
	v3 =	vld [tilespmem:s30+$0xC0];
	v4 =	vmul.f32 $7.071067690e-01, v4  }
0x48: {  	[tilespmem:s30+$0x8060] =	vst v5;
	v5 =	vld [tilespmem:s30+$0xD0];
	v6 =	vmul.f32 $7.071067690e-01, v6  }
0x49: {  	[tilespmem:s30+$0x8070] =	vst v4;
	v0 =	vmul.f32 $7.071067690e-01, v0;
	v4 =	vld [tilespmem:s30+$0xE0]  }
0x4a: {  	[tilespmem:s30+$0x8080] =	vst v6;
	v1 =	vmul.f32 $7.071067690e-01, v1  }
0x4b: {  	[tilespmem:s30+$0x8090] =	vst v0;
	v0 =	vmul.f32 $7.071067690e-01, v2  }
0x4c: {  	[tilespmem:s30+$0x80A0] =	vst v1;
	v1 =	vmul.f32 $7.071067690e-01, v3  }
0x4d: {  	[tilespmem:s30+$0x80B0] =	vst v0;
	v0 =	vmul.f32 $7.071067690e-01, v5  }
0x4e: {  	[tilespmem:s30+$0x80C0] =	vst v1;
	v1 =	vmul.f32 $7.071067690e-01, v4  }
0x4f: {  	[tilespmem:s30+$0x80D0] =	vst v0  }
0x50: {  	s29 =	simm.s32 $0x0;
	[tilespmem:s30+$0x80E0] =	vst v1  }
0x51: {  	[hbm4b:s5+s29] =	stream.linear.scatter [tilespmem:s22], [sflag:$0x3], $0x4000, $0x38;
	[tilespmem:$0x10000] =	vst v63  }
0x52: {  	_ = 	snop  }
0x53: {  	[tilespmem:s29], [sflag:$0x1] =	stream.linear.gather [hbm4b:s6+s29], $0x4000, $0x38;
	[tilespmem:$0x10000] =	vst v63  }
0x54: {  	_ =	swait.ge [sflag:s23], $0x4000  }
0x55: {  	[sflag:s23] =	ssyncset.done $0x0  }
0x56: {  	s29 =	simm.s32 $0x0;
	[sflag:s23] =	ssyncadd.s32 $0xFFFFC000  }
0x57: {  	v0 =	vld [tilespmem:s29+$0x40F0]  }
0x58: {  	v1 =	vld [tilespmem:s29+$0x4000]  }
0x59: {  	v2 =	vld [tilespmem:s29+$0x4010]  }
0x5a: {  	v3 =	vld [tilespmem:s29+$0x4020]  }
0x5b: {  	v6 =	vld [tilespmem:s29+$0x4050]  }
0x5c: {  	v4 =	vld [tilespmem:s29+$0x4030];
	v0 =	vmul.f32 $7.071067690e-01, v0  }
0x5d: {  	v5 =	vld [tilespmem:s29+$0x4040];
	v1 =	vmul.f32 $7.071067690e-01, v1  }
0x5e: {  	v7 =	vld [tilespmem:s29+$0x4060];
	[tilespmem:s29+$0xC0F0] =	vst v0;
	v0 =	vmul.f32 $7.071067690e-01, v2  }
0x5f: {  	v8 =	vld [tilespmem:s29+$0x4070];
	[tilespmem:s29+$0xC000] =	vst v1;
	v1 =	vmul.f32 $7.071067690e-01, v3  }
0x60: {  	v2 =	vmul.f32 $7.071067690e-01, v6;
	[tilespmem:s29+$0xC010] =	vst v0  }
0x61: {  	v9 =	vld [tilespmem:s29+$0x4080];
	v0 =	vmul.f32 $7.071067690e-01, v4;
	[tilespmem:s29+$0xC020] =	vst v1  }
0x62: {  	v4 =	vld [tilespmem:s29+$0x4090];
	v1 =	vmul.f32 $7.071067690e-01, v5;
	[tilespmem:s29+$0xC050] =	vst v2  }
0x63: {  	v3 =	vmul.f32 $7.071067690e-01, v7;
	[tilespmem:s29+$0xC030] =	vst v0;
	v0 =	vld [tilespmem:s29+$0x40A0]  }
0x64: {  	v5 =	vmul.f32 $7.071067690e-01, v8;
	[tilespmem:s29+$0xC040] =	vst v1;
	v1 =	vld [tilespmem:s29+$0x40B0]  }
0x65: {  	v2 =	vld [tilespmem:s29+$0x40C0];
	[tilespmem:s29+$0xC060] =	vst v3  }
0x66: {  	v3 =	vld [tilespmem:s29+$0x40D0];
	[tilespmem:s29+$0xC070] =	vst v5;
	v5 =	vmul.f32 $7.071067690e-01, v9  }
0x67: {  	s31 =	simm.s32 $0x800;
	s30 =	simm.s32 $0x100;
	v6 =	vmul.f32 $7.071067690e-01, v4;
	v4 =	vld [tilespmem:s29+$0x40E0]  }
.LBB2_4:
0x68: {  	p0 =	sne.s32 s31, $0xFC00;
	v7 =	vld [tilespmem:s30+$0x40F0];
	[tilespmem:s29+$0xC080] =	vst v5;
	v0 =	vmul.f32 $7.071067690e-01, v0  }
0x69: {  	v5 =	vld [tilespmem:s30+$0x4000];
	[tilespmem:s29+$0xC090] =	vst v6;
	v1 =	vmul.f32 $7.071067690e-01, v1  }
0x6a: {  	v6 =	vld [tilespmem:s30+$0x4010];
	[tilespmem:s29+$0xC0A0] =	vst v0;
	v0 =	vmul.f32 $7.071067690e-01, v2  }
0x6b: {  	v2 =	vld [tilespmem:s30+$0x4020];
	[tilespmem:s29+$0xC0B0] =	vst v1;
	v1 =	vmul.f32 $7.071067690e-01, v3  }
0x6c: {  	v3 =	vld [tilespmem:s30+$0x4030];
	[tilespmem:s29+$0xC0C0] =	vst v0;
	v0 =	vmul.f32 $7.071067690e-01, v4  }
0x6d: {  	v4 =	vld [tilespmem:s30+$0x4040];
	v7 =	vmul.f32 $7.071067690e-01, v7;
	[tilespmem:s29+$0xC0D0] =	vst v1  }
0x6e: {  	v1 =	vmul.f32 $7.071067690e-01, v5;
	v5 =	vld [tilespmem:s30+$0x4050];
	[tilespmem:s29+$0xC0E0] =	vst v0;
	s29 =	smov.u32 s30  }
0x6f: {  	v0 =	vmul.f32 $7.071067690e-01, v6;
	v6 =	vld [tilespmem:s29+$0x4060];
	[tilespmem:s29+$0xC0F0] =	vst v7  }
0x70: {  	[tilespmem:s29+$0xC000] =	vst v1;
	v1 =	vmul.f32 $7.071067690e-01, v2;
	v2 =	vld [tilespmem:s29+$0x4070]  }
0x71: {  	[tilespmem:s29+$0xC010] =	vst v0;
	v0 =	vmul.f32 $7.071067690e-01, v3;
	v3 =	vld [tilespmem:s29+$0x4080]  }
0x72: {  	[tilespmem:s29+$0xC020] =	vst v1;
	v1 =	vmul.f32 $7.071067690e-01, v4;
	v4 =	vld [tilespmem:s29+$0x4090]  }
.Ltmp1:
0x73: {  	[tilespmem:s29+$0xC030] =	vst v0;
	v5 =	vmul.f32 $7.071067690e-01, v5;
	v0 =	vld [tilespmem:s29+$0x40A0];
	(pc) =	sbr.rel @p0 .LBB2_4-.Ltmp1, $4  }
0x74: {  	[tilespmem:s29+$0xC040] =	vst v1;
	v6 =	vmul.f32 $7.071067690e-01, v6;
	v1 =	vld [tilespmem:s29+$0x40B0]  }
0x75: {  	[tilespmem:s29+$0xC050] =	vst v5;
	v7 =	vmul.f32 $7.071067690e-01, v2;
	v2 =	vld [tilespmem:s29+$0x40C0]  }
0x76: {  	[tilespmem:s29+$0xC060] =	vst v6;
	v5 =	vmul.f32 $7.071067690e-01, v3;
	v3 =	vld [tilespmem:s29+$0x40D0]  }
0x77: {  	s30 =	sshra.s32 s31, $0x2;
	s31 =	sadd.s32 $0x400, s31;
	[tilespmem:s29+$0xC070] =	vst v7;
	v6 =	vmul.f32 $7.071067690e-01, v4;
	v4 =	vld [tilespmem:s29+$0x40E0]  }
0x78: {  	v7 =	vld [tilespmem:s30+$0x40F0];
	[tilespmem:s29+$0xC080] =	vst v5;
	v0 =	vmul.f32 $7.071067690e-01, v0  }
0x79: {  	v5 =	vld [tilespmem:s30+$0x4000];
	[tilespmem:s29+$0xC090] =	vst v6;
	v1 =	vmul.f32 $7.071067690e-01, v1  }
0x7a: {  	v6 =	vld [tilespmem:s30+$0x4010];
	[tilespmem:s29+$0xC0A0] =	vst v0;
	v2 =	vmul.f32 $7.071067690e-01, v2  }
0x7b: {  	v0 =	vld [tilespmem:s30+$0x4020];
	[tilespmem:s29+$0xC0B0] =	vst v1;
	v3 =	vmul.f32 $7.071067690e-01, v3  }
0x7c: {  	v1 =	vld [tilespmem:s30+$0x4030];
	[tilespmem:s29+$0xC0C0] =	vst v2;
	v4 =	vmul.f32 $7.071067690e-01, v4  }
0x7d: {  	v2 =	vld [tilespmem:s30+$0x4040];
	[tilespmem:s29+$0xC0D0] =	vst v3;
	v7 =	vmul.f32 $7.071067690e-01, v7  }
0x7e: {  	v3 =	vld [tilespmem:s30+$0x4050];
	[tilespmem:s29+$0xC0E0] =	vst v4;
	v4 =	vmul.f32 $7.071067690e-01, v5  }
0x7f: {  	v5 =	vld [tilespmem:s30+$0x4060];
	[tilespmem:s30+$0xC0F0] =	vst v7;
	v6 =	vmul.f32 $7.071067690e-01, v6  }
0x80: {  	[tilespmem:s30+$0xC000] =	vst v4;
	v4 =	vld [tilespmem:s30+$0x4070];
	v0 =	vmul.f32 $7.071067690e-01, v0  }
0x81: {  	[tilespmem:s30+$0xC010] =	vst v6;
	v6 =	vld [tilespmem:s30+$0x4080];
	v1 =	vmul.f32 $7.071067690e-01, v1  }
0x82: {  	[tilespmem:s30+$0xC020] =	vst v0;
	v0 =	vld [tilespmem:s30+$0x4090];
	v2 =	vmul.f32 $7.071067690e-01, v2  }
0x83: {  	[tilespmem:s30+$0xC030] =	vst v1;
	v1 =	vld [tilespmem:s30+$0x40A0];
	v3 =	vmul.f32 $7.071067690e-01, v3  }
0x84: {  	[tilespmem:s30+$0xC040] =	vst v2;
	v2 =	vld [tilespmem:s30+$0x40B0];
	v5 =	vmul.f32 $7.071067690e-01, v5  }
0x85: {  	[tilespmem:s30+$0xC050] =	vst v3;
	v3 =	vld [tilespmem:s30+$0x40C0];
	v4 =	vmul.f32 $7.071067690e-01, v4  }
0x86: {  	[tilespmem:s30+$0xC060] =	vst v5;
	v5 =	vld [tilespmem:s30+$0x40D0];
	v6 =	vmul.f32 $7.071067690e-01, v6  }
0x87: {  	[tilespmem:s30+$0xC070] =	vst v4;
	v0 =	vmul.f32 $7.071067690e-01, v0;
	v4 =	vld [tilespmem:s30+$0x40E0]  }
0x88: {  	[tilespmem:s30+$0xC080] =	vst v6;
	v1 =	vmul.f32 $7.071067690e-01, v1  }
0x89: {  	[tilespmem:s30+$0xC090] =	vst v0;
	v0 =	vmul.f32 $7.071067690e-01, v2  }
0x8a: {  	[tilespmem:s30+$0xC0A0] =	vst v1;
	v1 =	vmul.f32 $7.071067690e-01, v3  }
0x8b: {  	[tilespmem:s30+$0xC0B0] =	vst v0;
	v0 =	vmul.f32 $7.071067690e-01, v5  }
0x8c: {  	[tilespmem:s30+$0xC0C0] =	vst v1;
	v1 =	vmul.f32 $7.071067690e-01, v4  }
0x8d: {  	[tilespmem:s30+$0xC0D0] =	vst v0  }
0x8e: {  	s29 =	simm.s32 $0x0;
	[tilespmem:s30+$0xC0E0] =	vst v1  }
0x8f: {  	[hbm4b:s7+s29] =	stream.linear.scatter [tilespmem:s24], [sflag:$0x4], $0x4000, $0x38;
	[tilespmem:$0x10000] =	vst v63  }
0x90: {  	_ = 	snop  }
0x91: {  	[tilespmem:s20], [sflag:$0x2] =	stream.linear.gather [hbm4b:s8+s29], $0x4000, $0x38;
	[tilespmem:$0x10000] =	vst v63  }
0x92: {  	_ =	swait.ge [sflag:s21], $0x4000  }
0x93: {  	[sflag:s21] =	ssyncset.done $0x0  }
0x94: {  	[sflag:s21] =	ssyncadd.s32 $0xFFFFC000  }
0x95: {  	_ =	swait.ge [sflag:s25], $0x4000  }
0x96: {  	[sflag:s25] =	ssyncset.done $0x0  }
0x97: {  	s29 =	simm.s32 $0x0;
	[sflag:s25] =	ssyncadd.s32 $0xFFFFC000  }
0x98: {  	v0 =	vld [tilespmem:s29+$0xF0]  }
0x99: {  	v1 =	vld [tilespmem:s29+$0x0]  }
0x9a: {  	v2 =	vld [tilespmem:s29+$0x10]  }
0x9b: {  	v3 =	vld [tilespmem:s29+$0x20]  }
0x9c: {  	v6 =	vld [tilespmem:s29+$0x50]  }
0x9d: {  	v4 =	vld [tilespmem:s29+$0x30];
	v0 =	vmul.f32 $7.071067690e-01, v0  }
0x9e: {  	v5 =	vld [tilespmem:s29+$0x40];
	v1 =	vmul.f32 $7.071067690e-01, v1  }
0x9f: {  	v7 =	vld [tilespmem:s29+$0x60];
	[tilespmem:s29+$0x80F0] =	vst v0;
	v0 =	vmul.f32 $7.071067690e-01, v2  }
0xa0: {  	v8 =	vld [tilespmem:s29+$0x70];
	[tilespmem:s29+$0x8000] =	vst v1;
	v1 =	vmul.f32 $7.071067690e-01, v3  }
0xa1: {  	v2 =	vmul.f32 $7.071067690e-01, v6;
	[tilespmem:s29+$0x8010] =	vst v0  }
0xa2: {  	v9 =	vld [tilespmem:s29+$0x80];
	v0 =	vmul.f32 $7.071067690e-01, v4;
	[tilespmem:s29+$0x8020] =	vst v1  }
0xa3: {  	v4 =	vld [tilespmem:s29+$0x90];
	v1 =	vmul.f32 $7.071067690e-01, v5;
	[tilespmem:s29+$0x8050] =	vst v2  }
0xa4: {  	v3 =	vmul.f32 $7.071067690e-01, v7;
	[tilespmem:s29+$0x8030] =	vst v0;
	v0 =	vld [tilespmem:s29+$0xA0]  }
0xa5: {  	v5 =	vmul.f32 $7.071067690e-01, v8;
	[tilespmem:s29+$0x8040] =	vst v1;
	v1 =	vld [tilespmem:s29+$0xB0]  }
0xa6: {  	v2 =	vld [tilespmem:s29+$0xC0];
	[tilespmem:s29+$0x8060] =	vst v3  }
0xa7: {  	v3 =	vld [tilespmem:s29+$0xD0];
	[tilespmem:s29+$0x8070] =	vst v5;
	v5 =	vmul.f32 $7.071067690e-01, v9  }
0xa8: {  	s31 =	simm.s32 $0x800;
	s30 =	simm.s32 $0x100;
	v6 =	vmul.f32 $7.071067690e-01, v4;
	v4 =	vld [tilespmem:s29+$0xE0]  }
.LBB2_6:
0xa9: {  	p0 =	sne.s32 s31, $0xFC00;
	v7 =	vld [tilespmem:s30+$0xF0];
	[tilespmem:s29+$0x8080] =	vst v5;
	v0 =	vmul.f32 $7.071067690e-01, v0  }
0xaa: {  	v5 =	vld [tilespmem:s30+$0x0];
	[tilespmem:s29+$0x8090] =	vst v6;
	v1 =	vmul.f32 $7.071067690e-01, v1  }
0xab: {  	v6 =	vld [tilespmem:s30+$0x10];
	[tilespmem:s29+$0x80A0] =	vst v0;
	v0 =	vmul.f32 $7.071067690e-01, v2  }
0xac: {  	v2 =	vld [tilespmem:s30+$0x20];
	[tilespmem:s29+$0x80B0] =	vst v1;
	v1 =	vmul.f32 $7.071067690e-01, v3  }
0xad: {  	v3 =	vld [tilespmem:s30+$0x30];
	[tilespmem:s29+$0x80C0] =	vst v0;
	v0 =	vmul.f32 $7.071067690e-01, v4  }
0xae: {  	v4 =	vld [tilespmem:s30+$0x40];
	v7 =	vmul.f32 $7.071067690e-01, v7;
	[tilespmem:s29+$0x80D0] =	vst v1  }
0xaf: {  	v1 =	vmul.f32 $7.071067690e-01, v5;
	v5 =	vld [tilespmem:s30+$0x50];
	[tilespmem:s29+$0x80E0] =	vst v0;
	s29 =	smov.u32 s30  }
0xb0: {  	v0 =	vmul.f32 $7.071067690e-01, v6;
	v6 =	vld [tilespmem:s29+$0x60];
	[tilespmem:s29+$0x80F0] =	vst v7  }
0xb1: {  	[tilespmem:s29+$0x8000] =	vst v1;
	v1 =	vmul.f32 $7.071067690e-01, v2;
	v2 =	vld [tilespmem:s29+$0x70]  }
0xb2: {  	[tilespmem:s29+$0x8010] =	vst v0;
	v0 =	vmul.f32 $7.071067690e-01, v3;
	v3 =	vld [tilespmem:s29+$0x80]  }
0xb3: {  	[tilespmem:s29+$0x8020] =	vst v1;
	v1 =	vmul.f32 $7.071067690e-01, v4;
	v4 =	vld [tilespmem:s29+$0x90]  }
.Ltmp2:
0xb4: {  	[tilespmem:s29+$0x8030] =	vst v0;
	v5 =	vmul.f32 $7.071067690e-01, v5;
	v0 =	vld [tilespmem:s29+$0xA0];
	(pc) =	sbr.rel @p0 .LBB2_6-.Ltmp2, $4  }
0xb5: {  	[tilespmem:s29+$0x8040] =	vst v1;
	v6 =	vmul.f32 $7.071067690e-01, v6;
	v1 =	vld [tilespmem:s29+$0xB0]  }
0xb6: {  	[tilespmem:s29+$0x8050] =	vst v5;
	v7 =	vmul.f32 $7.071067690e-01, v2;
	v2 =	vld [tilespmem:s29+$0xC0]  }
0xb7: {  	[tilespmem:s29+$0x8060] =	vst v6;
	v5 =	vmul.f32 $7.071067690e-01, v3;
	v3 =	vld [tilespmem:s29+$0xD0]  }
0xb8: {  	s30 =	sshra.s32 s31, $0x2;
	s31 =	sadd.s32 $0x400, s31;
	[tilespmem:s29+$0x8070] =	vst v7;
	v6 =	vmul.f32 $7.071067690e-01, v4;
	v4 =	vld [tilespmem:s29+$0xE0]  }
0xb9: {  	v7 =	vld [tilespmem:s30+$0xF0];
	[tilespmem:s29+$0x8080] =	vst v5;
	v0 =	vmul.f32 $7.071067690e-01, v0  }
0xba: {  	v5 =	vld [tilespmem:s30+$0x0];
	[tilespmem:s29+$0x8090] =	vst v6;
	v1 =	vmul.f32 $7.071067690e-01, v1  }
0xbb: {  	v6 =	vld [tilespmem:s30+$0x10];
	[tilespmem:s29+$0x80A0] =	vst v0;
	v2 =	vmul.f32 $7.071067690e-01, v2  }
0xbc: {  	v0 =	vld [tilespmem:s30+$0x20];
	[tilespmem:s29+$0x80B0] =	vst v1;
	v3 =	vmul.f32 $7.071067690e-01, v3  }
0xbd: {  	v1 =	vld [tilespmem:s30+$0x30];
	[tilespmem:s29+$0x80C0] =	vst v2;
	v4 =	vmul.f32 $7.071067690e-01, v4  }
0xbe: {  	v2 =	vld [tilespmem:s30+$0x40];
	[tilespmem:s29+$0x80D0] =	vst v3;
	v7 =	vmul.f32 $7.071067690e-01, v7  }
0xbf: {  	v3 =	vld [tilespmem:s30+$0x50];
	[tilespmem:s29+$0x80E0] =	vst v4;
	v4 =	vmul.f32 $7.071067690e-01, v5  }
0xc0: {  	v5 =	vld [tilespmem:s30+$0x60];
	[tilespmem:s30+$0x80F0] =	vst v7;
	v6 =	vmul.f32 $7.071067690e-01, v6  }
0xc1: {  	[tilespmem:s30+$0x8000] =	vst v4;
	v4 =	vld [tilespmem:s30+$0x70];
	v0 =	vmul.f32 $7.071067690e-01, v0  }
0xc2: {  	[tilespmem:s30+$0x8010] =	vst v6;
	v6 =	vld [tilespmem:s30+$0x80];
	v1 =	vmul.f32 $7.071067690e-01, v1  }
0xc3: {  	[tilespmem:s30+$0x8020] =	vst v0;
	v0 =	vld [tilespmem:s30+$0x90];
	v2 =	vmul.f32 $7.071067690e-01, v2  }
0xc4: {  	[tilespmem:s30+$0x8030] =	vst v1;
	v1 =	vld [tilespmem:s30+$0xA0];
	v3 =	vmul.f32 $7.071067690e-01, v3  }
0xc5: {  	[tilespmem:s30+$0x8040] =	vst v2;
	v2 =	vld [tilespmem:s30+$0xB0];
	v5 =	vmul.f32 $7.071067690e-01, v5  }
0xc6: {  	[tilespmem:s30+$0x8050] =	vst v3;
	v3 =	vld [tilespmem:s30+$0xC0];
	v4 =	vmul.f32 $7.071067690e-01, v4  }
0xc7: {  	[tilespmem:s30+$0x8060] =	vst v5;
	v5 =	vld [tilespmem:s30+$0xD0];
	v6 =	vmul.f32 $7.071067690e-01, v6  }
0xc8: {  	[tilespmem:s30+$0x8070] =	vst v4;
	v0 =	vmul.f32 $7.071067690e-01, v0;
	v4 =	vld [tilespmem:s30+$0xE0]  }
0xc9: {  	[tilespmem:s30+$0x8080] =	vst v6;
	v1 =	vmul.f32 $7.071067690e-01, v1  }
0xca: {  	[tilespmem:s30+$0x8090] =	vst v0;
	v0 =	vmul.f32 $7.071067690e-01, v2  }
0xcb: {  	[tilespmem:s30+$0x80A0] =	vst v1;
	v1 =	vmul.f32 $7.071067690e-01, v3  }
0xcc: {  	[tilespmem:s30+$0x80B0] =	vst v0;
	v0 =	vmul.f32 $7.071067690e-01, v5  }
0xcd: {  	[tilespmem:s30+$0x80C0] =	vst v1;
	v1 =	vmul.f32 $7.071067690e-01, v4  }
0xce: {  	[tilespmem:s30+$0x80D0] =	vst v0  }
0xcf: {  	s29 =	simm.s32 $0x0;
	[tilespmem:s30+$0x80E0] =	vst v1  }
0xd0: {  	[hbm4b:s9+s29] =	stream.linear.scatter [tilespmem:s22], [sflag:$0x3], $0x4000, $0x38;
	[tilespmem:$0x10000] =	vst v63  }
0xd1: {  	_ = 	snop  }
0xd2: {  	[tilespmem:s29], [sflag:$0x1] =	stream.linear.gather [hbm4b:s10+s29], $0x4000, $0x38;
	[tilespmem:$0x10000] =	vst v63  }
0xd3: {  	_ =	swait.ge [sflag:s23], $0x4000  }
0xd4: {  	[sflag:s23] =	ssyncset.done $0x0  }
0xd5: {  	[sflag:s23] =	ssyncadd.s32 $0xFFFFC000  }
0xd6: {  	_ =	swait.ge [sflag:s26], $0x4000  }
0xd7: {  	[sflag:s26] =	ssyncset.done $0x0  }
0xd8: {  	s29 =	simm.s32 $0x0;
	[sflag:s26] =	ssyncadd.s32 $0xFFFFC000  }
0xd9: {  	v0 =	vld [tilespmem:s29+$0x40F0]  }
0xda: {  	v1 =	vld [tilespmem:s29+$0x4000]  }
0xdb: {  	v2 =	vld [tilespmem:s29+$0x4010]  }
0xdc: {  	v3 =	vld [tilespmem:s29+$0x4020]  }
0xdd: {  	v6 =	vld [tilespmem:s29+$0x4050]  }
0xde: {  	v4 =	vld [tilespmem:s29+$0x4030];
	v0 =	vmul.f32 $7.071067690e-01, v0  }
0xdf: {  	v5 =	vld [tilespmem:s29+$0x4040];
	v1 =	vmul.f32 $7.071067690e-01, v1  }
0xe0: {  	v7 =	vld [tilespmem:s29+$0x4060];
	[tilespmem:s29+$0xC0F0] =	vst v0;
	v0 =	vmul.f32 $7.071067690e-01, v2  }
0xe1: {  	v8 =	vld [tilespmem:s29+$0x4070];
	[tilespmem:s29+$0xC000] =	vst v1;
	v1 =	vmul.f32 $7.071067690e-01, v3  }
0xe2: {  	v2 =	vmul.f32 $7.071067690e-01, v6;
	[tilespmem:s29+$0xC010] =	vst v0  }
0xe3: {  	v9 =	vld [tilespmem:s29+$0x4080];
	v0 =	vmul.f32 $7.071067690e-01, v4;
	[tilespmem:s29+$0xC020] =	vst v1  }
0xe4: {  	v4 =	vld [tilespmem:s29+$0x4090];
	v1 =	vmul.f32 $7.071067690e-01, v5;
	[tilespmem:s29+$0xC050] =	vst v2  }
0xe5: {  	v3 =	vmul.f32 $7.071067690e-01, v7;
	[tilespmem:s29+$0xC030] =	vst v0;
	v0 =	vld [tilespmem:s29+$0x40A0]  }
0xe6: {  	v5 =	vmul.f32 $7.071067690e-01, v8;
	[tilespmem:s29+$0xC040] =	vst v1;
	v1 =	vld [tilespmem:s29+$0x40B0]  }
0xe7: {  	v2 =	vld [tilespmem:s29+$0x40C0];
	[tilespmem:s29+$0xC060] =	vst v3  }
0xe8: {  	v3 =	vld [tilespmem:s29+$0x40D0];
	[tilespmem:s29+$0xC070] =	vst v5;
	v5 =	vmul.f32 $7.071067690e-01, v9  }
0xe9: {  	s31 =	simm.s32 $0x800;
	s30 =	simm.s32 $0x100;
	v6 =	vmul.f32 $7.071067690e-01, v4;
	v4 =	vld [tilespmem:s29+$0x40E0]  }
.LBB2_8:
0xea: {  	p0 =	sne.s32 s31, $0xFC00;
	v7 =	vld [tilespmem:s30+$0x40F0];
	[tilespmem:s29+$0xC080] =	vst v5;
	v0 =	vmul.f32 $7.071067690e-01, v0  }
0xeb: {  	v5 =	vld [tilespmem:s30+$0x4000];
	[tilespmem:s29+$0xC090] =	vst v6;
	v1 =	vmul.f32 $7.071067690e-01, v1  }
0xec: {  	v6 =	vld [tilespmem:s30+$0x4010];
	[tilespmem:s29+$0xC0A0] =	vst v0;
	v0 =	vmul.f32 $7.071067690e-01, v2  }
0xed: {  	v2 =	vld [tilespmem:s30+$0x4020];
	[tilespmem:s29+$0xC0B0] =	vst v1;
	v1 =	vmul.f32 $7.071067690e-01, v3  }
0xee: {  	v3 =	vld [tilespmem:s30+$0x4030];
	[tilespmem:s29+$0xC0C0] =	vst v0;
	v0 =	vmul.f32 $7.071067690e-01, v4  }
0xef: {  	v4 =	vld [tilespmem:s30+$0x4040];
	v7 =	vmul.f32 $7.071067690e-01, v7;
	[tilespmem:s29+$0xC0D0] =	vst v1  }
0xf0: {  	v1 =	vmul.f32 $7.071067690e-01, v5;
	v5 =	vld [tilespmem:s30+$0x4050];
	[tilespmem:s29+$0xC0E0] =	vst v0;
	s29 =	smov.u32 s30  }
0xf1: {  	v0 =	vmul.f32 $7.071067690e-01, v6;
	v6 =	vld [tilespmem:s29+$0x4060];
	[tilespmem:s29+$0xC0F0] =	vst v7  }
0xf2: {  	[tilespmem:s29+$0xC000] =	vst v1;
	v1 =	vmul.f32 $7.071067690e-01, v2;
	v2 =	vld [tilespmem:s29+$0x4070]  }
0xf3: {  	[tilespmem:s29+$0xC010] =	vst v0;
	v0 =	vmul.f32 $7.071067690e-01, v3;
	v3 =	vld [tilespmem:s29+$0x4080]  }
0xf4: {  	[tilespmem:s29+$0xC020] =	vst v1;
	v1 =	vmul.f32 $7.071067690e-01, v4;
	v4 =	vld [tilespmem:s29+$0x4090]  }
.Ltmp3:
0xf5: {  	[tilespmem:s29+$0xC030] =	vst v0;
	v5 =	vmul.f32 $7.071067690e-01, v5;
	v0 =	vld [tilespmem:s29+$0x40A0];
	(pc) =	sbr.rel @p0 .LBB2_8-.Ltmp3, $4  }
0xf6: {  	[tilespmem:s29+$0xC040] =	vst v1;
	v6 =	vmul.f32 $7.071067690e-01, v6;
	v1 =	vld [tilespmem:s29+$0x40B0]  }
0xf7: {  	[tilespmem:s29+$0xC050] =	vst v5;
	v7 =	vmul.f32 $7.071067690e-01, v2;
	v2 =	vld [tilespmem:s29+$0x40C0]  }
0xf8: {  	[tilespmem:s29+$0xC060] =	vst v6;
	v5 =	vmul.f32 $7.071067690e-01, v3;
	v3 =	vld [tilespmem:s29+$0x40D0]  }
0xf9: {  	s30 =	sshra.s32 s31, $0x2;
	s31 =	sadd.s32 $0x400, s31;
	[tilespmem:s29+$0xC070] =	vst v7;
	v6 =	vmul.f32 $7.071067690e-01, v4;
	v4 =	vld [tilespmem:s29+$0x40E0]  }
0xfa: {  	v7 =	vld [tilespmem:s30+$0x40F0];
	[tilespmem:s29+$0xC080] =	vst v5;
	v0 =	vmul.f32 $7.071067690e-01, v0  }
0xfb: {  	v5 =	vld [tilespmem:s30+$0x4000];
	[tilespmem:s29+$0xC090] =	vst v6;
	v1 =	vmul.f32 $7.071067690e-01, v1  }
0xfc: {  	v6 =	vld [tilespmem:s30+$0x4010];
	[tilespmem:s29+$0xC0A0] =	vst v0;
	v2 =	vmul.f32 $7.071067690e-01, v2  }
0xfd: {  	v0 =	vld [tilespmem:s30+$0x4020];
	[tilespmem:s29+$0xC0B0] =	vst v1;
	v3 =	vmul.f32 $7.071067690e-01, v3  }
0xfe: {  	v1 =	vld [tilespmem:s30+$0x4030];
	[tilespmem:s29+$0xC0C0] =	vst v2;
	v4 =	vmul.f32 $7.071067690e-01, v4  }
0xff: {  	v2 =	vld [tilespmem:s30+$0x4040];
	[tilespmem:s29+$0xC0D0] =	vst v3;
	v7 =	vmul.f32 $7.071067690e-01, v7  }
0x100: {  	v3 =	vld [tilespmem:s30+$0x4050];
	[tilespmem:s29+$0xC0E0] =	vst v4;
	v4 =	vmul.f32 $7.071067690e-01, v5  }
0x101: {  	v5 =	vld [tilespmem:s30+$0x4060];
	[tilespmem:s30+$0xC0F0] =	vst v7;
	v6 =	vmul.f32 $7.071067690e-01, v6  }
0x102: {  	[tilespmem:s30+$0xC000] =	vst v4;
	v4 =	vld [tilespmem:s30+$0x4070];
	v0 =	vmul.f32 $7.071067690e-01, v0  }
0x103: {  	[tilespmem:s30+$0xC010] =	vst v6;
	v6 =	vld [tilespmem:s30+$0x4080];
	v1 =	vmul.f32 $7.071067690e-01, v1  }
0x104: {  	[tilespmem:s30+$0xC020] =	vst v0;
	v0 =	vld [tilespmem:s30+$0x4090];
	v2 =	vmul.f32 $7.071067690e-01, v2  }
0x105: {  	[tilespmem:s30+$0xC030] =	vst v1;
	v1 =	vld [tilespmem:s30+$0x40A0];
	v3 =	vmul.f32 $7.071067690e-01, v3  }
0x106: {  	[tilespmem:s30+$0xC040] =	vst v2;
	v2 =	vld [tilespmem:s30+$0x40B0];
	v5 =	vmul.f32 $7.071067690e-01, v5  }
0x107: {  	[tilespmem:s30+$0xC050] =	vst v3;
	v3 =	vld [tilespmem:s30+$0x40C0];
	v4 =	vmul.f32 $7.071067690e-01, v4  }
0x108: {  	[tilespmem:s30+$0xC060] =	vst v5;
	v5 =	vld [tilespmem:s30+$0x40D0];
	v6 =	vmul.f32 $7.071067690e-01, v6  }
0x109: {  	[tilespmem:s30+$0xC070] =	vst v4;
	v0 =	vmul.f32 $7.071067690e-01, v0;
	v4 =	vld [tilespmem:s30+$0x40E0]  }
0x10a: {  	[tilespmem:s30+$0xC080] =	vst v6;
	v1 =	vmul.f32 $7.071067690e-01, v1  }
0x10b: {  	[tilespmem:s30+$0xC090] =	vst v0;
	v0 =	vmul.f32 $7.071067690e-01, v2  }
0x10c: {  	[tilespmem:s30+$0xC0A0] =	vst v1;
	v1 =	vmul.f32 $7.071067690e-01, v3  }
0x10d: {  	[tilespmem:s30+$0xC0B0] =	vst v0;
	v0 =	vmul.f32 $7.071067690e-01, v5  }
0x10e: {  	[tilespmem:s30+$0xC0C0] =	vst v1;
	v1 =	vmul.f32 $7.071067690e-01, v4  }
0x10f: {  	[tilespmem:s30+$0xC0D0] =	vst v0  }
0x110: {  	s29 =	simm.s32 $0x0;
	[tilespmem:s30+$0xC0E0] =	vst v1  }
0x111: {  	[hbm4b:s11+s29] =	stream.linear.scatter [tilespmem:s24], [sflag:$0x4], $0x4000, $0x38;
	[tilespmem:$0x10000] =	vst v63  }
0x112: {  	_ = 	snop  }
0x113: {  	[tilespmem:s20], [sflag:$0x2] =	stream.linear.gather [hbm4b:s12+s29], $0x4000, $0x38;
	[tilespmem:$0x10000] =	vst v63  }
0x114: {  	_ =	swait.ge [sflag:s21], $0x4000  }
0x115: {  	[sflag:s21] =	ssyncset.done $0x0  }
0x116: {  	[sflag:s21] =	ssyncadd.s32 $0xFFFFC000  }
0x117: {  	_ =	swait.ge [sflag:s25], $0x4000  }
0x118: {  	[sflag:s25] =	ssyncset.done $0x0  }
0x119: {  	s29 =	simm.s32 $0x0;
	[sflag:s25] =	ssyncadd.s32 $0xFFFFC000  }
0x11a: {  	v0 =	vld [tilespmem:s29+$0xF0]  }
0x11b: {  	v1 =	vld [tilespmem:s29+$0x0]  }
0x11c: {  	v2 =	vld [tilespmem:s29+$0x10]  }
0x11d: {  	v3 =	vld [tilespmem:s29+$0x20]  }
0x11e: {  	v6 =	vld [tilespmem:s29+$0x50]  }
0x11f: {  	v4 =	vld [tilespmem:s29+$0x30];
	v0 =	vmul.f32 $7.071067690e-01, v0  }
0x120: {  	v5 =	vld [tilespmem:s29+$0x40];
	v1 =	vmul.f32 $7.071067690e-01, v1  }
0x121: {  	v7 =	vld [tilespmem:s29+$0x60];
	[tilespmem:s29+$0x80F0] =	vst v0;
	v0 =	vmul.f32 $7.071067690e-01, v2  }
0x122: {  	v8 =	vld [tilespmem:s29+$0x70];
	[tilespmem:s29+$0x8000] =	vst v1;
	v1 =	vmul.f32 $7.071067690e-01, v3  }
0x123: {  	v2 =	vmul.f32 $7.071067690e-01, v6;
	[tilespmem:s29+$0x8010] =	vst v0  }
0x124: {  	v9 =	vld [tilespmem:s29+$0x80];
	v0 =	vmul.f32 $7.071067690e-01, v4;
	[tilespmem:s29+$0x8020] =	vst v1  }
0x125: {  	v4 =	vld [tilespmem:s29+$0x90];
	v1 =	vmul.f32 $7.071067690e-01, v5;
	[tilespmem:s29+$0x8050] =	vst v2  }
0x126: {  	v3 =	vmul.f32 $7.071067690e-01, v7;
	[tilespmem:s29+$0x8030] =	vst v0;
	v0 =	vld [tilespmem:s29+$0xA0]  }
0x127: {  	v5 =	vmul.f32 $7.071067690e-01, v8;
	[tilespmem:s29+$0x8040] =	vst v1;
	v1 =	vld [tilespmem:s29+$0xB0]  }
0x128: {  	v2 =	vld [tilespmem:s29+$0xC0];
	[tilespmem:s29+$0x8060] =	vst v3  }
0x129: {  	v3 =	vld [tilespmem:s29+$0xD0];
	[tilespmem:s29+$0x8070] =	vst v5;
	v5 =	vmul.f32 $7.071067690e-01, v9  }
0x12a: {  	s31 =	simm.s32 $0x800;
	s30 =	simm.s32 $0x100;
	v6 =	vmul.f32 $7.071067690e-01, v4;
	v4 =	vld [tilespmem:s29+$0xE0]  }
.LBB2_10:
0x12b: {  	p0 =	sne.s32 s31, $0xFC00;
	v7 =	vld [tilespmem:s30+$0xF0];
	[tilespmem:s29+$0x8080] =	vst v5;
	v0 =	vmul.f32 $7.071067690e-01, v0  }
0x12c: {  	v5 =	vld [tilespmem:s30+$0x0];
	[tilespmem:s29+$0x8090] =	vst v6;
	v1 =	vmul.f32 $7.071067690e-01, v1  }
0x12d: {  	v6 =	vld [tilespmem:s30+$0x10];
	[tilespmem:s29+$0x80A0] =	vst v0;
	v0 =	vmul.f32 $7.071067690e-01, v2  }
0x12e: {  	v2 =	vld [tilespmem:s30+$0x20];
	[tilespmem:s29+$0x80B0] =	vst v1;
	v1 =	vmul.f32 $7.071067690e-01, v3  }
0x12f: {  	v3 =	vld [tilespmem:s30+$0x30];
	[tilespmem:s29+$0x80C0] =	vst v0;
	v0 =	vmul.f32 $7.071067690e-01, v4  }
0x130: {  	v4 =	vld [tilespmem:s30+$0x40];
	v7 =	vmul.f32 $7.071067690e-01, v7;
	[tilespmem:s29+$0x80D0] =	vst v1  }
0x131: {  	v1 =	vmul.f32 $7.071067690e-01, v5;
	v5 =	vld [tilespmem:s30+$0x50];
	[tilespmem:s29+$0x80E0] =	vst v0;
	s29 =	smov.u32 s30  }
0x132: {  	v0 =	vmul.f32 $7.071067690e-01, v6;
	v6 =	vld [tilespmem:s29+$0x60];
	[tilespmem:s29+$0x80F0] =	vst v7  }
0x133: {  	[tilespmem:s29+$0x8000] =	vst v1;
	v1 =	vmul.f32 $7.071067690e-01, v2;
	v2 =	vld [tilespmem:s29+$0x70]  }
0x134: {  	[tilespmem:s29+$0x8010] =	vst v0;
	v0 =	vmul.f32 $7.071067690e-01, v3;
	v3 =	vld [tilespmem:s29+$0x80]  }
0x135: {  	[tilespmem:s29+$0x8020] =	vst v1;
	v1 =	vmul.f32 $7.071067690e-01, v4;
	v4 =	vld [tilespmem:s29+$0x90]  }
.Ltmp4:
0x136: {  	[tilespmem:s29+$0x8030] =	vst v0;
	v5 =	vmul.f32 $7.071067690e-01, v5;
	v0 =	vld [tilespmem:s29+$0xA0];
	(pc) =	sbr.rel @p0 .LBB2_10-.Ltmp4, $4  }
0x137: {  	[tilespmem:s29+$0x8040] =	vst v1;
	v6 =	vmul.f32 $7.071067690e-01, v6;
	v1 =	vld [tilespmem:s29+$0xB0]  }
0x138: {  	[tilespmem:s29+$0x8050] =	vst v5;
	v7 =	vmul.f32 $7.071067690e-01, v2;
	v2 =	vld [tilespmem:s29+$0xC0]  }
0x139: {  	[tilespmem:s29+$0x8060] =	vst v6;
	v5 =	vmul.f32 $7.071067690e-01, v3;
	v3 =	vld [tilespmem:s29+$0xD0]  }
0x13a: {  	s30 =	sshra.s32 s31, $0x2;
	s31 =	sadd.s32 $0x400, s31;
	[tilespmem:s29+$0x8070] =	vst v7;
	v6 =	vmul.f32 $7.071067690e-01, v4;
	v4 =	vld [tilespmem:s29+$0xE0]  }
0x13b: {  	v7 =	vld [tilespmem:s30+$0xF0];
	[tilespmem:s29+$0x8080] =	vst v5;
	v0 =	vmul.f32 $7.071067690e-01, v0  }
0x13c: {  	v5 =	vld [tilespmem:s30+$0x0];
	[tilespmem:s29+$0x8090] =	vst v6;
	v1 =	vmul.f32 $7.071067690e-01, v1  }
0x13d: {  	v6 =	vld [tilespmem:s30+$0x10];
	[tilespmem:s29+$0x80A0] =	vst v0;
	v2 =	vmul.f32 $7.071067690e-01, v2  }
0x13e: {  	v0 =	vld [tilespmem:s30+$0x20];
	[tilespmem:s29+$0x80B0] =	vst v1;
	v3 =	vmul.f32 $7.071067690e-01, v3  }
0x13f: {  	v1 =	vld [tilespmem:s30+$0x30];
	[tilespmem:s29+$0x80C0] =	vst v2;
	v4 =	vmul.f32 $7.071067690e-01, v4  }
0x140: {  	v2 =	vld [tilespmem:s30+$0x40];
	[tilespmem:s29+$0x80D0] =	vst v3;
	v7 =	vmul.f32 $7.071067690e-01, v7  }
0x141: {  	v3 =	vld [tilespmem:s30+$0x50];
	[tilespmem:s29+$0x80E0] =	vst v4;
	v4 =	vmul.f32 $7.071067690e-01, v5  }
0x142: {  	v5 =	vld [tilespmem:s30+$0x60];
	[tilespmem:s30+$0x80F0] =	vst v7;
	v6 =	vmul.f32 $7.071067690e-01, v6  }
0x143: {  	[tilespmem:s30+$0x8000] =	vst v4;
	v4 =	vld [tilespmem:s30+$0x70];
	v0 =	vmul.f32 $7.071067690e-01, v0  }
0x144: {  	[tilespmem:s30+$0x8010] =	vst v6;
	v6 =	vld [tilespmem:s30+$0x80];
	v1 =	vmul.f32 $7.071067690e-01, v1  }
0x145: {  	[tilespmem:s30+$0x8020] =	vst v0;
	v0 =	vld [tilespmem:s30+$0x90];
	v2 =	vmul.f32 $7.071067690e-01, v2  }
0x146: {  	[tilespmem:s30+$0x8030] =	vst v1;
	v1 =	vld [tilespmem:s30+$0xA0];
	v3 =	vmul.f32 $7.071067690e-01, v3  }
0x147: {  	[tilespmem:s30+$0x8040] =	vst v2;
	v2 =	vld [tilespmem:s30+$0xB0];
	v5 =	vmul.f32 $7.071067690e-01, v5  }
0x148: {  	[tilespmem:s30+$0x8050] =	vst v3;
	v3 =	vld [tilespmem:s30+$0xC0];
	v4 =	vmul.f32 $7.071067690e-01, v4  }
0x149: {  	[tilespmem:s30+$0x8060] =	vst v5;
	v5 =	vld [tilespmem:s30+$0xD0];
	v6 =	vmul.f32 $7.071067690e-01, v6  }
0x14a: {  	[tilespmem:s30+$0x8070] =	vst v4;
	v0 =	vmul.f32 $7.071067690e-01, v0;
	v4 =	vld [tilespmem:s30+$0xE0]  }
0x14b: {  	[tilespmem:s30+$0x8080] =	vst v6;
	v1 =	vmul.f32 $7.071067690e-01, v1  }
0x14c: {  	[tilespmem:s30+$0x8090] =	vst v0;
	v0 =	vmul.f32 $7.071067690e-01, v2  }
0x14d: {  	[tilespmem:s30+$0x80A0] =	vst v1;
	v1 =	vmul.f32 $7.071067690e-01, v3  }
0x14e: {  	[tilespmem:s30+$0x80B0] =	vst v0;
	v0 =	vmul.f32 $7.071067690e-01, v5  }
0x14f: {  	[tilespmem:s30+$0x80C0] =	vst v1;
	v1 =	vmul.f32 $7.071067690e-01, v4  }
0x150: {  	[tilespmem:s30+$0x80D0] =	vst v0  }
0x151: {  	s29 =	simm.s32 $0x0;
	[tilespmem:s30+$0x80E0] =	vst v1  }
0x152: {  	[hbm4b:s13+s29] =	stream.linear.scatter [tilespmem:s22], [sflag:$0x3], $0x4000, $0x38;
	[tilespmem:$0x10000] =	vst v63  }
0x153: {  	_ = 	snop  }
0x154: {  	[tilespmem:s29], [sflag:$0x1] =	stream.linear.gather [hbm4b:s14+s29], $0x4000, $0x38;
	[tilespmem:$0x10000] =	vst v63  }
0x155: {  	_ =	swait.ge [sflag:s23], $0x4000  }
0x156: {  	[sflag:s23] =	ssyncset.done $0x0  }
0x157: {  	[sflag:s23] =	ssyncadd.s32 $0xFFFFC000  }
0x158: {  	_ =	swait.ge [sflag:s26], $0x4000  }
0x159: {  	[sflag:s26] =	ssyncset.done $0x0  }
0x15a: {  	s29 =	simm.s32 $0x0;
	[sflag:s26] =	ssyncadd.s32 $0xFFFFC000  }
0x15b: {  	v0 =	vld [tilespmem:s29+$0x40F0]  }
0x15c: {  	v1 =	vld [tilespmem:s29+$0x4000]  }
0x15d: {  	v2 =	vld [tilespmem:s29+$0x4010]  }
0x15e: {  	v3 =	vld [tilespmem:s29+$0x4020]  }
0x15f: {  	v6 =	vld [tilespmem:s29+$0x4050]  }
0x160: {  	v4 =	vld [tilespmem:s29+$0x4030];
	v0 =	vmul.f32 $7.071067690e-01, v0  }
0x161: {  	v5 =	vld [tilespmem:s29+$0x4040];
	v1 =	vmul.f32 $7.071067690e-01, v1  }
0x162: {  	v7 =	vld [tilespmem:s29+$0x4060];
	[tilespmem:s29+$0xC0F0] =	vst v0;
	v0 =	vmul.f32 $7.071067690e-01, v2  }
0x163: {  	v8 =	vld [tilespmem:s29+$0x4070];
	[tilespmem:s29+$0xC000] =	vst v1;
	v1 =	vmul.f32 $7.071067690e-01, v3  }
0x164: {  	v2 =	vmul.f32 $7.071067690e-01, v6;
	[tilespmem:s29+$0xC010] =	vst v0  }
0x165: {  	v9 =	vld [tilespmem:s29+$0x4080];
	v0 =	vmul.f32 $7.071067690e-01, v4;
	[tilespmem:s29+$0xC020] =	vst v1  }
0x166: {  	v4 =	vld [tilespmem:s29+$0x4090];
	v1 =	vmul.f32 $7.071067690e-01, v5;
	[tilespmem:s29+$0xC050] =	vst v2  }
0x167: {  	v3 =	vmul.f32 $7.071067690e-01, v7;
	[tilespmem:s29+$0xC030] =	vst v0;
	v0 =	vld [tilespmem:s29+$0x40A0]  }
0x168: {  	v5 =	vmul.f32 $7.071067690e-01, v8;
	[tilespmem:s29+$0xC040] =	vst v1;
	v1 =	vld [tilespmem:s29+$0x40B0]  }
0x169: {  	v2 =	vld [tilespmem:s29+$0x40C0];
	[tilespmem:s29+$0xC060] =	vst v3  }
0x16a: {  	v3 =	vld [tilespmem:s29+$0x40D0];
	[tilespmem:s29+$0xC070] =	vst v5;
	v5 =	vmul.f32 $7.071067690e-01, v9  }
0x16b: {  	s31 =	simm.s32 $0x800;
	s30 =	simm.s32 $0x100;
	v6 =	vmul.f32 $7.071067690e-01, v4;
	v4 =	vld [tilespmem:s29+$0x40E0]  }
.LBB2_12:
0x16c: {  	p0 =	sne.s32 s31, $0xFC00;
	v7 =	vld [tilespmem:s30+$0x40F0];
	[tilespmem:s29+$0xC080] =	vst v5;
	v0 =	vmul.f32 $7.071067690e-01, v0  }
0x16d: {  	v5 =	vld [tilespmem:s30+$0x4000];
	[tilespmem:s29+$0xC090] =	vst v6;
	v1 =	vmul.f32 $7.071067690e-01, v1  }
0x16e: {  	v6 =	vld [tilespmem:s30+$0x4010];
	[tilespmem:s29+$0xC0A0] =	vst v0;
	v0 =	vmul.f32 $7.071067690e-01, v2  }
0x16f: {  	v2 =	vld [tilespmem:s30+$0x4020];
	[tilespmem:s29+$0xC0B0] =	vst v1;
	v1 =	vmul.f32 $7.071067690e-01, v3  }
0x170: {  	v3 =	vld [tilespmem:s30+$0x4030];
	[tilespmem:s29+$0xC0C0] =	vst v0;
	v0 =	vmul.f32 $7.071067690e-01, v4  }
0x171: {  	v4 =	vld [tilespmem:s30+$0x4040];
	v7 =	vmul.f32 $7.071067690e-01, v7;
	[tilespmem:s29+$0xC0D0] =	vst v1  }
0x172: {  	v1 =	vmul.f32 $7.071067690e-01, v5;
	v5 =	vld [tilespmem:s30+$0x4050];
	[tilespmem:s29+$0xC0E0] =	vst v0;
	s29 =	smov.u32 s30  }
0x173: {  	v0 =	vmul.f32 $7.071067690e-01, v6;
	v6 =	vld [tilespmem:s29+$0x4060];
	[tilespmem:s29+$0xC0F0] =	vst v7  }
0x174: {  	[tilespmem:s29+$0xC000] =	vst v1;
	v1 =	vmul.f32 $7.071067690e-01, v2;
	v2 =	vld [tilespmem:s29+$0x4070]  }
0x175: {  	[tilespmem:s29+$0xC010] =	vst v0;
	v0 =	vmul.f32 $7.071067690e-01, v3;
	v3 =	vld [tilespmem:s29+$0x4080]  }
0x176: {  	[tilespmem:s29+$0xC020] =	vst v1;
	v1 =	vmul.f32 $7.071067690e-01, v4;
	v4 =	vld [tilespmem:s29+$0x4090]  }
.Ltmp5:
0x177: {  	[tilespmem:s29+$0xC030] =	vst v0;
	v5 =	vmul.f32 $7.071067690e-01, v5;
	v0 =	vld [tilespmem:s29+$0x40A0];
	(pc) =	sbr.rel @p0 .LBB2_12-.Ltmp5, $4  }
0x178: {  	[tilespmem:s29+$0xC040] =	vst v1;
	v6 =	vmul.f32 $7.071067690e-01, v6;
	v1 =	vld [tilespmem:s29+$0x40B0]  }
0x179: {  	[tilespmem:s29+$0xC050] =	vst v5;
	v7 =	vmul.f32 $7.071067690e-01, v2;
	v2 =	vld [tilespmem:s29+$0x40C0]  }
0x17a: {  	[tilespmem:s29+$0xC060] =	vst v6;
	v5 =	vmul.f32 $7.071067690e-01, v3;
	v3 =	vld [tilespmem:s29+$0x40D0]  }
0x17b: {  	s30 =	sshra.s32 s31, $0x2;
	s31 =	sadd.s32 $0x400, s31;
	[tilespmem:s29+$0xC070] =	vst v7;
	v6 =	vmul.f32 $7.071067690e-01, v4;
	v4 =	vld [tilespmem:s29+$0x40E0]  }
0x17c: {  	v7 =	vld [tilespmem:s30+$0x40F0];
	[tilespmem:s29+$0xC080] =	vst v5;
	v0 =	vmul.f32 $7.071067690e-01, v0  }
0x17d: {  	v5 =	vld [tilespmem:s30+$0x4000];
	[tilespmem:s29+$0xC090] =	vst v6;
	v1 =	vmul.f32 $7.071067690e-01, v1  }
0x17e: {  	v6 =	vld [tilespmem:s30+$0x4010];
	[tilespmem:s29+$0xC0A0] =	vst v0;
	v2 =	vmul.f32 $7.071067690e-01, v2  }
0x17f: {  	v0 =	vld [tilespmem:s30+$0x4020];
	[tilespmem:s29+$0xC0B0] =	vst v1;
	v3 =	vmul.f32 $7.071067690e-01, v3  }
0x180: {  	v1 =	vld [tilespmem:s30+$0x4030];
	[tilespmem:s29+$0xC0C0] =	vst v2;
	v4 =	vmul.f32 $7.071067690e-01, v4  }
0x181: {  	v2 =	vld [tilespmem:s30+$0x4040];
	[tilespmem:s29+$0xC0D0] =	vst v3;
	v7 =	vmul.f32 $7.071067690e-01, v7  }
0x182: {  	v3 =	vld [tilespmem:s30+$0x4050];
	[tilespmem:s29+$0xC0E0] =	vst v4;
	v4 =	vmul.f32 $7.071067690e-01, v5  }
0x183: {  	v5 =	vld [tilespmem:s30+$0x4060];
	[tilespmem:s30+$0xC0F0] =	vst v7;
	v6 =	vmul.f32 $7.071067690e-01, v6  }
0x184: {  	[tilespmem:s30+$0xC000] =	vst v4;
	v4 =	vld [tilespmem:s30+$0x4070];
	v0 =	vmul.f32 $7.071067690e-01, v0  }
0x185: {  	[tilespmem:s30+$0xC010] =	vst v6;
	v6 =	vld [tilespmem:s30+$0x4080];
	v1 =	vmul.f32 $7.071067690e-01, v1  }
0x186: {  	[tilespmem:s30+$0xC020] =	vst v0;
	v0 =	vld [tilespmem:s30+$0x4090];
	v2 =	vmul.f32 $7.071067690e-01, v2  }
0x187: {  	[tilespmem:s30+$0xC030] =	vst v1;
	v1 =	vld [tilespmem:s30+$0x40A0];
	v3 =	vmul.f32 $7.071067690e-01, v3  }
0x188: {  	[tilespmem:s30+$0xC040] =	vst v2;
	v2 =	vld [tilespmem:s30+$0x40B0];
	v5 =	vmul.f32 $7.071067690e-01, v5  }
0x189: {  	[tilespmem:s30+$0xC050] =	vst v3;
	v3 =	vld [tilespmem:s30+$0x40C0];
	v4 =	vmul.f32 $7.071067690e-01, v4  }
0x18a: {  	[tilespmem:s30+$0xC060] =	vst v5;
	v5 =	vld [tilespmem:s30+$0x40D0];
	v6 =	vmul.f32 $7.071067690e-01, v6  }
0x18b: {  	[tilespmem:s30+$0xC070] =	vst v4;
	v0 =	vmul.f32 $7.071067690e-01, v0;
	v4 =	vld [tilespmem:s30+$0x40E0]  }
0x18c: {  	[tilespmem:s30+$0xC080] =	vst v6;
	v1 =	vmul.f32 $7.071067690e-01, v1  }
0x18d: {  	[tilespmem:s30+$0xC090] =	vst v0;
	v0 =	vmul.f32 $7.071067690e-01, v2  }
0x18e: {  	[tilespmem:s30+$0xC0A0] =	vst v1;
	v1 =	vmul.f32 $7.071067690e-01, v3  }
0x18f: {  	[tilespmem:s30+$0xC0B0] =	vst v0;
	v0 =	vmul.f32 $7.071067690e-01, v5  }
0x190: {  	[tilespmem:s30+$0xC0C0] =	vst v1;
	v1 =	vmul.f32 $7.071067690e-01, v4  }
0x191: {  	[tilespmem:s30+$0xC0D0] =	vst v0  }
0x192: {  	s29 =	simm.s32 $0x0;
	[tilespmem:s30+$0xC0E0] =	vst v1  }
0x193: {  	[hbm4b:s15+s29] =	stream.linear.scatter [tilespmem:s24], [sflag:$0x4], $0x4000, $0x38;
	[tilespmem:$0x10000] =	vst v63  }
0x194: {  	_ = 	snop  }
0x195: {  	[tilespmem:s20], [sflag:$0x2] =	stream.linear.gather [hbm4b:s16+s29], $0x4000, $0x38;
	[tilespmem:$0x10000] =	vst v63  }
0x196: {  	_ =	swait.ge [sflag:s21], $0x4000  }
0x197: {  	[sflag:s21] =	ssyncset.done $0x0  }
0x198: {  	[sflag:s21] =	ssyncadd.s32 $0xFFFFC000  }
0x199: {  	_ =	swait.ge [sflag:s25], $0x4000  }
0x19a: {  	[sflag:s25] =	ssyncset.done $0x0  }
0x19b: {  	s29 =	simm.s32 $0x0;
	[sflag:s25] =	ssyncadd.s32 $0xFFFFC000  }
0x19c: {  	v0 =	vld [tilespmem:s29+$0xF0]  }
0x19d: {  	v1 =	vld [tilespmem:s29+$0x0]  }
0x19e: {  	v2 =	vld [tilespmem:s29+$0x10]  }
0x19f: {  	v3 =	vld [tilespmem:s29+$0x20]  }
0x1a0: {  	v6 =	vld [tilespmem:s29+$0x50]  }
0x1a1: {  	v4 =	vld [tilespmem:s29+$0x30];
	v0 =	vmul.f32 $7.071067690e-01, v0  }
0x1a2: {  	v5 =	vld [tilespmem:s29+$0x40];
	v1 =	vmul.f32 $7.071067690e-01, v1  }
0x1a3: {  	v7 =	vld [tilespmem:s29+$0x60];
	[tilespmem:s29+$0x80F0] =	vst v0;
	v0 =	vmul.f32 $7.071067690e-01, v2  }
0x1a4: {  	v8 =	vld [tilespmem:s29+$0x70];
	[tilespmem:s29+$0x8000] =	vst v1;
	v1 =	vmul.f32 $7.071067690e-01, v3  }
0x1a5: {  	v2 =	vmul.f32 $7.071067690e-01, v6;
	[tilespmem:s29+$0x8010] =	vst v0  }
0x1a6: {  	v9 =	vld [tilespmem:s29+$0x80];
	v0 =	vmul.f32 $7.071067690e-01, v4;
	[tilespmem:s29+$0x8020] =	vst v1  }
0x1a7: {  	v4 =	vld [tilespmem:s29+$0x90];
	v1 =	vmul.f32 $7.071067690e-01, v5;
	[tilespmem:s29+$0x8050] =	vst v2  }
0x1a8: {  	v3 =	vmul.f32 $7.071067690e-01, v7;
	[tilespmem:s29+$0x8030] =	vst v0;
	v0 =	vld [tilespmem:s29+$0xA0]  }
0x1a9: {  	v5 =	vmul.f32 $7.071067690e-01, v8;
	[tilespmem:s29+$0x8040] =	vst v1;
	v1 =	vld [tilespmem:s29+$0xB0]  }
0x1aa: {  	v2 =	vld [tilespmem:s29+$0xC0];
	[tilespmem:s29+$0x8060] =	vst v3  }
0x1ab: {  	v3 =	vld [tilespmem:s29+$0xD0];
	[tilespmem:s29+$0x8070] =	vst v5;
	v5 =	vmul.f32 $7.071067690e-01, v9  }
0x1ac: {  	s31 =	simm.s32 $0x800;
	s30 =	simm.s32 $0x100;
	v6 =	vmul.f32 $7.071067690e-01, v4;
	v4 =	vld [tilespmem:s29+$0xE0]  }
.LBB2_14:
0x1ad: {  	p0 =	sne.s32 s31, $0xFC00;
	v7 =	vld [tilespmem:s30+$0xF0];
	[tilespmem:s29+$0x8080] =	vst v5;
	v0 =	vmul.f32 $7.071067690e-01, v0  }
0x1ae: {  	v5 =	vld [tilespmem:s30+$0x0];
	[tilespmem:s29+$0x8090] =	vst v6;
	v1 =	vmul.f32 $7.071067690e-01, v1  }
0x1af: {  	v6 =	vld [tilespmem:s30+$0x10];
	[tilespmem:s29+$0x80A0] =	vst v0;
	v0 =	vmul.f32 $7.071067690e-01, v2  }
0x1b0: {  	v2 =	vld [tilespmem:s30+$0x20];
	[tilespmem:s29+$0x80B0] =	vst v1;
	v1 =	vmul.f32 $7.071067690e-01, v3  }
0x1b1: {  	v3 =	vld [tilespmem:s30+$0x30];
	[tilespmem:s29+$0x80C0] =	vst v0;
	v0 =	vmul.f32 $7.071067690e-01, v4  }
0x1b2: {  	v4 =	vld [tilespmem:s30+$0x40];
	v7 =	vmul.f32 $7.071067690e-01, v7;
	[tilespmem:s29+$0x80D0] =	vst v1  }
0x1b3: {  	v1 =	vmul.f32 $7.071067690e-01, v5;
	v5 =	vld [tilespmem:s30+$0x50];
	[tilespmem:s29+$0x80E0] =	vst v0;
	s29 =	smov.u32 s30  }
0x1b4: {  	v0 =	vmul.f32 $7.071067690e-01, v6;
	v6 =	vld [tilespmem:s29+$0x60];
	[tilespmem:s29+$0x80F0] =	vst v7  }
0x1b5: {  	[tilespmem:s29+$0x8000] =	vst v1;
	v1 =	vmul.f32 $7.071067690e-01, v2;
	v2 =	vld [tilespmem:s29+$0x70]  }
0x1b6: {  	[tilespmem:s29+$0x8010] =	vst v0;
	v0 =	vmul.f32 $7.071067690e-01, v3;
	v3 =	vld [tilespmem:s29+$0x80]  }
0x1b7: {  	[tilespmem:s29+$0x8020] =	vst v1;
	v1 =	vmul.f32 $7.071067690e-01, v4;
	v4 =	vld [tilespmem:s29+$0x90]  }
.Ltmp6:
0x1b8: {  	[tilespmem:s29+$0x8030] =	vst v0;
	v5 =	vmul.f32 $7.071067690e-01, v5;
	v0 =	vld [tilespmem:s29+$0xA0];
	(pc) =	sbr.rel @p0 .LBB2_14-.Ltmp6, $4  }
0x1b9: {  	[tilespmem:s29+$0x8040] =	vst v1;
	v6 =	vmul.f32 $7.071067690e-01, v6;
	v1 =	vld [tilespmem:s29+$0xB0]  }
0x1ba: {  	[tilespmem:s29+$0x8050] =	vst v5;
	v7 =	vmul.f32 $7.071067690e-01, v2;
	v2 =	vld [tilespmem:s29+$0xC0]  }
0x1bb: {  	[tilespmem:s29+$0x8060] =	vst v6;
	v5 =	vmul.f32 $7.071067690e-01, v3;
	v3 =	vld [tilespmem:s29+$0xD0]  }
0x1bc: {  	s30 =	sshra.s32 s31, $0x2;
	s31 =	sadd.s32 $0x400, s31;
	[tilespmem:s29+$0x8070] =	vst v7;
	v6 =	vmul.f32 $7.071067690e-01, v4;
	v4 =	vld [tilespmem:s29+$0xE0]  }
0x1bd: {  	v7 =	vld [tilespmem:s30+$0xF0];
	[tilespmem:s29+$0x8080] =	vst v5;
	v0 =	vmul.f32 $7.071067690e-01, v0  }
0x1be: {  	v5 =	vld [tilespmem:s30+$0x0];
	[tilespmem:s29+$0x8090] =	vst v6;
	v1 =	vmul.f32 $7.071067690e-01, v1  }
0x1bf: {  	v6 =	vld [tilespmem:s30+$0x10];
	[tilespmem:s29+$0x80A0] =	vst v0;
	v2 =	vmul.f32 $7.071067690e-01, v2  }
0x1c0: {  	v0 =	vld [tilespmem:s30+$0x20];
	[tilespmem:s29+$0x80B0] =	vst v1;
	v3 =	vmul.f32 $7.071067690e-01, v3  }
0x1c1: {  	v1 =	vld [tilespmem:s30+$0x30];
	[tilespmem:s29+$0x80C0] =	vst v2;
	v4 =	vmul.f32 $7.071067690e-01, v4  }
0x1c2: {  	v2 =	vld [tilespmem:s30+$0x40];
	[tilespmem:s29+$0x80D0] =	vst v3;
	v7 =	vmul.f32 $7.071067690e-01, v7  }
0x1c3: {  	v3 =	vld [tilespmem:s30+$0x50];
	[tilespmem:s29+$0x80E0] =	vst v4;
	v4 =	vmul.f32 $7.071067690e-01, v5  }
0x1c4: {  	v5 =	vld [tilespmem:s30+$0x60];
	[tilespmem:s30+$0x80F0] =	vst v7;
	v6 =	vmul.f32 $7.071067690e-01, v6  }
0x1c5: {  	[tilespmem:s30+$0x8000] =	vst v4;
	v4 =	vld [tilespmem:s30+$0x70];
	v0 =	vmul.f32 $7.071067690e-01, v0  }
0x1c6: {  	[tilespmem:s30+$0x8010] =	vst v6;
	v6 =	vld [tilespmem:s30+$0x80];
	v1 =	vmul.f32 $7.071067690e-01, v1  }
0x1c7: {  	[tilespmem:s30+$0x8020] =	vst v0;
	v0 =	vld [tilespmem:s30+$0x90];
	v2 =	vmul.f32 $7.071067690e-01, v2  }
0x1c8: {  	[tilespmem:s30+$0x8030] =	vst v1;
	v1 =	vld [tilespmem:s30+$0xA0];
	v3 =	vmul.f32 $7.071067690e-01, v3  }
0x1c9: {  	[tilespmem:s30+$0x8040] =	vst v2;
	v2 =	vld [tilespmem:s30+$0xB0];
	v5 =	vmul.f32 $7.071067690e-01, v5  }
0x1ca: {  	[tilespmem:s30+$0x8050] =	vst v3;
	v3 =	vld [tilespmem:s30+$0xC0];
	v4 =	vmul.f32 $7.071067690e-01, v4  }
0x1cb: {  	[tilespmem:s30+$0x8060] =	vst v5;
	v5 =	vld [tilespmem:s30+$0xD0];
	v6 =	vmul.f32 $7.071067690e-01, v6  }
0x1cc: {  	[tilespmem:s30+$0x8070] =	vst v4;
	v0 =	vmul.f32 $7.071067690e-01, v0;
	v4 =	vld [tilespmem:s30+$0xE0]  }
0x1cd: {  	[tilespmem:s30+$0x8080] =	vst v6;
	v1 =	vmul.f32 $7.071067690e-01, v1  }
0x1ce: {  	[tilespmem:s30+$0x8090] =	vst v0;
	v0 =	vmul.f32 $7.071067690e-01, v2  }
0x1cf: {  	[tilespmem:s30+$0x80A0] =	vst v1;
	v1 =	vmul.f32 $7.071067690e-01, v3  }
0x1d0: {  	[tilespmem:s30+$0x80B0] =	vst v0;
	v0 =	vmul.f32 $7.071067690e-01, v5  }
0x1d1: {  	[tilespmem:s30+$0x80C0] =	vst v1;
	v1 =	vmul.f32 $7.071067690e-01, v4  }
0x1d2: {  	[tilespmem:s30+$0x80D0] =	vst v0  }
0x1d3: {  	s29 =	simm.s32 $0x0;
	[tilespmem:s30+$0x80E0] =	vst v1  }
0x1d4: {  	[hbm4b:s17+s29] =	stream.linear.scatter [tilespmem:s22], [sflag:$0x3], $0x4000, $0x38;
	[tilespmem:$0x10000] =	vst v63  }
0x1d5: {  	_ =	swait.ge [sflag:s23], $0x4000  }
0x1d6: {  	[sflag:s23] =	ssyncset.done $0x0  }
0x1d7: {  	[sflag:s23] =	ssyncadd.s32 $0xFFFFC000  }
0x1d8: {  	_ =	swait.ge [sflag:s26], $0x4000  }
0x1d9: {  	[sflag:s26] =	ssyncset.done $0x0  }
0x1da: {  	s29 =	simm.s32 $0x0;
	[sflag:s26] =	ssyncadd.s32 $0xFFFFC000  }
0x1db: {  	v0 =	vld [tilespmem:s29+$0x40F0]  }
0x1dc: {  	v1 =	vld [tilespmem:s29+$0x4000]  }
0x1dd: {  	v2 =	vld [tilespmem:s29+$0x4010]  }
0x1de: {  	v3 =	vld [tilespmem:s29+$0x4020]  }
0x1df: {  	v6 =	vld [tilespmem:s29+$0x4050]  }
0x1e0: {  	v4 =	vld [tilespmem:s29+$0x4030];
	v0 =	vmul.f32 $7.071067690e-01, v0  }
0x1e1: {  	v5 =	vld [tilespmem:s29+$0x4040];
	v1 =	vmul.f32 $7.071067690e-01, v1  }
0x1e2: {  	v7 =	vld [tilespmem:s29+$0x4060];
	[tilespmem:s29+$0xC0F0] =	vst v0;
	v0 =	vmul.f32 $7.071067690e-01, v2  }
0x1e3: {  	v8 =	vld [tilespmem:s29+$0x4070];
	[tilespmem:s29+$0xC000] =	vst v1;
	v1 =	vmul.f32 $7.071067690e-01, v3  }
0x1e4: {  	v2 =	vmul.f32 $7.071067690e-01, v6;
	[tilespmem:s29+$0xC010] =	vst v0  }
0x1e5: {  	v9 =	vld [tilespmem:s29+$0x4080];
	v0 =	vmul.f32 $7.071067690e-01, v4;
	[tilespmem:s29+$0xC020] =	vst v1  }
0x1e6: {  	v4 =	vld [tilespmem:s29+$0x4090];
	v1 =	vmul.f32 $7.071067690e-01, v5;
	[tilespmem:s29+$0xC050] =	vst v2  }
0x1e7: {  	v3 =	vmul.f32 $7.071067690e-01, v7;
	[tilespmem:s29+$0xC030] =	vst v0;
	v0 =	vld [tilespmem:s29+$0x40A0]  }
0x1e8: {  	v5 =	vmul.f32 $7.071067690e-01, v8;
	[tilespmem:s29+$0xC040] =	vst v1;
	v1 =	vld [tilespmem:s29+$0x40B0]  }
0x1e9: {  	v2 =	vld [tilespmem:s29+$0x40C0];
	[tilespmem:s29+$0xC060] =	vst v3  }
0x1ea: {  	v3 =	vld [tilespmem:s29+$0x40D0];
	[tilespmem:s29+$0xC070] =	vst v5;
	v5 =	vmul.f32 $7.071067690e-01, v9  }
0x1eb: {  	s31 =	simm.s32 $0x800;
	s30 =	simm.s32 $0x100;
	v6 =	vmul.f32 $7.071067690e-01, v4;
	v4 =	vld [tilespmem:s29+$0x40E0]  }
.LBB2_16:
0x1ec: {  	p0 =	sne.s32 s31, $0xFC00;
	v7 =	vld [tilespmem:s30+$0x40F0];
	[tilespmem:s29+$0xC080] =	vst v5;
	v0 =	vmul.f32 $7.071067690e-01, v0  }
0x1ed: {  	v5 =	vld [tilespmem:s30+$0x4000];
	[tilespmem:s29+$0xC090] =	vst v6;
	v1 =	vmul.f32 $7.071067690e-01, v1  }
0x1ee: {  	v6 =	vld [tilespmem:s30+$0x4010];
	[tilespmem:s29+$0xC0A0] =	vst v0;
	v0 =	vmul.f32 $7.071067690e-01, v2  }
0x1ef: {  	v2 =	vld [tilespmem:s30+$0x4020];
	[tilespmem:s29+$0xC0B0] =	vst v1;
	v1 =	vmul.f32 $7.071067690e-01, v3  }
0x1f0: {  	v3 =	vld [tilespmem:s30+$0x4030];
	[tilespmem:s29+$0xC0C0] =	vst v0;
	v0 =	vmul.f32 $7.071067690e-01, v4  }
0x1f1: {  	v4 =	vld [tilespmem:s30+$0x4040];
	v7 =	vmul.f32 $7.071067690e-01, v7;
	[tilespmem:s29+$0xC0D0] =	vst v1  }
0x1f2: {  	v1 =	vmul.f32 $7.071067690e-01, v5;
	v5 =	vld [tilespmem:s30+$0x4050];
	[tilespmem:s29+$0xC0E0] =	vst v0;
	s29 =	smov.u32 s30  }
0x1f3: {  	v0 =	vmul.f32 $7.071067690e-01, v6;
	v6 =	vld [tilespmem:s29+$0x4060];
	[tilespmem:s29+$0xC0F0] =	vst v7  }
0x1f4: {  	[tilespmem:s29+$0xC000] =	vst v1;
	v1 =	vmul.f32 $7.071067690e-01, v2;
	v2 =	vld [tilespmem:s29+$0x4070]  }
0x1f5: {  	[tilespmem:s29+$0xC010] =	vst v0;
	v0 =	vmul.f32 $7.071067690e-01, v3;
	v3 =	vld [tilespmem:s29+$0x4080]  }
0x1f6: {  	[tilespmem:s29+$0xC020] =	vst v1;
	v1 =	vmul.f32 $7.071067690e-01, v4;
	v4 =	vld [tilespmem:s29+$0x4090]  }
.Ltmp7:
0x1f7: {  	[tilespmem:s29+$0xC030] =	vst v0;
	v5 =	vmul.f32 $7.071067690e-01, v5;
	v0 =	vld [tilespmem:s29+$0x40A0];
	(pc) =	sbr.rel @p0 .LBB2_16-.Ltmp7, $4  }
0x1f8: {  	[tilespmem:s29+$0xC040] =	vst v1;
	v6 =	vmul.f32 $7.071067690e-01, v6;
	v1 =	vld [tilespmem:s29+$0x40B0]  }
0x1f9: {  	[tilespmem:s29+$0xC050] =	vst v5;
	v7 =	vmul.f32 $7.071067690e-01, v2;
	v2 =	vld [tilespmem:s29+$0x40C0]  }
0x1fa: {  	[tilespmem:s29+$0xC060] =	vst v6;
	v5 =	vmul.f32 $7.071067690e-01, v3;
	v3 =	vld [tilespmem:s29+$0x40D0]  }
0x1fb: {  	s30 =	sshra.s32 s31, $0x2;
	s31 =	sadd.s32 $0x400, s31;
	[tilespmem:s29+$0xC070] =	vst v7;
	v6 =	vmul.f32 $7.071067690e-01, v4;
	v4 =	vld [tilespmem:s29+$0x40E0]  }
0x1fc: {  	v7 =	vld [tilespmem:s30+$0x40F0];
	[tilespmem:s29+$0xC080] =	vst v5;
	v0 =	vmul.f32 $7.071067690e-01, v0  }
0x1fd: {  	v5 =	vld [tilespmem:s30+$0x4000];
	[tilespmem:s29+$0xC090] =	vst v6;
	v1 =	vmul.f32 $7.071067690e-01, v1  }
0x1fe: {  	v6 =	vld [tilespmem:s30+$0x4010];
	[tilespmem:s29+$0xC0A0] =	vst v0;
	v2 =	vmul.f32 $7.071067690e-01, v2  }
0x1ff: {  	v0 =	vld [tilespmem:s30+$0x4020];
	[tilespmem:s29+$0xC0B0] =	vst v1;
	v3 =	vmul.f32 $7.071067690e-01, v3  }
0x200: {  	v1 =	vld [tilespmem:s30+$0x4030];
	[tilespmem:s29+$0xC0C0] =	vst v2;
	v4 =	vmul.f32 $7.071067690e-01, v4  }
0x201: {  	v2 =	vld [tilespmem:s30+$0x4040];
	[tilespmem:s29+$0xC0D0] =	vst v3;
	v7 =	vmul.f32 $7.071067690e-01, v7  }
0x202: {  	v3 =	vld [tilespmem:s30+$0x4050];
	[tilespmem:s29+$0xC0E0] =	vst v4;
	v50 =	vmul.f32 $7.071067690e-01, v5  }
0x203: {  	v51 =	vld [tilespmem:s30+$0x4060];
	[tilespmem:s30+$0xC0F0] =	vst v7;
	v6 =	vmul.f32 $7.071067690e-01, v6  }
0x204: {  	v52 =	vld [tilespmem:s30+$0x4070];
	[tilespmem:s30+$0xC000] =	vst v50;
	v0 =	vmul.f32 $7.071067690e-01, v0  }
0x205: {  	v53 =	vld [tilespmem:s30+$0x4080];
	[tilespmem:s30+$0xC010] =	vst v6;
	v1 =	vmul.f32 $7.071067690e-01, v1  }
0x206: {  	v54 =	vld [tilespmem:s30+$0x4090];
	[tilespmem:s30+$0xC020] =	vst v0;
	v2 =	vmul.f32 $7.071067690e-01, v2  }
0x207: {  	v55 =	vld [tilespmem:s30+$0x40A0];
	[tilespmem:s30+$0xC030] =	vst v1;
	v3 =	vmul.f32 $7.071067690e-01, v3  }
0x208: {  	v56 =	vld [tilespmem:s30+$0x40B0];
	[tilespmem:s30+$0xC040] =	vst v2;
	v5 =	vmul.f32 $7.071067690e-01, v51  }
0x209: {  	v57 =	vld [tilespmem:s30+$0x40C0];
	v4 =	vmul.f32 $7.071067690e-01, v52;
	[tilespmem:s30+$0xC050] =	vst v3  }
0x20a: {  	v58 =	vld [tilespmem:s30+$0x40D0];
	v6 =	vmul.f32 $7.071067690e-01, v53;
	[tilespmem:s30+$0xC060] =	vst v5  }
0x20b: {  	v59 =	vld [tilespmem:s30+$0x40E0];
	v0 =	vmul.f32 $7.071067690e-01, v54;
	[tilespmem:s30+$0xC070] =	vst v4  }
0x20c: {  	v1 =	vmul.f32 $7.071067690e-01, v55;
	[tilespmem:s30+$0xC080] =	vst v6  }
0x20d: {  	v60 =	vmul.f32 $7.071067690e-01, v56;
	[tilespmem:s30+$0xC090] =	vst v0  }
0x20e: {  	v61 =	vmul.f32 $7.071067690e-01, v57;
	[tilespmem:s30+$0xC0A0] =	vst v1  }
0x20f: {  	v62 =	vmul.f32 $7.071067690e-01, v58;
	[tilespmem:s30+$0xC0B0] =	vst v60  }
0x210: {  	v63 =	vmul.f32 $7.071067690e-01, v59;
	[tilespmem:s30+$0xC0C0] =	vst v61  }
0x211: {  	[tilespmem:s30+$0xC0D0] =	vst v62  }
0x212: {  	s28 =	sadd.s32 $0x1, s28;
	[tilespmem:s30+$0xC0E0] =	vst v63  }
0x213: {  	[hbm4b:s18+s2] =	stream.linear.scatter [tilespmem:s24], [sflag:$0x4], $0x4000, $0x38;
	[tilespmem:$0x10000] =	vst v63  }
0x214: {  	p0 =	sne.s32 s28, s19;
	_ =	swait.ge [sflag:s25], $0x4000  }
.Ltmp8:
0x215: {  	[sflag:s25] =	ssyncset.done $0x0;
	(pc) =	sbr.rel @p0 .LBB2_1-.Ltmp8, $4  }
0x216: {  	[sflag:s25] =	ssyncadd.s32 $0xFFFFC000  }
0x217: {  	_ =	swait.ge [sflag:s26], $0x4000  }
0x218: {  	[sflag:s26] =	ssyncset.done $0x0  }
0x219: {  	[sflag:s26] =	ssyncadd.s32 $0xFFFFC000  }
0x21a: {  	_ =	sfence.sel $0x180000  }
0x21b: {  	[bflag:$0x0] =	sbarrier.arrive $0xFFFF  }
0x21c: {  	p0 =	sne.s32 s1, $0x0;
	_ =	strace $0x90000047  }
0x21d: {  	s0 =	sadd.s32 @!p0 $0x100000, s0;
	[bflag:$0x2] =	sbarrier.arrive $0xFFFF  }
0x21e: {  	[sflag:s0] =	ssyncadd.tile.s32 @!p0 $0x1;
	_ =	shalt  }
.Lfunc_end2:
_tile_overlayer_lowered:
.L_overlay_start_2:
0x21f: {  	(tag) =	ssettag $0x2  }
0x220: {  	s0 =	rddreg [dreg:$0x0];
	s2 =	stileid.u32  }
0x221: {  	s1 =	rddreg [dreg:$0x1];
	p0 =	sne.s32 s2, $0x0  }
0x222: {  	s3 =	rddreg [dreg:$0x2];
	[bflag:$0x3] =	sbarrier.arrive $0xFFFF;
	s2 =	simm.s32 @!p0 $0x1C05  }
0x223: {  	[timem:s3], [sflag:s2] =	dma.local @!p0 [hbm:s0], s1  }
0x224: {  	s0 =	simm.s32 @!p0 $0x5  }
0x225: {  	_ =	swait.ge @!p0 [sflag:s0], s1  }
0x226: {  	s1 =	ssub.s32 @!p0 $0x0, s1;
	[sflag:s0] =	ssyncset.done @!p0 $0x0  }
0x227: {  	[sflag:s0] =	ssyncadd.s32 @!p0 s1  }
0x228: {  	[bflag:$0x3] =	sbarrier.arrive $0xFFFF  }
0x229: {  	_ =	shalt  }

</sc_bundles>
